<compile_context>
chip_gen: v7x
topology: tpu7x:2x2x1
jax: 0.10.2.dev20260603
libtpu: 0.0.44.dev20260713+nightly
codegen_flags: <defaults>
</compile_context>

<pallas_src>
import functools

import jax
import jax.numpy as jnp
from jax import lax
from jax.experimental import pallas as pl
from jax.experimental.pallas import tpu as pltpu
from jax.experimental.pallas import tpu_sc as plsc

_NUM_SENT = 4
_NUM_SPANS = 5000
_MAX_LEN = 2048
_K_OUT = 1000
_NPAD = 5120
_NV = _NPAD // 16
_SL = _MAX_LEN + 32
_SEL0 = _SL
_COMB = _SL + 1024 + 16
_PACK_INIT = _MAX_LEN
_FNV = 1024 // 16

_i32 = jnp.int32


def _zero_cnt(cnt):
    def zero(j, c):
        cnt[pl.ds(j * 16, 16)] = jnp.zeros((16,), _i32)
        return c

    lax.fori_loop(0, 64, zero, 0)


def _radix_pass(src_k, src_v, dst_k, dst_v, cnt, offs, p, nv):
    shift = 8 * p

    def prefix(j, carry):
        v = cnt[pl.ds(p * 256 + j * 16, 16)]
        s = plsc.cumsum(v)
        offs[pl.ds(j * 16, 16)] = s - v + carry
        return carry + jnp.sum(v)

    lax.fori_loop(0, 16, prefix, jnp.zeros((), _i32))

    def permute(j, c):
        k = src_k[pl.ds(j * 16, 16)]
        v = src_v[pl.ds(j * 16, 16)]
        d = lax.shift_right_logical(k, shift) & 255
        occ, last = plsc.scan_count(d)
        base = plsc.load_gather(offs, [d])
        pos = base + occ - 1
        plsc.store_scatter(dst_k, [pos], k)
        plsc.store_scatter(dst_v, [pos], v)
        plsc.addupdate_scatter(offs, [d], occ, mask=last)
        if p < 3:
            dn = lax.shift_right_logical(k, shift + 8) & 255
            occn, lastn = plsc.scan_count(dn)
            plsc.addupdate_scatter(cnt, [dn + (p + 1) * 256], occn, mask=lastn)
        return c

    lax.fori_loop(0, nv, permute, 0)


def _body(sc_hbm, st_hbm, en_hbm, out_hbm,
          sc_v, st_v, en_v, ka, kb, va, vb, cnt, offs, comb,
          fka, fkb, fva, fvb, outv, sb_i, sb_s, sb_e):
    cid = lax.axis_index("c")
    sid = lax.axis_index("s")
    wid = sid * 2 + cid

    @pl.when(wid < _NUM_SENT)
    def _work():
        iota16 = lax.iota(_i32, 16)
        b = wid

        pltpu.sync_copy(sc_hbm.at[b], sc_v)
        pltpu.sync_copy(st_hbm.at[b], st_v)
        pltpu.sync_copy(en_hbm.at[b], en_v)

        _zero_cnt(cnt)

        def keys(j, c):
            idx = j * 16 + iota16
            u = lax.bitcast_convert_type(sc_v[pl.ds(j * 16, 16)], _i32)
            asc = jnp.where(u < 0, ~u, u | _i32(-(2 ** 31)))
            pad = idx >= _NUM_SPANS
            k = jnp.where(pad, _i32(-1), ~asc)
            ka[pl.ds(j * 16, 16)] = k
            va[pl.ds(j * 16, 16)] = jnp.where(pad, _i32(0), idx)
            d0 = k & 255
            occ, last = plsc.scan_count(d0)
            plsc.addupdate_scatter(cnt, [d0], occ, mask=last)
            return c

        lax.fori_loop(0, _NV, keys, 0)

        _radix_pass(ka, va, kb, vb, cnt, offs, 0, _NV)
        _radix_pass(kb, vb, ka, va, cnt, offs, 1, _NV)
        _radix_pass(ka, va, kb, vb, cnt, offs, 2, _NV)
        _radix_pass(kb, vb, ka, va, cnt, offs, 3, _NV)

        def init(j, c):
            comb[pl.ds(j * 16, 16)] = jnp.full((16,), _PACK_INIT, _i32)
            return c

        lax.fori_loop(0, _SL // 16, init, 0)

        def initsel(j, c):
            comb[pl.ds(_SEL0 + j * 16, 16)] = jnp.zeros((16,), _i32)
            return c

        lax.fori_loop(0, (1024 + 16) // 16, initsel, 0)

        def fix_one(t, carry):
            sel, cntb, sacc, eacc = carry
            s = sb_s[pl.ds(t, 16)][0]
            e = sb_e[pl.ds(t, 16)][0]
            i = sb_i[pl.ds(t, 16)][0]
            cb = (((s < sacc) & (sacc <= e) & (e < eacc)) |
                  ((sacc < s) & (s <= eacc) & (eacc < e)))
            ncross = plsc.all_reduce_population_count(cb)[0]
            take = jnp.logical_and(ncross == 0, sel < _K_OUT)
            idxv = jnp.where(iota16 == 0, s,
                             jnp.where(iota16 == 1, e, _SEL0 + sel))
            old = plsc.load_gather(comb, [idxv])
            hi_old = lax.shift_right_logical(old, 12)
            lo_old = old & 4095
            himax = jnp.maximum(hi_old, e + 1)
            lomin = jnp.minimum(lo_old, s)
            v0 = (himax << 12) | jnp.where(s == e, lomin, lo_old)
            v1 = (hi_old << 12) | lomin
            valv = jnp.where(iota16 == 0, v0,
                             jnp.where(iota16 == 1, v1, i))
            m = (iota16 < 3) & take & jnp.logical_not((iota16 == 1) & (s == e))
            plsc.store_scatter(comb, [idxv], valv, mask=m)
            ins = (iota16 == cntb) & take
            return (sel + take.astype(_i32), cntb + take.astype(_i32),
                    jnp.where(ins, s, sacc), jnp.where(ins, e, eacc))

        def batch(bi, sel):
            base = bi * 16
            iv = va[pl.ds(base, 16)]
            sv = plsc.load_gather(st_v, [iv])
            ev = plsc.load_gather(en_v, [iv])
            wv = ev - sv
            ev1 = ev + 1
            cross = (base + iota16) >= _NUM_SPANS
            for k in range(30):
                g = plsc.load_gather(comb, [sv + k])
                hi = lax.shift_right_logical(g, 12)
                lo = g & 4095
                if k == 0:
                    ck = (wv > 0) & (lo < sv)
                else:
                    ck = (wv >= k) & ((hi > ev1) | ((wv > k) & (lo < sv)))
                cross = cross | ck
            surv = jnp.logical_not(cross)
            plsc.store_compressed(sb_i.at[pl.ds(0, 16)], iv, mask=surv)
            plsc.store_compressed(sb_s.at[pl.ds(0, 16)], sv, mask=surv)
            plsc.store_compressed(sb_e.at[pl.ds(0, 16)], ev, mask=surv)
            nsurv = plsc.all_reduce_population_count(surv)[0]
            neutral = jnp.full((16,), -5, _i32)
            out = lax.fori_loop(0, nsurv, fix_one,
                                (sel, jnp.zeros((), _i32), neutral, neutral))
            return out[0]

        sel = lax.fori_loop(0, (_NUM_SPANS + 15) // 16, batch,
                            jnp.zeros((), _i32))

        _zero_cnt(cnt)

        def fkeys(j, c):
            kidx = j * 16 + iota16
            si = plsc.load_gather(comb, [_SEL0 + kidx])
            ss = plsc.load_gather(st_v, [si])
            se = plsc.load_gather(en_v, [si])
            key = (ss * _MAX_LEN + se) * 1024 + kidx
            k = jnp.where(kidx < sel, key, _i32(-1))
            fka[pl.ds(j * 16, 16)] = k
            fva[pl.ds(j * 16, 16)] = si
            d0 = k & 255
            occ, last = plsc.scan_count(d0)
            plsc.addupdate_scatter(cnt, [d0], occ, mask=last)
            return c

        lax.fori_loop(0, _FNV, fkeys, 0)

        _radix_pass(fka, fva, fkb, fvb, cnt, offs, 0, _FNV)
        _radix_pass(fkb, fvb, fka, fva, cnt, offs, 1, _FNV)
        _radix_pass(fka, fva, fkb, fvb, cnt, offs, 2, _FNV)
        _radix_pass(fkb, fvb, fka, fva, cnt, offs, 3, _FNV)

        first = fva[pl.ds(0, 16)][0]

        def fill(j, c):
            kidx = j * 16 + iota16
            v = fva[pl.ds(j * 16, 16)]
            outv[pl.ds(j * 16, 16)] = jnp.where(kidx < sel, v, first)
            return c

        lax.fori_loop(0, _FNV, fill, 0)
        pltpu.sync_copy(outv, out_hbm.at[b])


@functools.partial(jax.jit, static_argnums=())
def _impl(span_scores, st32, en32):
    mesh = plsc.VectorSubcoreMesh(core_axis_name="c", subcore_axis_name="s")
    f = pl.kernel(
        _body,
        out_type=jax.ShapeDtypeStruct((_NUM_SENT, 1024), _i32),
        mesh=mesh,
        compiler_params=pltpu.CompilerParams(needs_layout_passes=False),
        scratch_types=[
            pltpu.VMEM((_NPAD,), jnp.float32),
            pltpu.VMEM((_NPAD,), _i32),
            pltpu.VMEM((_NPAD,), _i32),
            pltpu.VMEM((_NPAD,), _i32),
            pltpu.VMEM((_NPAD,), _i32),
            pltpu.VMEM((_NPAD,), _i32),
            pltpu.VMEM((_NPAD,), _i32),
            pltpu.VMEM((1024,), _i32),
            pltpu.VMEM((256,), _i32),
            pltpu.VMEM((_COMB,), _i32),
            pltpu.VMEM((1024,), _i32),
            pltpu.VMEM((1024,), _i32),
            pltpu.VMEM((1024,), _i32),
            pltpu.VMEM((1024,), _i32),
            pltpu.VMEM((1024,), _i32),
            pltpu.VMEM((32,), _i32),
            pltpu.VMEM((32,), _i32),
            pltpu.VMEM((32,), _i32),
        ],
    )
    return f(span_scores, st32, en32)


def kernel(span_scores, candidate_starts, candidate_ends,
           num_output_spans, max_sentence_length):
    del num_output_spans, max_sentence_length
    pad = ((0, 0), (0, _NPAD - _NUM_SPANS))
    sc = jnp.pad(span_scores, pad)
    st32 = jnp.pad(candidate_starts.astype(_i32), pad)
    en32 = jnp.pad(candidate_ends.astype(_i32), pad)
    return _impl(sc, st32, en32)[:, :_K_OUT]

# --- scband reference (transcript-rebuilt; emitter-appended) ---
"""Pipeline reference for scband-span-bertcoref-model-14955076125127 (READ-ONLY COPY).

The authoritative reference and input builder live on the scoring server;
editing this copy changes nothing except your own understanding.
"""

import jax, jax.numpy as jnp
import numpy as np

NUM_SENT = 4
NUM_SPANS = 5000
MAX_LEN = 2048
MAX_WIDTH = 30
K_OUT = 1000


def setup_inputs(seed: int = 0) -> dict:
    key = jax.random.key(seed)
    k1, k2, k3 = jax.random.split(key, 3)
    span_scores = jax.random.normal(k1, (NUM_SENT, NUM_SPANS), dtype=jnp.float32)
    candidate_starts = jax.random.randint(k2, (NUM_SENT, NUM_SPANS), 0, MAX_LEN - MAX_WIDTH).astype(jnp.int64)
    widths = jax.random.randint(k3, (NUM_SENT, NUM_SPANS), 0, MAX_WIDTH).astype(jnp.int64)
    candidate_ends = jnp.clip(candidate_starts + widths, 0, MAX_LEN - 1)
    return {
        'span_scores': span_scores,
        'candidate_starts': candidate_starts,
        'candidate_ends': candidate_ends,
        'num_output_spans': K_OUT,
        'max_sentence_length': MAX_LEN,
    }


def _extract_spans(scores, starts, ends, num_output_spans, max_sentence_length, sort_spans=True):
    N = scores.shape[1]
    offs = jnp.arange(MAX_WIDTH)
    msl = jnp.asarray(max_sentence_length, dtype=jnp.int32)
    kcap = jnp.asarray(num_output_spans, dtype=jnp.int32)

    def one(sc, st, en):
        st32 = st.astype(jnp.int32)
        en32 = en.astype(jnp.int32)
        order = jnp.argsort(-sc)
        s2l0 = jnp.full((MAX_LEN,), -1, dtype=jnp.int32)
        e2s0 = jnp.full((MAX_LEN,), msl, dtype=jnp.int32)
        selected0 = jnp.zeros((K_OUT,), dtype=jnp.int32)
        sel0 = jnp.int32(0)

        def body(ci, carry):
            s2l, e2s, selected, sel = carry
            i = order[ci].astype(jnp.int32)
            s = st32[i]
            e = en32[i]
            js = s + offs
            inrange = js <= e
            cond1 = (js > s) & (s2l[js] > e)
            cond2 = (js < e) & (e2s[js] < s)
            crossing = jnp.any(inrange & (cond1 | cond2))
            take = jnp.logical_and(jnp.logical_not(crossing), sel < kcap)
            selected = jnp.where(take, selected.at[sel].set(i), selected)
            s2l = jnp.where(take, s2l.at[s].max(e), s2l)
            e2s = jnp.where(take, e2s.at[e].min(s), e2s)
            sel = sel + take.astype(jnp.int32)
            return s2l, e2s, selected, sel

        s2l, e2s, selected, sel = jax.lax.fori_loop(0, N, body, (s2l0, e2s0, selected0, sel0))

        idx = jnp.arange(K_OUT)
        valid = idx < sel
        if sort_spans:
            keys = st32[selected] * msl + en32[selected]
            keys = jnp.where(valid, keys, msl * msl)
            ordered = selected[jnp.argsort(keys)]
        else:
            ordered = selected
        return jnp.where(valid, ordered, ordered[0])

    return jax.vmap(one)(scores, starts, ends)


def reference(span_scores, candidate_starts, candidate_ends, num_output_spans, max_sentence_length):
    out = _extract_spans(span_scores, candidate_starts, candidate_ends, num_output_spans, max_sentence_length, sort_spans=True)
    return jnp.asarray(out, dtype=jnp.int32)

if __name__ == "__main__":
    import jax
    _d = setup_inputs()
    print(jax.jit(kernel)(*tuple(_d.values())))

</pallas_src>

<mosaic_0001>
#map = affine_map<(d0, d1) -> (0, 0)>
module attributes {stable_mosaic.version = 14 : i64} {
  func.func @_body(%arg0: i32, %arg1: i32, %arg2: memref<4x5120xf32, #tpu.memory_space<hbm>>, %arg3: memref<4x5120xi32, #tpu.memory_space<hbm>>, %arg4: memref<4x5120xi32, #tpu.memory_space<hbm>>, %arg5: memref<4x1024xi32, #tpu.memory_space<hbm>>, %arg6: memref<5120xf32, #tpu.memory_space<vmem>>, %arg7: memref<5120xi32, #tpu.memory_space<vmem>>, %arg8: memref<5120xi32, #tpu.memory_space<vmem>>, %arg9: memref<5120xi32, #tpu.memory_space<vmem>>, %arg10: memref<5120xi32, #tpu.memory_space<vmem>>, %arg11: memref<5120xi32, #tpu.memory_space<vmem>>, %arg12: memref<5120xi32, #tpu.memory_space<vmem>>, %arg13: memref<1024xi32, #tpu.memory_space<vmem>>, %arg14: memref<256xi32, #tpu.memory_space<vmem>>, %arg15: memref<3120xi32, #tpu.memory_space<vmem>>, %arg16: memref<1024xi32, #tpu.memory_space<vmem>>, %arg17: memref<1024xi32, #tpu.memory_space<vmem>>, %arg18: memref<1024xi32, #tpu.memory_space<vmem>>, %arg19: memref<1024xi32, #tpu.memory_space<vmem>>, %arg20: memref<1024xi32, #tpu.memory_space<vmem>>, %arg21: memref<32xi32, #tpu.memory_space<vmem>>, %arg22: memref<32xi32, #tpu.memory_space<vmem>>, %arg23: memref<32xi32, #tpu.memory_space<vmem>>) attributes {dimension_semantics = [#tpu.dimension_semantics<core_parallel>, #tpu.dimension_semantics<subcore_parallel>], iteration_bounds = array<i64: 2, 16>, scalar_prefetch = 0 : i64, scratch_operands = 18 : i64, tpu.core_type = #tpu.core_type<sc_vector_subcore>, window_params = [{transform_indices = #map}, {transform_indices = #map}, {transform_indices = #map}, {transform_indices = #map}]} {
    %mul3A = arith.constant 2 : i32
    %mul3A_0 = arith.muli %arg1, %mul3A : i32
    %add3A = arith.addi %mul3A_0, %arg0 : i32
    %lt3A = arith.constant 4 : i32
    %lt3A_1 = arith.cmpi slt, %add3A, %lt3A : i32
    %convert_element_type3A = arith.extui %lt3A_1 : i1 to i32
    %cond3A = arith.constant 0 : i32
    %cond3A_2 = arith.cmpi ne, %convert_element_type3A, %cond3A : i32
    scf.if %cond3A_2 {
      %iota3A = tpu.iota {dimensions = array<i32: 0>} : vector<16xi32>
      "tpu.region"() ({
        %run_scoped3A = tpu.sem_alloc : memref<!tpu.dma_semaphore, #tpu.memory_space<semaphore_mem>>
        %dma_start3A = arith.constant 0 : i32
        %dma_start3A_156 = tpu.memref_slice %arg2[%add3A, %dma_start3A] : memref<4x5120xf32, #tpu.memory_space<hbm>> -> memref<1x5120xf32, #tpu.memory_space<hbm>>
        %dma_start3A_157 = tpu.memref_squeeze %dma_start3A_156 : memref<1x5120xf32, #tpu.memory_space<hbm>> -> memref<5120xf32, #tpu.memory_space<hbm>>
        %dma_start3A_158 = arith.constant 0 : i32
        %dma_start3A_159 = tpu.memref_slice %arg2[%add3A, %dma_start3A_158] : memref<4x5120xf32, #tpu.memory_space<hbm>> -> memref<1x5120xf32, #tpu.memory_space<hbm>>
        %dma_start3A_160 = tpu.memref_squeeze %dma_start3A_159 : memref<1x5120xf32, #tpu.memory_space<hbm>> -> memref<5120xf32, #tpu.memory_space<hbm>>
        tpu.enqueue_dma source(%dma_start3A_160 : memref<5120xf32, #tpu.memory_space<hbm>>) target(%arg6 : memref<5120xf32, #tpu.memory_space<vmem>>) target_semaphore(%run_scoped3A : memref<!tpu.dma_semaphore, #tpu.memory_space<semaphore_mem>>)
        %dma_wait3A = arith.constant 0 : i32
        %dma_wait3A_161 = tpu.memref_slice %arg2[%add3A, %dma_wait3A] : memref<4x5120xf32, #tpu.memory_space<hbm>> -> memref<1x5120xf32, #tpu.memory_space<hbm>>
        %dma_wait3A_162 = tpu.memref_squeeze %dma_wait3A_161 : memref<1x5120xf32, #tpu.memory_space<hbm>> -> memref<5120xf32, #tpu.memory_space<hbm>>
        %dma_wait3A_163 = arith.constant 0 : i32
        %dma_wait3A_164 = tpu.memref_slice %arg2[%add3A, %dma_wait3A_163] : memref<4x5120xf32, #tpu.memory_space<hbm>> -> memref<1x5120xf32, #tpu.memory_space<hbm>>
        %dma_wait3A_165 = tpu.memref_squeeze %dma_wait3A_164 : memref<1x5120xf32, #tpu.memory_space<hbm>> -> memref<5120xf32, #tpu.memory_space<hbm>>
        tpu.wait_dma2 semaphore(%run_scoped3A : memref<!tpu.dma_semaphore, #tpu.memory_space<semaphore_mem>>) src(%dma_wait3A_165 : memref<5120xf32, #tpu.memory_space<hbm>>) dst(%arg6 : memref<5120xf32, #tpu.memory_space<vmem>>)
        tpu.yield
      }) : () -> ()
      "tpu.region"() ({
        %run_scoped3A = tpu.sem_alloc : memref<!tpu.dma_semaphore, #tpu.memory_space<semaphore_mem>>
        %dma_start3A = arith.constant 0 : i32
        %dma_start3A_156 = tpu.memref_slice %arg3[%add3A, %dma_start3A] : memref<4x5120xi32, #tpu.memory_space<hbm>> -> memref<1x5120xi32, #tpu.memory_space<hbm>>
        %dma_start3A_157 = tpu.memref_squeeze %dma_start3A_156 : memref<1x5120xi32, #tpu.memory_space<hbm>> -> memref<5120xi32, #tpu.memory_space<hbm>>
        %dma_start3A_158 = arith.constant 0 : i32
        %dma_start3A_159 = tpu.memref_slice %arg3[%add3A, %dma_start3A_158] : memref<4x5120xi32, #tpu.memory_space<hbm>> -> memref<1x5120xi32, #tpu.memory_space<hbm>>
        %dma_start3A_160 = tpu.memref_squeeze %dma_start3A_159 : memref<1x5120xi32, #tpu.memory_space<hbm>> -> memref<5120xi32, #tpu.memory_space<hbm>>
        tpu.enqueue_dma source(%dma_start3A_160 : memref<5120xi32, #tpu.memory_space<hbm>>) target(%arg7 : memref<5120xi32, #tpu.memory_space<vmem>>) target_semaphore(%run_scoped3A : memref<!tpu.dma_semaphore, #tpu.memory_space<semaphore_mem>>)
        %dma_wait3A = arith.constant 0 : i32
        %dma_wait3A_161 = tpu.memref_slice %arg3[%add3A, %dma_wait3A] : memref<4x5120xi32, #tpu.memory_space<hbm>> -> memref<1x5120xi32, #tpu.memory_space<hbm>>
        %dma_wait3A_162 = tpu.memref_squeeze %dma_wait3A_161 : memref<1x5120xi32, #tpu.memory_space<hbm>> -> memref<5120xi32, #tpu.memory_space<hbm>>
        %dma_wait3A_163 = arith.constant 0 : i32
        %dma_wait3A_164 = tpu.memref_slice %arg3[%add3A, %dma_wait3A_163] : memref<4x5120xi32, #tpu.memory_space<hbm>> -> memref<1x5120xi32, #tpu.memory_space<hbm>>
        %dma_wait3A_165 = tpu.memref_squeeze %dma_wait3A_164 : memref<1x5120xi32, #tpu.memory_space<hbm>> -> memref<5120xi32, #tpu.memory_space<hbm>>
        tpu.wait_dma2 semaphore(%run_scoped3A : memref<!tpu.dma_semaphore, #tpu.memory_space<semaphore_mem>>) src(%dma_wait3A_165 : memref<5120xi32, #tpu.memory_space<hbm>>) dst(%arg7 : memref<5120xi32, #tpu.memory_space<vmem>>)
        tpu.yield
      }) : () -> ()
      "tpu.region"() ({
        %run_scoped3A = tpu.sem_alloc : memref<!tpu.dma_semaphore, #tpu.memory_space<semaphore_mem>>
        %dma_start3A = arith.constant 0 : i32
        %dma_start3A_156 = tpu.memref_slice %arg4[%add3A, %dma_start3A] : memref<4x5120xi32, #tpu.memory_space<hbm>> -> memref<1x5120xi32, #tpu.memory_space<hbm>>
        %dma_start3A_157 = tpu.memref_squeeze %dma_start3A_156 : memref<1x5120xi32, #tpu.memory_space<hbm>> -> memref<5120xi32, #tpu.memory_space<hbm>>
        %dma_start3A_158 = arith.constant 0 : i32
        %dma_start3A_159 = tpu.memref_slice %arg4[%add3A, %dma_start3A_158] : memref<4x5120xi32, #tpu.memory_space<hbm>> -> memref<1x5120xi32, #tpu.memory_space<hbm>>
        %dma_start3A_160 = tpu.memref_squeeze %dma_start3A_159 : memref<1x5120xi32, #tpu.memory_space<hbm>> -> memref<5120xi32, #tpu.memory_space<hbm>>
        tpu.enqueue_dma source(%dma_start3A_160 : memref<5120xi32, #tpu.memory_space<hbm>>) target(%arg8 : memref<5120xi32, #tpu.memory_space<vmem>>) target_semaphore(%run_scoped3A : memref<!tpu.dma_semaphore, #tpu.memory_space<semaphore_mem>>)
        %dma_wait3A = arith.constant 0 : i32
        %dma_wait3A_161 = tpu.memref_slice %arg4[%add3A, %dma_wait3A] : memref<4x5120xi32, #tpu.memory_space<hbm>> -> memref<1x5120xi32, #tpu.memory_space<hbm>>
        %dma_wait3A_162 = tpu.memref_squeeze %dma_wait3A_161 : memref<1x5120xi32, #tpu.memory_space<hbm>> -> memref<5120xi32, #tpu.memory_space<hbm>>
        %dma_wait3A_163 = arith.constant 0 : i32
        %dma_wait3A_164 = tpu.memref_slice %arg4[%add3A, %dma_wait3A_163] : memref<4x5120xi32, #tpu.memory_space<hbm>> -> memref<1x5120xi32, #tpu.memory_space<hbm>>
        %dma_wait3A_165 = tpu.memref_squeeze %dma_wait3A_164 : memref<1x5120xi32, #tpu.memory_space<hbm>> -> memref<5120xi32, #tpu.memory_space<hbm>>
        tpu.wait_dma2 semaphore(%run_scoped3A : memref<!tpu.dma_semaphore, #tpu.memory_space<semaphore_mem>>) src(%dma_wait3A_165 : memref<5120xi32, #tpu.memory_space<hbm>>) dst(%arg8 : memref<5120xi32, #tpu.memory_space<vmem>>)
        tpu.yield
      }) : () -> ()
      %scan3A = arith.constant 0 : i32
      %scan3A_3 = arith.constant 0 : i32
      %scan3A_4 = arith.constant 64 : i32
      %scan3A_5 = arith.addi %scan3A_3, %scan3A_4 : i32
      %scan3A_6 = arith.constant 1 : i32
      scf.for %scan3A_156 = %scan3A_3 to %scan3A_5 step %scan3A_6  : i32 {
        %broadcast_in_dim3A = arith.constant 0 : i32
        %broadcast_in_dim3A_157 = vector.broadcast %broadcast_in_dim3A : i32 to vector<16xi32>
        %mul3A_158 = arith.constant 16 : i32
        %mul3A_159 = arith.muli %scan3A_156, %mul3A_158 : i32
        %swap3A = arith.index_cast %mul3A_159 : i32 to index
        %swap3A_160 = tpu.vector_load %arg13[%swap3A] {strides = array<i32>} : memref<1024xi32, #tpu.memory_space<vmem>>, vector<16xi32>,
        tpu.vector_store %arg13[%swap3A], %broadcast_in_dim3A_157 {strides = array<i32>} : memref<1024xi32, #tpu.memory_space<vmem>>, vector<16xi32>,
      }
      %scan3A_7 = arith.constant 64 : i32
      %scan3A_8 = arith.constant 0 : i32
      %scan3A_9 = arith.constant 0 : i32
      %scan3A_10 = arith.constant 320 : i32
      %scan3A_11 = arith.addi %scan3A_9, %scan3A_10 : i32
      %scan3A_12 = arith.constant 1 : i32
      scf.for %scan3A_156 = %scan3A_9 to %scan3A_11 step %scan3A_12  : i32 {
        %mul3A_157 = arith.constant 16 : i32
        %mul3A_158 = arith.muli %scan3A_156, %mul3A_157 : i32
        %add3A_159 = vector.broadcast %mul3A_158 : i32 to vector<16xi32>
        %add3A_160 = arith.addi %add3A_159, %iota3A : vector<16xi32>
        %mul3A_161 = arith.constant 16 : i32
        %mul3A_162 = arith.muli %scan3A_156, %mul3A_161 : i32
        %get3A_163 = arith.index_cast %mul3A_162 : i32 to index
        %get3A_164 = tpu.vector_load %arg6[%get3A_163] {strides = array<i32>} : memref<5120xf32, #tpu.memory_space<vmem>>, vector<16xf32>,
        %bitcast_convert_type3A = tpu.bitcast %get3A_164 : vector<16xf32> -> vector<16xi32>
        %lt3A_165 = arith.constant 0 : i32
        %lt3A_166 = vector.broadcast %lt3A_165 : i32 to vector<16xi32>
        %lt3A_167 = arith.cmpi slt, %bitcast_convert_type3A, %lt3A_166 : vector<16xi32>
        %not3A = arith.constant dense<-1> : vector<16xi32>
        %not3A_168 = arith.xori %bitcast_convert_type3A, %not3A : vector<16xi32>
        %or3A = arith.constant -2147483648 : i32
        %or3A_169 = vector.broadcast %or3A : i32 to vector<16xi32>
        %or3A_170 = arith.ori %bitcast_convert_type3A, %or3A_169 : vector<16xi32>
        %select_n3A = arith.select %lt3A_167, %not3A_168, %or3A_170 : vector<16xi1>, vector<16xi32>
        %ge3A = arith.constant 5000 : i32
        %ge3A_171 = vector.broadcast %ge3A : i32 to vector<16xi32>
        %ge3A_172 = arith.cmpi sge, %add3A_160, %ge3A_171 : vector<16xi32>
        %not3A_173 = arith.constant dense<-1> : vector<16xi32>
        %not3A_174 = arith.xori %select_n3A, %not3A_173 : vector<16xi32>
        %jit3A = arith.constant -1 : i32
        %broadcast_in_dim3A = vector.broadcast %jit3A : i32 to vector<16xi32>
        %select_n3A_175 = arith.select %ge3A_172, %broadcast_in_dim3A, %not3A_174 : vector<16xi1>, vector<16xi32>
        %mul3A_176 = arith.constant 16 : i32
        %mul3A_177 = arith.muli %scan3A_156, %mul3A_176 : i32
        %swap3A = arith.index_cast %mul3A_177 : i32 to index
        %swap3A_178 = tpu.vector_load %arg9[%swap3A] {strides = array<i32>} : memref<5120xi32, #tpu.memory_space<vmem>>, vector<16xi32>,
        tpu.vector_store %arg9[%swap3A], %select_n3A_175 {strides = array<i32>} : memref<5120xi32, #tpu.memory_space<vmem>>, vector<16xi32>,
        %jit3A_179 = arith.constant 0 : i32
        %broadcast_in_dim3A_180 = vector.broadcast %jit3A_179 : i32 to vector<16xi32>
        %select_n3A_181 = arith.select %ge3A_172, %broadcast_in_dim3A_180, %add3A_160 : vector<16xi1>, vector<16xi32>
        %mul3A_182 = arith.constant 16 : i32
        %mul3A_183 = arith.muli %scan3A_156, %mul3A_182 : i32
        %swap3A_184 = arith.index_cast %mul3A_183 : i32 to index
        %swap3A_185 = tpu.vector_load %arg11[%swap3A_184] {strides = array<i32>} : memref<5120xi32, #tpu.memory_space<vmem>>, vector<16xi32>,
        tpu.vector_store %arg11[%swap3A_184], %select_n3A_181 {strides = array<i32>} : memref<5120xi32, #tpu.memory_space<vmem>>, vector<16xi32>,
        %and3A = arith.constant 255 : i32
        %and3A_186 = vector.broadcast %and3A : i32 to vector<16xi32>
        %and3A_187 = arith.andi %select_n3A_175, %and3A_186 : vector<16xi32>
        %broadcast_in_dim3A_188 = arith.constant true
        %broadcast_in_dim3A_189 = vector.broadcast %broadcast_in_dim3A_188 : i1 to vector<16xi1>
        %unique3A, %unique3A_190 = tpu.scan_count mask(%broadcast_in_dim3A_189 : vector<16xi1>) value(%and3A_187 : vector<16xi32>) : vector<16xi1>, vector<16xi32>
        tpu.vector_store_idx %arg13[%and3A_187], %unique3A_190 masked %unique3A {add = true} : memref<1024xi32, #tpu.memory_space<vmem>>[vector<16xi32>], vector<16xi32>, vector<16xi1>
      }
      %scan3A_13 = arith.constant 320 : i32
      %scan3A_14 = arith.constant 0 : i32
      %scan3A_15 = arith.constant 0 : i32
      %scan3A_16 = arith.constant 16 : i32
      %scan3A_17 = arith.addi %scan3A_15, %scan3A_16 : i32
      %scan3A_18 = arith.constant 1 : i32
      %scan3A_19 = scf.for %scan3A_156 = %scan3A_15 to %scan3A_17 step %scan3A_18 iter_args(%scan3A_157 = %scan3A_14) -> (i32)  : i32 {
        %mul3A_158 = arith.constant 16 : i32
        %mul3A_159 = arith.muli %scan3A_156, %mul3A_158 : i32
        %add3A_160 = arith.constant 0 : i32
        %add3A_161 = arith.addi %add3A_160, %mul3A_159 : i32
        %get3A_162 = arith.index_cast %add3A_161 : i32 to index
        %get3A_163 = tpu.vector_load %arg13[%get3A_162] {strides = array<i32>} : memref<1024xi32, #tpu.memory_space<vmem>>, vector<16xi32>,
        %broadcast_in_dim3A = arith.constant true
        %broadcast_in_dim3A_164 = vector.broadcast %broadcast_in_dim3A : i1 to vector<16xi1>
        %masked_cumsum3A = tpu.scan <sum>, %get3A_163 masked %broadcast_in_dim3A_164 : vector<16xi32>, vector<16xi1> -> vector<16xi32>
        %sub3A = arith.subi %masked_cumsum3A, %get3A_163 : vector<16xi32>
        %add3A_165 = vector.broadcast %scan3A_157 : i32 to vector<16xi32>
        %add3A_166 = arith.addi %sub3A, %add3A_165 : vector<16xi32>
        %mul3A_167 = arith.constant 16 : i32
        %mul3A_168 = arith.muli %scan3A_156, %mul3A_167 : i32
        %swap3A = arith.index_cast %mul3A_168 : i32 to index
        %swap3A_169 = tpu.vector_load %arg14[%swap3A] {strides = array<i32>} : memref<256xi32, #tpu.memory_space<vmem>>, vector<16xi32>,
        tpu.vector_store %arg14[%swap3A], %add3A_166 {strides = array<i32>} : memref<256xi32, #tpu.memory_space<vmem>>, vector<16xi32>,
        %reduce_sum3A = arith.constant true
        %reduce_sum3A_170 = vector.broadcast %reduce_sum3A : i1 to vector<16xi1>
        %reduce_sum3A_171 = tpu.scan <sum>, %get3A_163 masked %reduce_sum3A_170 : vector<16xi32>, vector<16xi1> -> vector<16xi32>
        %reduce_sum3A_172 = vector.extract %reduce_sum3A_171[15] : i32 from vector<16xi32>
        %add3A_173 = arith.addi %scan3A_157, %reduce_sum3A_172 : i32
        scf.yield %add3A_173 : i32
      }
      %scan3A_20 = arith.constant 16 : i32
      %scan3A_21 = arith.constant 0 : i32
      %scan3A_22 = arith.constant 0 : i32
      %scan3A_23 = arith.constant 320 : i32
      %scan3A_24 = arith.addi %scan3A_22, %scan3A_23 : i32
      %scan3A_25 = arith.constant 1 : i32
      scf.for %scan3A_156 = %scan3A_22 to %scan3A_24 step %scan3A_25  : i32 {
        %mul3A_157 = arith.constant 16 : i32
        %mul3A_158 = arith.muli %scan3A_156, %mul3A_157 : i32
        %get3A_159 = arith.index_cast %mul3A_158 : i32 to index
        %get3A_160 = tpu.vector_load %arg9[%get3A_159] {strides = array<i32>} : memref<5120xi32, #tpu.memory_space<vmem>>, vector<16xi32>,
        %mul3A_161 = arith.constant 16 : i32
        %mul3A_162 = arith.muli %scan3A_156, %mul3A_161 : i32
        %get3A_163 = arith.index_cast %mul3A_162 : i32 to index
        %get3A_164 = tpu.vector_load %arg11[%get3A_163] {strides = array<i32>} : memref<5120xi32, #tpu.memory_space<vmem>>, vector<16xi32>,
        %shift_right_logical3A = arith.constant 0 : i32
        %shift_right_logical3A_165 = vector.broadcast %shift_right_logical3A : i32 to vector<16xi32>
        %shift_right_logical3A_166 = arith.shrui %get3A_160, %shift_right_logical3A_165 : vector<16xi32>
        %and3A = arith.constant 255 : i32
        %and3A_167 = vector.broadcast %and3A : i32 to vector<16xi32>
        %and3A_168 = arith.andi %shift_right_logical3A_166, %and3A_167 : vector<16xi32>
        %broadcast_in_dim3A = arith.constant true
        %broadcast_in_dim3A_169 = vector.broadcast %broadcast_in_dim3A : i1 to vector<16xi1>
        %unique3A, %unique3A_170 = tpu.scan_count mask(%broadcast_in_dim3A_169 : vector<16xi1>) value(%and3A_168 : vector<16xi32>) : vector<16xi1>, vector<16xi32>
        %gather3A = tpu.vector_load_idx %arg14[%and3A_168] : memref<256xi32, #tpu.memory_space<vmem>>[vector<16xi32>], vector<16xi32>,
        %add3A_171 = arith.addi %gather3A, %unique3A_170 : vector<16xi32>
        %sub3A = arith.constant 1 : i32
        %sub3A_172 = vector.broadcast %sub3A : i32 to vector<16xi32>
        %sub3A_173 = arith.subi %add3A_171, %sub3A_172 : vector<16xi32>
        tpu.vector_store_idx %arg10[%sub3A_173], %get3A_160 : memref<5120xi32, #tpu.memory_space<vmem>>[vector<16xi32>], vector<16xi32>,
        tpu.vector_store_idx %arg12[%sub3A_173], %get3A_164 : memref<5120xi32, #tpu.memory_space<vmem>>[vector<16xi32>], vector<16xi32>,
        tpu.vector_store_idx %arg14[%and3A_168], %unique3A_170 masked %unique3A {add = true} : memref<256xi32, #tpu.memory_space<vmem>>[vector<16xi32>], vector<16xi32>, vector<16xi1>
        %shift_right_logical3A_174 = arith.constant 8 : i32
        %shift_right_logical3A_175 = vector.broadcast %shift_right_logical3A_174 : i32 to vector<16xi32>
        %shift_right_logical3A_176 = arith.shrui %get3A_160, %shift_right_logical3A_175 : vector<16xi32>
        %and3A_177 = arith.constant 255 : i32
        %and3A_178 = vector.broadcast %and3A_177 : i32 to vector<16xi32>
        %and3A_179 = arith.andi %shift_right_logical3A_176, %and3A_178 : vector<16xi32>
        %broadcast_in_dim3A_180 = arith.constant true
        %broadcast_in_dim3A_181 = vector.broadcast %broadcast_in_dim3A_180 : i1 to vector<16xi1>
        %unique3A_182, %unique3A_183 = tpu.scan_count mask(%broadcast_in_dim3A_181 : vector<16xi1>) value(%and3A_179 : vector<16xi32>) : vector<16xi1>, vector<16xi32>
        %add3A_184 = arith.constant 256 : i32
        %add3A_185 = vector.broadcast %add3A_184 : i32 to vector<16xi32>
        %add3A_186 = arith.addi %and3A_179, %add3A_185 : vector<16xi32>
        tpu.vector_store_idx %arg13[%add3A_186], %unique3A_183 masked %unique3A_182 {add = true} : memref<1024xi32, #tpu.memory_space<vmem>>[vector<16xi32>], vector<16xi32>, vector<16xi1>
      }
      %scan3A_26 = arith.constant 320 : i32
      %scan3A_27 = arith.constant 0 : i32
      %scan3A_28 = arith.constant 0 : i32
      %scan3A_29 = arith.constant 16 : i32
      %scan3A_30 = arith.addi %scan3A_28, %scan3A_29 : i32
      %scan3A_31 = arith.constant 1 : i32
      %scan3A_32 = scf.for %scan3A_156 = %scan3A_28 to %scan3A_30 step %scan3A_31 iter_args(%scan3A_157 = %scan3A_27) -> (i32)  : i32 {
        %mul3A_158 = arith.constant 16 : i32
        %mul3A_159 = arith.muli %scan3A_156, %mul3A_158 : i32
        %add3A_160 = arith.constant 256 : i32
        %add3A_161 = arith.addi %add3A_160, %mul3A_159 : i32
        %get3A_162 = arith.index_cast %add3A_161 : i32 to index
        %get3A_163 = tpu.vector_load %arg13[%get3A_162] {strides = array<i32>} : memref<1024xi32, #tpu.memory_space<vmem>>, vector<16xi32>,
        %broadcast_in_dim3A = arith.constant true
        %broadcast_in_dim3A_164 = vector.broadcast %broadcast_in_dim3A : i1 to vector<16xi1>
        %masked_cumsum3A = tpu.scan <sum>, %get3A_163 masked %broadcast_in_dim3A_164 : vector<16xi32>, vector<16xi1> -> vector<16xi32>
        %sub3A = arith.subi %masked_cumsum3A, %get3A_163 : vector<16xi32>
        %add3A_165 = vector.broadcast %scan3A_157 : i32 to vector<16xi32>
        %add3A_166 = arith.addi %sub3A, %add3A_165 : vector<16xi32>
        %mul3A_167 = arith.constant 16 : i32
        %mul3A_168 = arith.muli %scan3A_156, %mul3A_167 : i32
        %swap3A = arith.index_cast %mul3A_168 : i32 to index
        %swap3A_169 = tpu.vector_load %arg14[%swap3A] {strides = array<i32>} : memref<256xi32, #tpu.memory_space<vmem>>, vector<16xi32>,
        tpu.vector_store %arg14[%swap3A], %add3A_166 {strides = array<i32>} : memref<256xi32, #tpu.memory_space<vmem>>, vector<16xi32>,
        %reduce_sum3A = arith.constant true
        %reduce_sum3A_170 = vector.broadcast %reduce_sum3A : i1 to vector<16xi1>
        %reduce_sum3A_171 = tpu.scan <sum>, %get3A_163 masked %reduce_sum3A_170 : vector<16xi32>, vector<16xi1> -> vector<16xi32>
        %reduce_sum3A_172 = vector.extract %reduce_sum3A_171[15] : i32 from vector<16xi32>
        %add3A_173 = arith.addi %scan3A_157, %reduce_sum3A_172 : i32
        scf.yield %add3A_173 : i32
      }
      %scan3A_33 = arith.constant 16 : i32
      %scan3A_34 = arith.constant 0 : i32
      %scan3A_35 = arith.constant 0 : i32
      %scan3A_36 = arith.constant 320 : i32
      %scan3A_37 = arith.addi %scan3A_35, %scan3A_36 : i32
      %scan3A_38 = arith.constant 1 : i32
      scf.for %scan3A_156 = %scan3A_35 to %scan3A_37 step %scan3A_38  : i32 {
        %mul3A_157 = arith.constant 16 : i32
        %mul3A_158 = arith.muli %scan3A_156, %mul3A_157 : i32
        %get3A_159 = arith.index_cast %mul3A_158 : i32 to index
        %get3A_160 = tpu.vector_load %arg10[%get3A_159] {strides = array<i32>} : memref<5120xi32, #tpu.memory_space<vmem>>, vector<16xi32>,
        %mul3A_161 = arith.constant 16 : i32
        %mul3A_162 = arith.muli %scan3A_156, %mul3A_161 : i32
        %get3A_163 = arith.index_cast %mul3A_162 : i32 to index
        %get3A_164 = tpu.vector_load %arg12[%get3A_163] {strides = array<i32>} : memref<5120xi32, #tpu.memory_space<vmem>>, vector<16xi32>,
        %shift_right_logical3A = arith.constant 8 : i32
        %shift_right_logical3A_165 = vector.broadcast %shift_right_logical3A : i32 to vector<16xi32>
        %shift_right_logical3A_166 = arith.shrui %get3A_160, %shift_right_logical3A_165 : vector<16xi32>
        %and3A = arith.constant 255 : i32
        %and3A_167 = vector.broadcast %and3A : i32 to vector<16xi32>
        %and3A_168 = arith.andi %shift_right_logical3A_166, %and3A_167 : vector<16xi32>
        %broadcast_in_dim3A = arith.constant true
        %broadcast_in_dim3A_169 = vector.broadcast %broadcast_in_dim3A : i1 to vector<16xi1>
        %unique3A, %unique3A_170 = tpu.scan_count mask(%broadcast_in_dim3A_169 : vector<16xi1>) value(%and3A_168 : vector<16xi32>) : vector<16xi1>, vector<16xi32>
        %gather3A = tpu.vector_load_idx %arg14[%and3A_168] : memref<256xi32, #tpu.memory_space<vmem>>[vector<16xi32>], vector<16xi32>,
        %add3A_171 = arith.addi %gather3A, %unique3A_170 : vector<16xi32>
        %sub3A = arith.constant 1 : i32
        %sub3A_172 = vector.broadcast %sub3A : i32 to vector<16xi32>
        %sub3A_173 = arith.subi %add3A_171, %sub3A_172 : vector<16xi32>
        tpu.vector_store_idx %arg9[%sub3A_173], %get3A_160 : memref<5120xi32, #tpu.memory_space<vmem>>[vector<16xi32>], vector<16xi32>,
        tpu.vector_store_idx %arg11[%sub3A_173], %get3A_164 : memref<5120xi32, #tpu.memory_space<vmem>>[vector<16xi32>], vector<16xi32>,
        tpu.vector_store_idx %arg14[%and3A_168], %unique3A_170 masked %unique3A {add = true} : memref<256xi32, #tpu.memory_space<vmem>>[vector<16xi32>], vector<16xi32>, vector<16xi1>
        %shift_right_logical3A_174 = arith.constant 16 : i32
        %shift_right_logical3A_175 = vector.broadcast %shift_right_logical3A_174 : i32 to vector<16xi32>
        %shift_right_logical3A_176 = arith.shrui %get3A_160, %shift_right_logical3A_175 : vector<16xi32>
        %and3A_177 = arith.constant 255 : i32
        %and3A_178 = vector.broadcast %and3A_177 : i32 to vector<16xi32>
        %and3A_179 = arith.andi %shift_right_logical3A_176, %and3A_178 : vector<16xi32>
        %broadcast_in_dim3A_180 = arith.constant true
        %broadcast_in_dim3A_181 = vector.broadcast %broadcast_in_dim3A_180 : i1 to vector<16xi1>
        %unique3A_182, %unique3A_183 = tpu.scan_count mask(%broadcast_in_dim3A_181 : vector<16xi1>) value(%and3A_179 : vector<16xi32>) : vector<16xi1>, vector<16xi32>
        %add3A_184 = arith.constant 512 : i32
        %add3A_185 = vector.broadcast %add3A_184 : i32 to vector<16xi32>
        %add3A_186 = arith.addi %and3A_179, %add3A_185 : vector<16xi32>
        tpu.vector_store_idx %arg13[%add3A_186], %unique3A_183 masked %unique3A_182 {add = true} : memref<1024xi32, #tpu.memory_space<vmem>>[vector<16xi32>], vector<16xi32>, vector<16xi1>
      }
      %scan3A_39 = arith.constant 320 : i32
      %scan3A_40 = arith.constant 0 : i32
      %scan3A_41 = arith.constant 0 : i32
      %scan3A_42 = arith.constant 16 : i32
      %scan3A_43 = arith.addi %scan3A_41, %scan3A_42 : i32
      %scan3A_44 = arith.constant 1 : i32
      %scan3A_45 = scf.for %scan3A_156 = %scan3A_41 to %scan3A_43 step %scan3A_44 iter_args(%scan3A_157 = %scan3A_40) -> (i32)  : i32 {
        %mul3A_158 = arith.constant 16 : i32
        %mul3A_159 = arith.muli %scan3A_156, %mul3A_158 : i32
        %add3A_160 = arith.constant 512 : i32
        %add3A_161 = arith.addi %add3A_160, %mul3A_159 : i32
        %get3A_162 = arith.index_cast %add3A_161 : i32 to index
        %get3A_163 = tpu.vector_load %arg13[%get3A_162] {strides = array<i32>} : memref<1024xi32, #tpu.memory_space<vmem>>, vector<16xi32>,
        %broadcast_in_dim3A = arith.constant true
        %broadcast_in_dim3A_164 = vector.broadcast %broadcast_in_dim3A : i1 to vector<16xi1>
        %masked_cumsum3A = tpu.scan <sum>, %get3A_163 masked %broadcast_in_dim3A_164 : vector<16xi32>, vector<16xi1> -> vector<16xi32>
        %sub3A = arith.subi %masked_cumsum3A, %get3A_163 : vector<16xi32>
        %add3A_165 = vector.broadcast %scan3A_157 : i32 to vector<16xi32>
        %add3A_166 = arith.addi %sub3A, %add3A_165 : vector<16xi32>
        %mul3A_167 = arith.constant 16 : i32
        %mul3A_168 = arith.muli %scan3A_156, %mul3A_167 : i32
        %swap3A = arith.index_cast %mul3A_168 : i32 to index
        %swap3A_169 = tpu.vector_load %arg14[%swap3A] {strides = array<i32>} : memref<256xi32, #tpu.memory_space<vmem>>, vector<16xi32>,
        tpu.vector_store %arg14[%swap3A], %add3A_166 {strides = array<i32>} : memref<256xi32, #tpu.memory_space<vmem>>, vector<16xi32>,
        %reduce_sum3A = arith.constant true
        %reduce_sum3A_170 = vector.broadcast %reduce_sum3A : i1 to vector<16xi1>
        %reduce_sum3A_171 = tpu.scan <sum>, %get3A_163 masked %reduce_sum3A_170 : vector<16xi32>, vector<16xi1> -> vector<16xi32>
        %reduce_sum3A_172 = vector.extract %reduce_sum3A_171[15] : i32 from vector<16xi32>
        %add3A_173 = arith.addi %scan3A_157, %reduce_sum3A_172 : i32
        scf.yield %add3A_173 : i32
      }
      %scan3A_46 = arith.constant 16 : i32
      %scan3A_47 = arith.constant 0 : i32
      %scan3A_48 = arith.constant 0 : i32
      %scan3A_49 = arith.constant 320 : i32
      %scan3A_50 = arith.addi %scan3A_48, %scan3A_49 : i32
      %scan3A_51 = arith.constant 1 : i32
      scf.for %scan3A_156 = %scan3A_48 to %scan3A_50 step %scan3A_51  : i32 {
        %mul3A_157 = arith.constant 16 : i32
        %mul3A_158 = arith.muli %scan3A_156, %mul3A_157 : i32
        %get3A_159 = arith.index_cast %mul3A_158 : i32 to index
        %get3A_160 = tpu.vector_load %arg9[%get3A_159] {strides = array<i32>} : memref<5120xi32, #tpu.memory_space<vmem>>, vector<16xi32>,
        %mul3A_161 = arith.constant 16 : i32
        %mul3A_162 = arith.muli %scan3A_156, %mul3A_161 : i32
        %get3A_163 = arith.index_cast %mul3A_162 : i32 to index
        %get3A_164 = tpu.vector_load %arg11[%get3A_163] {strides = array<i32>} : memref<5120xi32, #tpu.memory_space<vmem>>, vector<16xi32>,
        %shift_right_logical3A = arith.constant 16 : i32
        %shift_right_logical3A_165 = vector.broadcast %shift_right_logical3A : i32 to vector<16xi32>
        %shift_right_logical3A_166 = arith.shrui %get3A_160, %shift_right_logical3A_165 : vector<16xi32>
        %and3A = arith.constant 255 : i32
        %and3A_167 = vector.broadcast %and3A : i32 to vector<16xi32>
        %and3A_168 = arith.andi %shift_right_logical3A_166, %and3A_167 : vector<16xi32>
        %broadcast_in_dim3A = arith.constant true
        %broadcast_in_dim3A_169 = vector.broadcast %broadcast_in_dim3A : i1 to vector<16xi1>
        %unique3A, %unique3A_170 = tpu.scan_count mask(%broadcast_in_dim3A_169 : vector<16xi1>) value(%and3A_168 : vector<16xi32>) : vector<16xi1>, vector<16xi32>
        %gather3A = tpu.vector_load_idx %arg14[%and3A_168] : memref<256xi32, #tpu.memory_space<vmem>>[vector<16xi32>], vector<16xi32>,
        %add3A_171 = arith.addi %gather3A, %unique3A_170 : vector<16xi32>
        %sub3A = arith.constant 1 : i32
        %sub3A_172 = vector.broadcast %sub3A : i32 to vector<16xi32>
        %sub3A_173 = arith.subi %add3A_171, %sub3A_172 : vector<16xi32>
        tpu.vector_store_idx %arg10[%sub3A_173], %get3A_160 : memref<5120xi32, #tpu.memory_space<vmem>>[vector<16xi32>], vector<16xi32>,
        tpu.vector_store_idx %arg12[%sub3A_173], %get3A_164 : memref<5120xi32, #tpu.memory_space<vmem>>[vector<16xi32>], vector<16xi32>,
        tpu.vector_store_idx %arg14[%and3A_168], %unique3A_170 masked %unique3A {add = true} : memref<256xi32, #tpu.memory_space<vmem>>[vector<16xi32>], vector<16xi32>, vector<16xi1>
        %shift_right_logical3A_174 = arith.constant 24 : i32
        %shift_right_logical3A_175 = vector.broadcast %shift_right_logical3A_174 : i32 to vector<16xi32>
        %shift_right_logical3A_176 = arith.shrui %get3A_160, %shift_right_logical3A_175 : vector<16xi32>
        %and3A_177 = arith.constant 255 : i32
        %and3A_178 = vector.broadcast %and3A_177 : i32 to vector<16xi32>
        %and3A_179 = arith.andi %shift_right_logical3A_176, %and3A_178 : vector<16xi32>
        %broadcast_in_dim3A_180 = arith.constant true
        %broadcast_in_dim3A_181 = vector.broadcast %broadcast_in_dim3A_180 : i1 to vector<16xi1>
        %unique3A_182, %unique3A_183 = tpu.scan_count mask(%broadcast_in_dim3A_181 : vector<16xi1>) value(%and3A_179 : vector<16xi32>) : vector<16xi1>, vector<16xi32>
        %add3A_184 = arith.constant 768 : i32
        %add3A_185 = vector.broadcast %add3A_184 : i32 to vector<16xi32>
        %add3A_186 = arith.addi %and3A_179, %add3A_185 : vector<16xi32>
        tpu.vector_store_idx %arg13[%add3A_186], %unique3A_183 masked %unique3A_182 {add = true} : memref<1024xi32, #tpu.memory_space<vmem>>[vector<16xi32>], vector<16xi32>, vector<16xi1>
      }
      %scan3A_52 = arith.constant 320 : i32
      %scan3A_53 = arith.constant 0 : i32
      %scan3A_54 = arith.constant 0 : i32
      %scan3A_55 = arith.constant 16 : i32
      %scan3A_56 = arith.addi %scan3A_54, %scan3A_55 : i32
      %scan3A_57 = arith.constant 1 : i32
      %scan3A_58 = scf.for %scan3A_156 = %scan3A_54 to %scan3A_56 step %scan3A_57 iter_args(%scan3A_157 = %scan3A_53) -> (i32)  : i32 {
        %mul3A_158 = arith.constant 16 : i32
        %mul3A_159 = arith.muli %scan3A_156, %mul3A_158 : i32
        %add3A_160 = arith.constant 768 : i32
        %add3A_161 = arith.addi %add3A_160, %mul3A_159 : i32
        %get3A_162 = arith.index_cast %add3A_161 : i32 to index
        %get3A_163 = tpu.vector_load %arg13[%get3A_162] {strides = array<i32>} : memref<1024xi32, #tpu.memory_space<vmem>>, vector<16xi32>,
        %broadcast_in_dim3A = arith.constant true
        %broadcast_in_dim3A_164 = vector.broadcast %broadcast_in_dim3A : i1 to vector<16xi1>
        %masked_cumsum3A = tpu.scan <sum>, %get3A_163 masked %broadcast_in_dim3A_164 : vector<16xi32>, vector<16xi1> -> vector<16xi32>
        %sub3A = arith.subi %masked_cumsum3A, %get3A_163 : vector<16xi32>
        %add3A_165 = vector.broadcast %scan3A_157 : i32 to vector<16xi32>
        %add3A_166 = arith.addi %sub3A, %add3A_165 : vector<16xi32>
        %mul3A_167 = arith.constant 16 : i32
        %mul3A_168 = arith.muli %scan3A_156, %mul3A_167 : i32
        %swap3A = arith.index_cast %mul3A_168 : i32 to index
        %swap3A_169 = tpu.vector_load %arg14[%swap3A] {strides = array<i32>} : memref<256xi32, #tpu.memory_space<vmem>>, vector<16xi32>,
        tpu.vector_store %arg14[%swap3A], %add3A_166 {strides = array<i32>} : memref<256xi32, #tpu.memory_space<vmem>>, vector<16xi32>,
        %reduce_sum3A = arith.constant true
        %reduce_sum3A_170 = vector.broadcast %reduce_sum3A : i1 to vector<16xi1>
        %reduce_sum3A_171 = tpu.scan <sum>, %get3A_163 masked %reduce_sum3A_170 : vector<16xi32>, vector<16xi1> -> vector<16xi32>
        %reduce_sum3A_172 = vector.extract %reduce_sum3A_171[15] : i32 from vector<16xi32>
        %add3A_173 = arith.addi %scan3A_157, %reduce_sum3A_172 : i32
        scf.yield %add3A_173 : i32
      }
      %scan3A_59 = arith.constant 16 : i32
      %scan3A_60 = arith.constant 0 : i32
      %scan3A_61 = arith.constant 0 : i32
      %scan3A_62 = arith.constant 320 : i32
      %scan3A_63 = arith.addi %scan3A_61, %scan3A_62 : i32
      %scan3A_64 = arith.constant 1 : i32
      scf.for %scan3A_156 = %scan3A_61 to %scan3A_63 step %scan3A_64  : i32 {
        %mul3A_157 = arith.constant 16 : i32
        %mul3A_158 = arith.muli %scan3A_156, %mul3A_157 : i32
        %get3A_159 = arith.index_cast %mul3A_158 : i32 to index
        %get3A_160 = tpu.vector_load %arg10[%get3A_159] {strides = array<i32>} : memref<5120xi32, #tpu.memory_space<vmem>>, vector<16xi32>,
        %mul3A_161 = arith.constant 16 : i32
        %mul3A_162 = arith.muli %scan3A_156, %mul3A_161 : i32
        %get3A_163 = arith.index_cast %mul3A_162 : i32 to index
        %get3A_164 = tpu.vector_load %arg12[%get3A_163] {strides = array<i32>} : memref<5120xi32, #tpu.memory_space<vmem>>, vector<16xi32>,
        %shift_right_logical3A = arith.constant 24 : i32
        %shift_right_logical3A_165 = vector.broadcast %shift_right_logical3A : i32 to vector<16xi32>
        %shift_right_logical3A_166 = arith.shrui %get3A_160, %shift_right_logical3A_165 : vector<16xi32>
        %and3A = arith.constant 255 : i32
        %and3A_167 = vector.broadcast %and3A : i32 to vector<16xi32>
        %and3A_168 = arith.andi %shift_right_logical3A_166, %and3A_167 : vector<16xi32>
        %broadcast_in_dim3A = arith.constant true
        %broadcast_in_dim3A_169 = vector.broadcast %broadcast_in_dim3A : i1 to vector<16xi1>
        %unique3A, %unique3A_170 = tpu.scan_count mask(%broadcast_in_dim3A_169 : vector<16xi1>) value(%and3A_168 : vector<16xi32>) : vector<16xi1>, vector<16xi32>
        %gather3A = tpu.vector_load_idx %arg14[%and3A_168] : memref<256xi32, #tpu.memory_space<vmem>>[vector<16xi32>], vector<16xi32>,
        %add3A_171 = arith.addi %gather3A, %unique3A_170 : vector<16xi32>
        %sub3A = arith.constant 1 : i32
        %sub3A_172 = vector.broadcast %sub3A : i32 to vector<16xi32>
        %sub3A_173 = arith.subi %add3A_171, %sub3A_172 : vector<16xi32>
        tpu.vector_store_idx %arg9[%sub3A_173], %get3A_160 : memref<5120xi32, #tpu.memory_space<vmem>>[vector<16xi32>], vector<16xi32>,
        tpu.vector_store_idx %arg11[%sub3A_173], %get3A_164 : memref<5120xi32, #tpu.memory_space<vmem>>[vector<16xi32>], vector<16xi32>,
        tpu.vector_store_idx %arg14[%and3A_168], %unique3A_170 masked %unique3A {add = true} : memref<256xi32, #tpu.memory_space<vmem>>[vector<16xi32>], vector<16xi32>, vector<16xi1>
      }
      %scan3A_65 = arith.constant 320 : i32
      %scan3A_66 = arith.constant 0 : i32
      %scan3A_67 = arith.constant 0 : i32
      %scan3A_68 = arith.constant 130 : i32
      %scan3A_69 = arith.addi %scan3A_67, %scan3A_68 : i32
      %scan3A_70 = arith.constant 1 : i32
      scf.for %scan3A_156 = %scan3A_67 to %scan3A_69 step %scan3A_70  : i32 {
        %broadcast_in_dim3A = arith.constant 2048 : i32
        %broadcast_in_dim3A_157 = vector.broadcast %broadcast_in_dim3A : i32 to vector<16xi32>
        %mul3A_158 = arith.constant 16 : i32
        %mul3A_159 = arith.muli %scan3A_156, %mul3A_158 : i32
        %swap3A = arith.index_cast %mul3A_159 : i32 to index
        %swap3A_160 = tpu.vector_load %arg15[%swap3A] {strides = array<i32>} : memref<3120xi32, #tpu.memory_space<vmem>>, vector<16xi32>,
        tpu.vector_store %arg15[%swap3A], %broadcast_in_dim3A_157 {strides = array<i32>} : memref<3120xi32, #tpu.memory_space<vmem>>, vector<16xi32>,
      }
      %scan3A_71 = arith.constant 130 : i32
      %scan3A_72 = arith.constant 0 : i32
      %scan3A_73 = arith.constant 0 : i32
      %scan3A_74 = arith.constant 65 : i32
      %scan3A_75 = arith.addi %scan3A_73, %scan3A_74 : i32
      %scan3A_76 = arith.constant 1 : i32
      scf.for %scan3A_156 = %scan3A_73 to %scan3A_75 step %scan3A_76  : i32 {
        %broadcast_in_dim3A = arith.constant 0 : i32
        %broadcast_in_dim3A_157 = vector.broadcast %broadcast_in_dim3A : i32 to vector<16xi32>
        %mul3A_158 = arith.constant 16 : i32
        %mul3A_159 = arith.muli %scan3A_156, %mul3A_158 : i32
        %add3A_160 = arith.constant 2080 : i32
        %add3A_161 = arith.addi %add3A_160, %mul3A_159 : i32
        %swap3A = arith.index_cast %add3A_161 : i32 to index
        %swap3A_162 = tpu.vector_load %arg15[%swap3A] {strides = array<i32>} : memref<3120xi32, #tpu.memory_space<vmem>>, vector<16xi32>,
        tpu.vector_store %arg15[%swap3A], %broadcast_in_dim3A_157 {strides = array<i32>} : memref<3120xi32, #tpu.memory_space<vmem>>, vector<16xi32>,
      }
      %scan3A_77 = arith.constant 65 : i32
      %scan3A_78 = arith.constant 0 : i32
      %scan3A_79 = arith.constant 0 : i32
      %scan3A_80 = arith.constant 313 : i32
      %scan3A_81 = arith.addi %scan3A_79, %scan3A_80 : i32
      %scan3A_82 = arith.constant 1 : i32
      %scan3A_83 = scf.for %scan3A_156 = %scan3A_79 to %scan3A_81 step %scan3A_82 iter_args(%scan3A_157 = %scan3A_78) -> (i32)  : i32 {
        %mul3A_158 = arith.constant 16 : i32
        %mul3A_159 = arith.muli %scan3A_156, %mul3A_158 : i32
        %get3A_160 = arith.index_cast %mul3A_159 : i32 to index
        %get3A_161 = tpu.vector_load %arg11[%get3A_160] {strides = array<i32>} : memref<5120xi32, #tpu.memory_space<vmem>>, vector<16xi32>,
        %gather3A = tpu.vector_load_idx %arg7[%get3A_161] : memref<5120xi32, #tpu.memory_space<vmem>>[vector<16xi32>], vector<16xi32>,
        %gather3A_162 = tpu.vector_load_idx %arg8[%get3A_161] : memref<5120xi32, #tpu.memory_space<vmem>>[vector<16xi32>], vector<16xi32>,
        %sub3A = arith.subi %gather3A_162, %gather3A : vector<16xi32>
        %add3A_163 = arith.constant 1 : i32
        %add3A_164 = vector.broadcast %add3A_163 : i32 to vector<16xi32>
        %add3A_165 = arith.addi %gather3A_162, %add3A_164 : vector<16xi32>
        %add3A_166 = vector.broadcast %mul3A_159 : i32 to vector<16xi32>
        %add3A_167 = arith.addi %add3A_166, %iota3A : vector<16xi32>
        %ge3A = arith.constant 5000 : i32
        %ge3A_168 = vector.broadcast %ge3A : i32 to vector<16xi32>
        %ge3A_169 = arith.cmpi sge, %add3A_167, %ge3A_168 : vector<16xi32>
        %add3A_170 = arith.constant 0 : i32
        %add3A_171 = vector.broadcast %add3A_170 : i32 to vector<16xi32>
        %add3A_172 = arith.addi %gather3A, %add3A_171 : vector<16xi32>
        %gather3A_173 = tpu.vector_load_idx %arg15[%add3A_172] : memref<3120xi32, #tpu.memory_space<vmem>>[vector<16xi32>], vector<16xi32>,
        %shift_right_logical3A = arith.constant 12 : i32
        %shift_right_logical3A_174 = vector.broadcast %shift_right_logical3A : i32 to vector<16xi32>
        %shift_right_logical3A_175 = arith.shrui %gather3A_173, %shift_right_logical3A_174 : vector<16xi32>
        %and3A = arith.constant 4095 : i32
        %and3A_176 = vector.broadcast %and3A : i32 to vector<16xi32>
        %and3A_177 = arith.andi %gather3A_173, %and3A_176 : vector<16xi32>
        %gt3A = arith.constant 0 : i32
        %gt3A_178 = vector.broadcast %gt3A : i32 to vector<16xi32>
        %gt3A_179 = arith.cmpi sgt, %sub3A, %gt3A_178 : vector<16xi32>
        %lt3A_180 = arith.cmpi slt, %and3A_177, %gather3A : vector<16xi32>
        %and3A_181 = arith.andi %gt3A_179, %lt3A_180 : vector<16xi1>
        %or3A = arith.ori %ge3A_169, %and3A_181 : vector<16xi1>
        %add3A_182 = arith.constant 1 : i32
        %add3A_183 = vector.broadcast %add3A_182 : i32 to vector<16xi32>
        %add3A_184 = arith.addi %gather3A, %add3A_183 : vector<16xi32>
        %gather3A_185 = tpu.vector_load_idx %arg15[%add3A_184] : memref<3120xi32, #tpu.memory_space<vmem>>[vector<16xi32>], vector<16xi32>,
        %shift_right_logical3A_186 = arith.constant 12 : i32
        %shift_right_logical3A_187 = vector.broadcast %shift_right_logical3A_186 : i32 to vector<16xi32>
        %shift_right_logical3A_188 = arith.shrui %gather3A_185, %shift_right_logical3A_187 : vector<16xi32>
        %and3A_189 = arith.constant 4095 : i32
        %and3A_190 = vector.broadcast %and3A_189 : i32 to vector<16xi32>
        %and3A_191 = arith.andi %gather3A_185, %and3A_190 : vector<16xi32>
        %ge3A_192 = arith.constant 1 : i32
        %ge3A_193 = vector.broadcast %ge3A_192 : i32 to vector<16xi32>
        %ge3A_194 = arith.cmpi sge, %sub3A, %ge3A_193 : vector<16xi32>
        %gt3A_195 = arith.cmpi sgt, %shift_right_logical3A_188, %add3A_165 : vector<16xi32>
        %gt3A_196 = arith.constant 1 : i32
        %gt3A_197 = vector.broadcast %gt3A_196 : i32 to vector<16xi32>
        %gt3A_198 = arith.cmpi sgt, %sub3A, %gt3A_197 : vector<16xi32>
        %lt3A_199 = arith.cmpi slt, %and3A_191, %gather3A : vector<16xi32>
        %and3A_200 = arith.andi %gt3A_198, %lt3A_199 : vector<16xi1>
        %or3A_201 = arith.ori %gt3A_195, %and3A_200 : vector<16xi1>
        %and3A_202 = arith.andi %ge3A_194, %or3A_201 : vector<16xi1>
        %or3A_203 = arith.ori %or3A, %and3A_202 : vector<16xi1>
        %add3A_204 = arith.constant 2 : i32
        %add3A_205 = vector.broadcast %add3A_204 : i32 to vector<16xi32>
        %add3A_206 = arith.addi %gather3A, %add3A_205 : vector<16xi32>
        %gather3A_207 = tpu.vector_load_idx %arg15[%add3A_206] : memref<3120xi32, #tpu.memory_space<vmem>>[vector<16xi32>], vector<16xi32>,
        %shift_right_logical3A_208 = arith.constant 12 : i32
        %shift_right_logical3A_209 = vector.broadcast %shift_right_logical3A_208 : i32 to vector<16xi32>
        %shift_right_logical3A_210 = arith.shrui %gather3A_207, %shift_right_logical3A_209 : vector<16xi32>
        %and3A_211 = arith.constant 4095 : i32
        %and3A_212 = vector.broadcast %and3A_211 : i32 to vector<16xi32>
        %and3A_213 = arith.andi %gather3A_207, %and3A_212 : vector<16xi32>
        %ge3A_214 = arith.constant 2 : i32
        %ge3A_215 = vector.broadcast %ge3A_214 : i32 to vector<16xi32>
        %ge3A_216 = arith.cmpi sge, %sub3A, %ge3A_215 : vector<16xi32>
        %gt3A_217 = arith.cmpi sgt, %shift_right_logical3A_210, %add3A_165 : vector<16xi32>
        %gt3A_218 = arith.constant 2 : i32
        %gt3A_219 = vector.broadcast %gt3A_218 : i32 to vector<16xi32>
        %gt3A_220 = arith.cmpi sgt, %sub3A, %gt3A_219 : vector<16xi32>
        %lt3A_221 = arith.cmpi slt, %and3A_213, %gather3A : vector<16xi32>
        %and3A_222 = arith.andi %gt3A_220, %lt3A_221 : vector<16xi1>
        %or3A_223 = arith.ori %gt3A_217, %and3A_222 : vector<16xi1>
        %and3A_224 = arith.andi %ge3A_216, %or3A_223 : vector<16xi1>
        %or3A_225 = arith.ori %or3A_203, %and3A_224 : vector<16xi1>
        %add3A_226 = arith.constant 3 : i32
        %add3A_227 = vector.broadcast %add3A_226 : i32 to vector<16xi32>
        %add3A_228 = arith.addi %gather3A, %add3A_227 : vector<16xi32>
        %gather3A_229 = tpu.vector_load_idx %arg15[%add3A_228] : memref<3120xi32, #tpu.memory_space<vmem>>[vector<16xi32>], vector<16xi32>,
        %shift_right_logical3A_230 = arith.constant 12 : i32
        %shift_right_logical3A_231 = vector.broadcast %shift_right_logical3A_230 : i32 to vector<16xi32>
        %shift_right_logical3A_232 = arith.shrui %gather3A_229, %shift_right_logical3A_231 : vector<16xi32>
        %and3A_233 = arith.constant 4095 : i32
        %and3A_234 = vector.broadcast %and3A_233 : i32 to vector<16xi32>
        %and3A_235 = arith.andi %gather3A_229, %and3A_234 : vector<16xi32>
        %ge3A_236 = arith.constant 3 : i32
        %ge3A_237 = vector.broadcast %ge3A_236 : i32 to vector<16xi32>
        %ge3A_238 = arith.cmpi sge, %sub3A, %ge3A_237 : vector<16xi32>
        %gt3A_239 = arith.cmpi sgt, %shift_right_logical3A_232, %add3A_165 : vector<16xi32>
        %gt3A_240 = arith.constant 3 : i32
        %gt3A_241 = vector.broadcast %gt3A_240 : i32 to vector<16xi32>
        %gt3A_242 = arith.cmpi sgt, %sub3A, %gt3A_241 : vector<16xi32>
        %lt3A_243 = arith.cmpi slt, %and3A_235, %gather3A : vector<16xi32>
        %and3A_244 = arith.andi %gt3A_242, %lt3A_243 : vector<16xi1>
        %or3A_245 = arith.ori %gt3A_239, %and3A_244 : vector<16xi1>
        %and3A_246 = arith.andi %ge3A_238, %or3A_245 : vector<16xi1>
        %or3A_247 = arith.ori %or3A_225, %and3A_246 : vector<16xi1>
        %add3A_248 = arith.constant 4 : i32
        %add3A_249 = vector.broadcast %add3A_248 : i32 to vector<16xi32>
        %add3A_250 = arith.addi %gather3A, %add3A_249 : vector<16xi32>
        %gather3A_251 = tpu.vector_load_idx %arg15[%add3A_250] : memref<3120xi32, #tpu.memory_space<vmem>>[vector<16xi32>], vector<16xi32>,
        %shift_right_logical3A_252 = arith.constant 12 : i32
        %shift_right_logical3A_253 = vector.broadcast %shift_right_logical3A_252 : i32 to vector<16xi32>
        %shift_right_logical3A_254 = arith.shrui %gather3A_251, %shift_right_logical3A_253 : vector<16xi32>
        %and3A_255 = arith.constant 4095 : i32
        %and3A_256 = vector.broadcast %and3A_255 : i32 to vector<16xi32>
        %and3A_257 = arith.andi %gather3A_251, %and3A_256 : vector<16xi32>
        %ge3A_258 = arith.constant 4 : i32
        %ge3A_259 = vector.broadcast %ge3A_258 : i32 to vector<16xi32>
        %ge3A_260 = arith.cmpi sge, %sub3A, %ge3A_259 : vector<16xi32>
        %gt3A_261 = arith.cmpi sgt, %shift_right_logical3A_254, %add3A_165 : vector<16xi32>
        %gt3A_262 = arith.constant 4 : i32
        %gt3A_263 = vector.broadcast %gt3A_262 : i32 to vector<16xi32>
        %gt3A_264 = arith.cmpi sgt, %sub3A, %gt3A_263 : vector<16xi32>
        %lt3A_265 = arith.cmpi slt, %and3A_257, %gather3A : vector<16xi32>
        %and3A_266 = arith.andi %gt3A_264, %lt3A_265 : vector<16xi1>
        %or3A_267 = arith.ori %gt3A_261, %and3A_266 : vector<16xi1>
        %and3A_268 = arith.andi %ge3A_260, %or3A_267 : vector<16xi1>
        %or3A_269 = arith.ori %or3A_247, %and3A_268 : vector<16xi1>
        %add3A_270 = arith.constant 5 : i32
        %add3A_271 = vector.broadcast %add3A_270 : i32 to vector<16xi32>
        %add3A_272 = arith.addi %gather3A, %add3A_271 : vector<16xi32>
        %gather3A_273 = tpu.vector_load_idx %arg15[%add3A_272] : memref<3120xi32, #tpu.memory_space<vmem>>[vector<16xi32>], vector<16xi32>,
        %shift_right_logical3A_274 = arith.constant 12 : i32
        %shift_right_logical3A_275 = vector.broadcast %shift_right_logical3A_274 : i32 to vector<16xi32>
        %shift_right_logical3A_276 = arith.shrui %gather3A_273, %shift_right_logical3A_275 : vector<16xi32>
        %and3A_277 = arith.constant 4095 : i32
        %and3A_278 = vector.broadcast %and3A_277 : i32 to vector<16xi32>
        %and3A_279 = arith.andi %gather3A_273, %and3A_278 : vector<16xi32>
        %ge3A_280 = arith.constant 5 : i32
        %ge3A_281 = vector.broadcast %ge3A_280 : i32 to vector<16xi32>
        %ge3A_282 = arith.cmpi sge, %sub3A, %ge3A_281 : vector<16xi32>
        %gt3A_283 = arith.cmpi sgt, %shift_right_logical3A_276, %add3A_165 : vector<16xi32>
        %gt3A_284 = arith.constant 5 : i32
        %gt3A_285 = vector.broadcast %gt3A_284 : i32 to vector<16xi32>
        %gt3A_286 = arith.cmpi sgt, %sub3A, %gt3A_285 : vector<16xi32>
        %lt3A_287 = arith.cmpi slt, %and3A_279, %gather3A : vector<16xi32>
        %and3A_288 = arith.andi %gt3A_286, %lt3A_287 : vector<16xi1>
        %or3A_289 = arith.ori %gt3A_283, %and3A_288 : vector<16xi1>
        %and3A_290 = arith.andi %ge3A_282, %or3A_289 : vector<16xi1>
        %or3A_291 = arith.ori %or3A_269, %and3A_290 : vector<16xi1>
        %add3A_292 = arith.constant 6 : i32
        %add3A_293 = vector.broadcast %add3A_292 : i32 to vector<16xi32>
        %add3A_294 = arith.addi %gather3A, %add3A_293 : vector<16xi32>
        %gather3A_295 = tpu.vector_load_idx %arg15[%add3A_294] : memref<3120xi32, #tpu.memory_space<vmem>>[vector<16xi32>], vector<16xi32>,
        %shift_right_logical3A_296 = arith.constant 12 : i32
        %shift_right_logical3A_297 = vector.broadcast %shift_right_logical3A_296 : i32 to vector<16xi32>
        %shift_right_logical3A_298 = arith.shrui %gather3A_295, %shift_right_logical3A_297 : vector<16xi32>
        %and3A_299 = arith.constant 4095 : i32
        %and3A_300 = vector.broadcast %and3A_299 : i32 to vector<16xi32>
        %and3A_301 = arith.andi %gather3A_295, %and3A_300 : vector<16xi32>
        %ge3A_302 = arith.constant 6 : i32
        %ge3A_303 = vector.broadcast %ge3A_302 : i32 to vector<16xi32>
        %ge3A_304 = arith.cmpi sge, %sub3A, %ge3A_303 : vector<16xi32>
        %gt3A_305 = arith.cmpi sgt, %shift_right_logical3A_298, %add3A_165 : vector<16xi32>
        %gt3A_306 = arith.constant 6 : i32
        %gt3A_307 = vector.broadcast %gt3A_306 : i32 to vector<16xi32>
        %gt3A_308 = arith.cmpi sgt, %sub3A, %gt3A_307 : vector<16xi32>
        %lt3A_309 = arith.cmpi slt, %and3A_301, %gather3A : vector<16xi32>
        %and3A_310 = arith.andi %gt3A_308, %lt3A_309 : vector<16xi1>
        %or3A_311 = arith.ori %gt3A_305, %and3A_310 : vector<16xi1>
        %and3A_312 = arith.andi %ge3A_304, %or3A_311 : vector<16xi1>
        %or3A_313 = arith.ori %or3A_291, %and3A_312 : vector<16xi1>
        %add3A_314 = arith.constant 7 : i32
        %add3A_315 = vector.broadcast %add3A_314 : i32 to vector<16xi32>
        %add3A_316 = arith.addi %gather3A, %add3A_315 : vector<16xi32>
        %gather3A_317 = tpu.vector_load_idx %arg15[%add3A_316] : memref<3120xi32, #tpu.memory_space<vmem>>[vector<16xi32>], vector<16xi32>,
        %shift_right_logical3A_318 = arith.constant 12 : i32
        %shift_right_logical3A_319 = vector.broadcast %shift_right_logical3A_318 : i32 to vector<16xi32>
        %shift_right_logical3A_320 = arith.shrui %gather3A_317, %shift_right_logical3A_319 : vector<16xi32>
        %and3A_321 = arith.constant 4095 : i32
        %and3A_322 = vector.broadcast %and3A_321 : i32 to vector<16xi32>
        %and3A_323 = arith.andi %gather3A_317, %and3A_322 : vector<16xi32>
        %ge3A_324 = arith.constant 7 : i32
        %ge3A_325 = vector.broadcast %ge3A_324 : i32 to vector<16xi32>
        %ge3A_326 = arith.cmpi sge, %sub3A, %ge3A_325 : vector<16xi32>
        %gt3A_327 = arith.cmpi sgt, %shift_right_logical3A_320, %add3A_165 : vector<16xi32>
        %gt3A_328 = arith.constant 7 : i32
        %gt3A_329 = vector.broadcast %gt3A_328 : i32 to vector<16xi32>
        %gt3A_330 = arith.cmpi sgt, %sub3A, %gt3A_329 : vector<16xi32>
        %lt3A_331 = arith.cmpi slt, %and3A_323, %gather3A : vector<16xi32>
        %and3A_332 = arith.andi %gt3A_330, %lt3A_331 : vector<16xi1>
        %or3A_333 = arith.ori %gt3A_327, %and3A_332 : vector<16xi1>
        %and3A_334 = arith.andi %ge3A_326, %or3A_333 : vector<16xi1>
        %or3A_335 = arith.ori %or3A_313, %and3A_334 : vector<16xi1>
        %add3A_336 = arith.constant 8 : i32
        %add3A_337 = vector.broadcast %add3A_336 : i32 to vector<16xi32>
        %add3A_338 = arith.addi %gather3A, %add3A_337 : vector<16xi32>
        %gather3A_339 = tpu.vector_load_idx %arg15[%add3A_338] : memref<3120xi32, #tpu.memory_space<vmem>>[vector<16xi32>], vector<16xi32>,
        %shift_right_logical3A_340 = arith.constant 12 : i32
        %shift_right_logical3A_341 = vector.broadcast %shift_right_logical3A_340 : i32 to vector<16xi32>
        %shift_right_logical3A_342 = arith.shrui %gather3A_339, %shift_right_logical3A_341 : vector<16xi32>
        %and3A_343 = arith.constant 4095 : i32
        %and3A_344 = vector.broadcast %and3A_343 : i32 to vector<16xi32>
        %and3A_345 = arith.andi %gather3A_339, %and3A_344 : vector<16xi32>
        %ge3A_346 = arith.constant 8 : i32
        %ge3A_347 = vector.broadcast %ge3A_346 : i32 to vector<16xi32>
        %ge3A_348 = arith.cmpi sge, %sub3A, %ge3A_347 : vector<16xi32>
        %gt3A_349 = arith.cmpi sgt, %shift_right_logical3A_342, %add3A_165 : vector<16xi32>
        %gt3A_350 = arith.constant 8 : i32
        %gt3A_351 = vector.broadcast %gt3A_350 : i32 to vector<16xi32>
        %gt3A_352 = arith.cmpi sgt, %sub3A, %gt3A_351 : vector<16xi32>
        %lt3A_353 = arith.cmpi slt, %and3A_345, %gather3A : vector<16xi32>
        %and3A_354 = arith.andi %gt3A_352, %lt3A_353 : vector<16xi1>
        %or3A_355 = arith.ori %gt3A_349, %and3A_354 : vector<16xi1>
        %and3A_356 = arith.andi %ge3A_348, %or3A_355 : vector<16xi1>
        %or3A_357 = arith.ori %or3A_335, %and3A_356 : vector<16xi1>
        %add3A_358 = arith.constant 9 : i32
        %add3A_359 = vector.broadcast %add3A_358 : i32 to vector<16xi32>
        %add3A_360 = arith.addi %gather3A, %add3A_359 : vector<16xi32>
        %gather3A_361 = tpu.vector_load_idx %arg15[%add3A_360] : memref<3120xi32, #tpu.memory_space<vmem>>[vector<16xi32>], vector<16xi32>,
        %shift_right_logical3A_362 = arith.constant 12 : i32
        %shift_right_logical3A_363 = vector.broadcast %shift_right_logical3A_362 : i32 to vector<16xi32>
        %shift_right_logical3A_364 = arith.shrui %gather3A_361, %shift_right_logical3A_363 : vector<16xi32>
        %and3A_365 = arith.constant 4095 : i32
        %and3A_366 = vector.broadcast %and3A_365 : i32 to vector<16xi32>
        %and3A_367 = arith.andi %gather3A_361, %and3A_366 : vector<16xi32>
        %ge3A_368 = arith.constant 9 : i32
        %ge3A_369 = vector.broadcast %ge3A_368 : i32 to vector<16xi32>
        %ge3A_370 = arith.cmpi sge, %sub3A, %ge3A_369 : vector<16xi32>
        %gt3A_371 = arith.cmpi sgt, %shift_right_logical3A_364, %add3A_165 : vector<16xi32>
        %gt3A_372 = arith.constant 9 : i32
        %gt3A_373 = vector.broadcast %gt3A_372 : i32 to vector<16xi32>
        %gt3A_374 = arith.cmpi sgt, %sub3A, %gt3A_373 : vector<16xi32>
        %lt3A_375 = arith.cmpi slt, %and3A_367, %gather3A : vector<16xi32>
        %and3A_376 = arith.andi %gt3A_374, %lt3A_375 : vector<16xi1>
        %or3A_377 = arith.ori %gt3A_371, %and3A_376 : vector<16xi1>
        %and3A_378 = arith.andi %ge3A_370, %or3A_377 : vector<16xi1>
        %or3A_379 = arith.ori %or3A_357, %and3A_378 : vector<16xi1>
        %add3A_380 = arith.constant 10 : i32
        %add3A_381 = vector.broadcast %add3A_380 : i32 to vector<16xi32>
        %add3A_382 = arith.addi %gather3A, %add3A_381 : vector<16xi32>
        %gather3A_383 = tpu.vector_load_idx %arg15[%add3A_382] : memref<3120xi32, #tpu.memory_space<vmem>>[vector<16xi32>], vector<16xi32>,
        %shift_right_logical3A_384 = arith.constant 12 : i32
        %shift_right_logical3A_385 = vector.broadcast %shift_right_logical3A_384 : i32 to vector<16xi32>
        %shift_right_logical3A_386 = arith.shrui %gather3A_383, %shift_right_logical3A_385 : vector<16xi32>
        %and3A_387 = arith.constant 4095 : i32
        %and3A_388 = vector.broadcast %and3A_387 : i32 to vector<16xi32>
        %and3A_389 = arith.andi %gather3A_383, %and3A_388 : vector<16xi32>
        %ge3A_390 = arith.constant 10 : i32
        %ge3A_391 = vector.broadcast %ge3A_390 : i32 to vector<16xi32>
        %ge3A_392 = arith.cmpi sge, %sub3A, %ge3A_391 : vector<16xi32>
        %gt3A_393 = arith.cmpi sgt, %shift_right_logical3A_386, %add3A_165 : vector<16xi32>
        %gt3A_394 = arith.constant 10 : i32
        %gt3A_395 = vector.broadcast %gt3A_394 : i32 to vector<16xi32>
        %gt3A_396 = arith.cmpi sgt, %sub3A, %gt3A_395 : vector<16xi32>
        %lt3A_397 = arith.cmpi slt, %and3A_389, %gather3A : vector<16xi32>
        %and3A_398 = arith.andi %gt3A_396, %lt3A_397 : vector<16xi1>
        %or3A_399 = arith.ori %gt3A_393, %and3A_398 : vector<16xi1>
        %and3A_400 = arith.andi %ge3A_392, %or3A_399 : vector<16xi1>
        %or3A_401 = arith.ori %or3A_379, %and3A_400 : vector<16xi1>
        %add3A_402 = arith.constant 11 : i32
        %add3A_403 = vector.broadcast %add3A_402 : i32 to vector<16xi32>
        %add3A_404 = arith.addi %gather3A, %add3A_403 : vector<16xi32>
        %gather3A_405 = tpu.vector_load_idx %arg15[%add3A_404] : memref<3120xi32, #tpu.memory_space<vmem>>[vector<16xi32>], vector<16xi32>,
        %shift_right_logical3A_406 = arith.constant 12 : i32
        %shift_right_logical3A_407 = vector.broadcast %shift_right_logical3A_406 : i32 to vector<16xi32>
        %shift_right_logical3A_408 = arith.shrui %gather3A_405, %shift_right_logical3A_407 : vector<16xi32>
        %and3A_409 = arith.constant 4095 : i32
        %and3A_410 = vector.broadcast %and3A_409 : i32 to vector<16xi32>
        %and3A_411 = arith.andi %gather3A_405, %and3A_410 : vector<16xi32>
        %ge3A_412 = arith.constant 11 : i32
        %ge3A_413 = vector.broadcast %ge3A_412 : i32 to vector<16xi32>
        %ge3A_414 = arith.cmpi sge, %sub3A, %ge3A_413 : vector<16xi32>
        %gt3A_415 = arith.cmpi sgt, %shift_right_logical3A_408, %add3A_165 : vector<16xi32>
        %gt3A_416 = arith.constant 11 : i32
        %gt3A_417 = vector.broadcast %gt3A_416 : i32 to vector<16xi32>
        %gt3A_418 = arith.cmpi sgt, %sub3A, %gt3A_417 : vector<16xi32>
        %lt3A_419 = arith.cmpi slt, %and3A_411, %gather3A : vector<16xi32>
        %and3A_420 = arith.andi %gt3A_418, %lt3A_419 : vector<16xi1>
        %or3A_421 = arith.ori %gt3A_415, %and3A_420 : vector<16xi1>
        %and3A_422 = arith.andi %ge3A_414, %or3A_421 : vector<16xi1>
        %or3A_423 = arith.ori %or3A_401, %and3A_422 : vector<16xi1>
        %add3A_424 = arith.constant 12 : i32
        %add3A_425 = vector.broadcast %add3A_424 : i32 to vector<16xi32>
        %add3A_426 = arith.addi %gather3A, %add3A_425 : vector<16xi32>
        %gather3A_427 = tpu.vector_load_idx %arg15[%add3A_426] : memref<3120xi32, #tpu.memory_space<vmem>>[vector<16xi32>], vector<16xi32>,
        %shift_right_logical3A_428 = arith.constant 12 : i32
        %shift_right_logical3A_429 = vector.broadcast %shift_right_logical3A_428 : i32 to vector<16xi32>
        %shift_right_logical3A_430 = arith.shrui %gather3A_427, %shift_right_logical3A_429 : vector<16xi32>
        %and3A_431 = arith.constant 4095 : i32
        %and3A_432 = vector.broadcast %and3A_431 : i32 to vector<16xi32>
        %and3A_433 = arith.andi %gather3A_427, %and3A_432 : vector<16xi32>
        %ge3A_434 = arith.constant 12 : i32
        %ge3A_435 = vector.broadcast %ge3A_434 : i32 to vector<16xi32>
        %ge3A_436 = arith.cmpi sge, %sub3A, %ge3A_435 : vector<16xi32>
        %gt3A_437 = arith.cmpi sgt, %shift_right_logical3A_430, %add3A_165 : vector<16xi32>
        %gt3A_438 = arith.constant 12 : i32
        %gt3A_439 = vector.broadcast %gt3A_438 : i32 to vector<16xi32>
        %gt3A_440 = arith.cmpi sgt, %sub3A, %gt3A_439 : vector<16xi32>
        %lt3A_441 = arith.cmpi slt, %and3A_433, %gather3A : vector<16xi32>
        %and3A_442 = arith.andi %gt3A_440, %lt3A_441 : vector<16xi1>
        %or3A_443 = arith.ori %gt3A_437, %and3A_442 : vector<16xi1>
        %and3A_444 = arith.andi %ge3A_436, %or3A_443 : vector<16xi1>
        %or3A_445 = arith.ori %or3A_423, %and3A_444 : vector<16xi1>
        %add3A_446 = arith.constant 13 : i32
        %add3A_447 = vector.broadcast %add3A_446 : i32 to vector<16xi32>
        %add3A_448 = arith.addi %gather3A, %add3A_447 : vector<16xi32>
        %gather3A_449 = tpu.vector_load_idx %arg15[%add3A_448] : memref<3120xi32, #tpu.memory_space<vmem>>[vector<16xi32>], vector<16xi32>,
        %shift_right_logical3A_450 = arith.constant 12 : i32
        %shift_right_logical3A_451 = vector.broadcast %shift_right_logical3A_450 : i32 to vector<16xi32>
        %shift_right_logical3A_452 = arith.shrui %gather3A_449, %shift_right_logical3A_451 : vector<16xi32>
        %and3A_453 = arith.constant 4095 : i32
        %and3A_454 = vector.broadcast %and3A_453 : i32 to vector<16xi32>
        %and3A_455 = arith.andi %gather3A_449, %and3A_454 : vector<16xi32>
        %ge3A_456 = arith.constant 13 : i32
        %ge3A_457 = vector.broadcast %ge3A_456 : i32 to vector<16xi32>
        %ge3A_458 = arith.cmpi sge, %sub3A, %ge3A_457 : vector<16xi32>
        %gt3A_459 = arith.cmpi sgt, %shift_right_logical3A_452, %add3A_165 : vector<16xi32>
        %gt3A_460 = arith.constant 13 : i32
        %gt3A_461 = vector.broadcast %gt3A_460 : i32 to vector<16xi32>
        %gt3A_462 = arith.cmpi sgt, %sub3A, %gt3A_461 : vector<16xi32>
        %lt3A_463 = arith.cmpi slt, %and3A_455, %gather3A : vector<16xi32>
        %and3A_464 = arith.andi %gt3A_462, %lt3A_463 : vector<16xi1>
        %or3A_465 = arith.ori %gt3A_459, %and3A_464 : vector<16xi1>
        %and3A_466 = arith.andi %ge3A_458, %or3A_465 : vector<16xi1>
        %or3A_467 = arith.ori %or3A_445, %and3A_466 : vector<16xi1>
        %add3A_468 = arith.constant 14 : i32
        %add3A_469 = vector.broadcast %add3A_468 : i32 to vector<16xi32>
        %add3A_470 = arith.addi %gather3A, %add3A_469 : vector<16xi32>
        %gather3A_471 = tpu.vector_load_idx %arg15[%add3A_470] : memref<3120xi32, #tpu.memory_space<vmem>>[vector<16xi32>], vector<16xi32>,
        %shift_right_logical3A_472 = arith.constant 12 : i32
        %shift_right_logical3A_473 = vector.broadcast %shift_right_logical3A_472 : i32 to vector<16xi32>
        %shift_right_logical3A_474 = arith.shrui %gather3A_471, %shift_right_logical3A_473 : vector<16xi32>
        %and3A_475 = arith.constant 4095 : i32
        %and3A_476 = vector.broadcast %and3A_475 : i32 to vector<16xi32>
        %and3A_477 = arith.andi %gather3A_471, %and3A_476 : vector<16xi32>
        %ge3A_478 = arith.constant 14 : i32
        %ge3A_479 = vector.broadcast %ge3A_478 : i32 to vector<16xi32>
        %ge3A_480 = arith.cmpi sge, %sub3A, %ge3A_479 : vector<16xi32>
        %gt3A_481 = arith.cmpi sgt, %shift_right_logical3A_474, %add3A_165 : vector<16xi32>
        %gt3A_482 = arith.constant 14 : i32
        %gt3A_483 = vector.broadcast %gt3A_482 : i32 to vector<16xi32>
        %gt3A_484 = arith.cmpi sgt, %sub3A, %gt3A_483 : vector<16xi32>
        %lt3A_485 = arith.cmpi slt, %and3A_477, %gather3A : vector<16xi32>
        %and3A_486 = arith.andi %gt3A_484, %lt3A_485 : vector<16xi1>
        %or3A_487 = arith.ori %gt3A_481, %and3A_486 : vector<16xi1>
        %and3A_488 = arith.andi %ge3A_480, %or3A_487 : vector<16xi1>
        %or3A_489 = arith.ori %or3A_467, %and3A_488 : vector<16xi1>
        %add3A_490 = arith.constant 15 : i32
        %add3A_491 = vector.broadcast %add3A_490 : i32 to vector<16xi32>
        %add3A_492 = arith.addi %gather3A, %add3A_491 : vector<16xi32>
        %gather3A_493 = tpu.vector_load_idx %arg15[%add3A_492] : memref<3120xi32, #tpu.memory_space<vmem>>[vector<16xi32>], vector<16xi32>,
        %shift_right_logical3A_494 = arith.constant 12 : i32
        %shift_right_logical3A_495 = vector.broadcast %shift_right_logical3A_494 : i32 to vector<16xi32>
        %shift_right_logical3A_496 = arith.shrui %gather3A_493, %shift_right_logical3A_495 : vector<16xi32>
        %and3A_497 = arith.constant 4095 : i32
        %and3A_498 = vector.broadcast %and3A_497 : i32 to vector<16xi32>
        %and3A_499 = arith.andi %gather3A_493, %and3A_498 : vector<16xi32>
        %ge3A_500 = arith.constant 15 : i32
        %ge3A_501 = vector.broadcast %ge3A_500 : i32 to vector<16xi32>
        %ge3A_502 = arith.cmpi sge, %sub3A, %ge3A_501 : vector<16xi32>
        %gt3A_503 = arith.cmpi sgt, %shift_right_logical3A_496, %add3A_165 : vector<16xi32>
        %gt3A_504 = arith.constant 15 : i32
        %gt3A_505 = vector.broadcast %gt3A_504 : i32 to vector<16xi32>
        %gt3A_506 = arith.cmpi sgt, %sub3A, %gt3A_505 : vector<16xi32>
        %lt3A_507 = arith.cmpi slt, %and3A_499, %gather3A : vector<16xi32>
        %and3A_508 = arith.andi %gt3A_506, %lt3A_507 : vector<16xi1>
        %or3A_509 = arith.ori %gt3A_503, %and3A_508 : vector<16xi1>
        %and3A_510 = arith.andi %ge3A_502, %or3A_509 : vector<16xi1>
        %or3A_511 = arith.ori %or3A_489, %and3A_510 : vector<16xi1>
        %add3A_512 = arith.constant 16 : i32
        %add3A_513 = vector.broadcast %add3A_512 : i32 to vector<16xi32>
        %add3A_514 = arith.addi %gather3A, %add3A_513 : vector<16xi32>
        %gather3A_515 = tpu.vector_load_idx %arg15[%add3A_514] : memref<3120xi32, #tpu.memory_space<vmem>>[vector<16xi32>], vector<16xi32>,
        %shift_right_logical3A_516 = arith.constant 12 : i32
        %shift_right_logical3A_517 = vector.broadcast %shift_right_logical3A_516 : i32 to vector<16xi32>
        %shift_right_logical3A_518 = arith.shrui %gather3A_515, %shift_right_logical3A_517 : vector<16xi32>
        %and3A_519 = arith.constant 4095 : i32
        %and3A_520 = vector.broadcast %and3A_519 : i32 to vector<16xi32>
        %and3A_521 = arith.andi %gather3A_515, %and3A_520 : vector<16xi32>
        %ge3A_522 = arith.constant 16 : i32
        %ge3A_523 = vector.broadcast %ge3A_522 : i32 to vector<16xi32>
        %ge3A_524 = arith.cmpi sge, %sub3A, %ge3A_523 : vector<16xi32>
        %gt3A_525 = arith.cmpi sgt, %shift_right_logical3A_518, %add3A_165 : vector<16xi32>
        %gt3A_526 = arith.constant 16 : i32
        %gt3A_527 = vector.broadcast %gt3A_526 : i32 to vector<16xi32>
        %gt3A_528 = arith.cmpi sgt, %sub3A, %gt3A_527 : vector<16xi32>
        %lt3A_529 = arith.cmpi slt, %and3A_521, %gather3A : vector<16xi32>
        %and3A_530 = arith.andi %gt3A_528, %lt3A_529 : vector<16xi1>
        %or3A_531 = arith.ori %gt3A_525, %and3A_530 : vector<16xi1>
        %and3A_532 = arith.andi %ge3A_524, %or3A_531 : vector<16xi1>
        %or3A_533 = arith.ori %or3A_511, %and3A_532 : vector<16xi1>
        %add3A_534 = arith.constant 17 : i32
        %add3A_535 = vector.broadcast %add3A_534 : i32 to vector<16xi32>
        %add3A_536 = arith.addi %gather3A, %add3A_535 : vector<16xi32>
        %gather3A_537 = tpu.vector_load_idx %arg15[%add3A_536] : memref<3120xi32, #tpu.memory_space<vmem>>[vector<16xi32>], vector<16xi32>,
        %shift_right_logical3A_538 = arith.constant 12 : i32
        %shift_right_logical3A_539 = vector.broadcast %shift_right_logical3A_538 : i32 to vector<16xi32>
        %shift_right_logical3A_540 = arith.shrui %gather3A_537, %shift_right_logical3A_539 : vector<16xi32>
        %and3A_541 = arith.constant 4095 : i32
        %and3A_542 = vector.broadcast %and3A_541 : i32 to vector<16xi32>
        %and3A_543 = arith.andi %gather3A_537, %and3A_542 : vector<16xi32>
        %ge3A_544 = arith.constant 17 : i32
        %ge3A_545 = vector.broadcast %ge3A_544 : i32 to vector<16xi32>
        %ge3A_546 = arith.cmpi sge, %sub3A, %ge3A_545 : vector<16xi32>
        %gt3A_547 = arith.cmpi sgt, %shift_right_logical3A_540, %add3A_165 : vector<16xi32>
        %gt3A_548 = arith.constant 17 : i32
        %gt3A_549 = vector.broadcast %gt3A_548 : i32 to vector<16xi32>
        %gt3A_550 = arith.cmpi sgt, %sub3A, %gt3A_549 : vector<16xi32>
        %lt3A_551 = arith.cmpi slt, %and3A_543, %gather3A : vector<16xi32>
        %and3A_552 = arith.andi %gt3A_550, %lt3A_551 : vector<16xi1>
        %or3A_553 = arith.ori %gt3A_547, %and3A_552 : vector<16xi1>
        %and3A_554 = arith.andi %ge3A_546, %or3A_553 : vector<16xi1>
        %or3A_555 = arith.ori %or3A_533, %and3A_554 : vector<16xi1>
        %add3A_556 = arith.constant 18 : i32
        %add3A_557 = vector.broadcast %add3A_556 : i32 to vector<16xi32>
        %add3A_558 = arith.addi %gather3A, %add3A_557 : vector<16xi32>
        %gather3A_559 = tpu.vector_load_idx %arg15[%add3A_558] : memref<3120xi32, #tpu.memory_space<vmem>>[vector<16xi32>], vector<16xi32>,
        %shift_right_logical3A_560 = arith.constant 12 : i32
        %shift_right_logical3A_561 = vector.broadcast %shift_right_logical3A_560 : i32 to vector<16xi32>
        %shift_right_logical3A_562 = arith.shrui %gather3A_559, %shift_right_logical3A_561 : vector<16xi32>
        %and3A_563 = arith.constant 4095 : i32
        %and3A_564 = vector.broadcast %and3A_563 : i32 to vector<16xi32>
        %and3A_565 = arith.andi %gather3A_559, %and3A_564 : vector<16xi32>
        %ge3A_566 = arith.constant 18 : i32
        %ge3A_567 = vector.broadcast %ge3A_566 : i32 to vector<16xi32>
        %ge3A_568 = arith.cmpi sge, %sub3A, %ge3A_567 : vector<16xi32>
        %gt3A_569 = arith.cmpi sgt, %shift_right_logical3A_562, %add3A_165 : vector<16xi32>
        %gt3A_570 = arith.constant 18 : i32
        %gt3A_571 = vector.broadcast %gt3A_570 : i32 to vector<16xi32>
        %gt3A_572 = arith.cmpi sgt, %sub3A, %gt3A_571 : vector<16xi32>
        %lt3A_573 = arith.cmpi slt, %and3A_565, %gather3A : vector<16xi32>
        %and3A_574 = arith.andi %gt3A_572, %lt3A_573 : vector<16xi1>
        %or3A_575 = arith.ori %gt3A_569, %and3A_574 : vector<16xi1>
        %and3A_576 = arith.andi %ge3A_568, %or3A_575 : vector<16xi1>
        %or3A_577 = arith.ori %or3A_555, %and3A_576 : vector<16xi1>
        %add3A_578 = arith.constant 19 : i32
        %add3A_579 = vector.broadcast %add3A_578 : i32 to vector<16xi32>
        %add3A_580 = arith.addi %gather3A, %add3A_579 : vector<16xi32>
        %gather3A_581 = tpu.vector_load_idx %arg15[%add3A_580] : memref<3120xi32, #tpu.memory_space<vmem>>[vector<16xi32>], vector<16xi32>,
        %shift_right_logical3A_582 = arith.constant 12 : i32
        %shift_right_logical3A_583 = vector.broadcast %shift_right_logical3A_582 : i32 to vector<16xi32>
        %shift_right_logical3A_584 = arith.shrui %gather3A_581, %shift_right_logical3A_583 : vector<16xi32>
        %and3A_585 = arith.constant 4095 : i32
        %and3A_586 = vector.broadcast %and3A_585 : i32 to vector<16xi32>
        %and3A_587 = arith.andi %gather3A_581, %and3A_586 : vector<16xi32>
        %ge3A_588 = arith.constant 19 : i32
        %ge3A_589 = vector.broadcast %ge3A_588 : i32 to vector<16xi32>
        %ge3A_590 = arith.cmpi sge, %sub3A, %ge3A_589 : vector<16xi32>
        %gt3A_591 = arith.cmpi sgt, %shift_right_logical3A_584, %add3A_165 : vector<16xi32>
        %gt3A_592 = arith.constant 19 : i32
        %gt3A_593 = vector.broadcast %gt3A_592 : i32 to vector<16xi32>
        %gt3A_594 = arith.cmpi sgt, %sub3A, %gt3A_593 : vector<16xi32>
        %lt3A_595 = arith.cmpi slt, %and3A_587, %gather3A : vector<16xi32>
        %and3A_596 = arith.andi %gt3A_594, %lt3A_595 : vector<16xi1>
        %or3A_597 = arith.ori %gt3A_591, %and3A_596 : vector<16xi1>
        %and3A_598 = arith.andi %ge3A_590, %or3A_597 : vector<16xi1>
        %or3A_599 = arith.ori %or3A_577, %and3A_598 : vector<16xi1>
        %add3A_600 = arith.constant 20 : i32
        %add3A_601 = vector.broadcast %add3A_600 : i32 to vector<16xi32>
        %add3A_602 = arith.addi %gather3A, %add3A_601 : vector<16xi32>
        %gather3A_603 = tpu.vector_load_idx %arg15[%add3A_602] : memref<3120xi32, #tpu.memory_space<vmem>>[vector<16xi32>], vector<16xi32>,
        %shift_right_logical3A_604 = arith.constant 12 : i32
        %shift_right_logical3A_605 = vector.broadcast %shift_right_logical3A_604 : i32 to vector<16xi32>
        %shift_right_logical3A_606 = arith.shrui %gather3A_603, %shift_right_logical3A_605 : vector<16xi32>
        %and3A_607 = arith.constant 4095 : i32
        %and3A_608 = vector.broadcast %and3A_607 : i32 to vector<16xi32>
        %and3A_609 = arith.andi %gather3A_603, %and3A_608 : vector<16xi32>
        %ge3A_610 = arith.constant 20 : i32
        %ge3A_611 = vector.broadcast %ge3A_610 : i32 to vector<16xi32>
        %ge3A_612 = arith.cmpi sge, %sub3A, %ge3A_611 : vector<16xi32>
        %gt3A_613 = arith.cmpi sgt, %shift_right_logical3A_606, %add3A_165 : vector<16xi32>
        %gt3A_614 = arith.constant 20 : i32
        %gt3A_615 = vector.broadcast %gt3A_614 : i32 to vector<16xi32>
        %gt3A_616 = arith.cmpi sgt, %sub3A, %gt3A_615 : vector<16xi32>
        %lt3A_617 = arith.cmpi slt, %and3A_609, %gather3A : vector<16xi32>
        %and3A_618 = arith.andi %gt3A_616, %lt3A_617 : vector<16xi1>
        %or3A_619 = arith.ori %gt3A_613, %and3A_618 : vector<16xi1>
        %and3A_620 = arith.andi %ge3A_612, %or3A_619 : vector<16xi1>
        %or3A_621 = arith.ori %or3A_599, %and3A_620 : vector<16xi1>
        %add3A_622 = arith.constant 21 : i32
        %add3A_623 = vector.broadcast %add3A_622 : i32 to vector<16xi32>
        %add3A_624 = arith.addi %gather3A, %add3A_623 : vector<16xi32>
        %gather3A_625 = tpu.vector_load_idx %arg15[%add3A_624] : memref<3120xi32, #tpu.memory_space<vmem>>[vector<16xi32>], vector<16xi32>,
        %shift_right_logical3A_626 = arith.constant 12 : i32
        %shift_right_logical3A_627 = vector.broadcast %shift_right_logical3A_626 : i32 to vector<16xi32>
        %shift_right_logical3A_628 = arith.shrui %gather3A_625, %shift_right_logical3A_627 : vector<16xi32>
        %and3A_629 = arith.constant 4095 : i32
        %and3A_630 = vector.broadcast %and3A_629 : i32 to vector<16xi32>
        %and3A_631 = arith.andi %gather3A_625, %and3A_630 : vector<16xi32>
        %ge3A_632 = arith.constant 21 : i32
        %ge3A_633 = vector.broadcast %ge3A_632 : i32 to vector<16xi32>
        %ge3A_634 = arith.cmpi sge, %sub3A, %ge3A_633 : vector<16xi32>
        %gt3A_635 = arith.cmpi sgt, %shift_right_logical3A_628, %add3A_165 : vector<16xi32>
        %gt3A_636 = arith.constant 21 : i32
        %gt3A_637 = vector.broadcast %gt3A_636 : i32 to vector<16xi32>
        %gt3A_638 = arith.cmpi sgt, %sub3A, %gt3A_637 : vector<16xi32>
        %lt3A_639 = arith.cmpi slt, %and3A_631, %gather3A : vector<16xi32>
        %and3A_640 = arith.andi %gt3A_638, %lt3A_639 : vector<16xi1>
        %or3A_641 = arith.ori %gt3A_635, %and3A_640 : vector<16xi1>
        %and3A_642 = arith.andi %ge3A_634, %or3A_641 : vector<16xi1>
        %or3A_643 = arith.ori %or3A_621, %and3A_642 : vector<16xi1>
        %add3A_644 = arith.constant 22 : i32
        %add3A_645 = vector.broadcast %add3A_644 : i32 to vector<16xi32>
        %add3A_646 = arith.addi %gather3A, %add3A_645 : vector<16xi32>
        %gather3A_647 = tpu.vector_load_idx %arg15[%add3A_646] : memref<3120xi32, #tpu.memory_space<vmem>>[vector<16xi32>], vector<16xi32>,
        %shift_right_logical3A_648 = arith.constant 12 : i32
        %shift_right_logical3A_649 = vector.broadcast %shift_right_logical3A_648 : i32 to vector<16xi32>
        %shift_right_logical3A_650 = arith.shrui %gather3A_647, %shift_right_logical3A_649 : vector<16xi32>
        %and3A_651 = arith.constant 4095 : i32
        %and3A_652 = vector.broadcast %and3A_651 : i32 to vector<16xi32>
        %and3A_653 = arith.andi %gather3A_647, %and3A_652 : vector<16xi32>
        %ge3A_654 = arith.constant 22 : i32
        %ge3A_655 = vector.broadcast %ge3A_654 : i32 to vector<16xi32>
        %ge3A_656 = arith.cmpi sge, %sub3A, %ge3A_655 : vector<16xi32>
        %gt3A_657 = arith.cmpi sgt, %shift_right_logical3A_650, %add3A_165 : vector<16xi32>
        %gt3A_658 = arith.constant 22 : i32
        %gt3A_659 = vector.broadcast %gt3A_658 : i32 to vector<16xi32>
        %gt3A_660 = arith.cmpi sgt, %sub3A, %gt3A_659 : vector<16xi32>
        %lt3A_661 = arith.cmpi slt, %and3A_653, %gather3A : vector<16xi32>
        %and3A_662 = arith.andi %gt3A_660, %lt3A_661 : vector<16xi1>
        %or3A_663 = arith.ori %gt3A_657, %and3A_662 : vector<16xi1>
        %and3A_664 = arith.andi %ge3A_656, %or3A_663 : vector<16xi1>
        %or3A_665 = arith.ori %or3A_643, %and3A_664 : vector<16xi1>
        %add3A_666 = arith.constant 23 : i32
        %add3A_667 = vector.broadcast %add3A_666 : i32 to vector<16xi32>
        %add3A_668 = arith.addi %gather3A, %add3A_667 : vector<16xi32>
        %gather3A_669 = tpu.vector_load_idx %arg15[%add3A_668] : memref<3120xi32, #tpu.memory_space<vmem>>[vector<16xi32>], vector<16xi32>,
        %shift_right_logical3A_670 = arith.constant 12 : i32
        %shift_right_logical3A_671 = vector.broadcast %shift_right_logical3A_670 : i32 to vector<16xi32>
        %shift_right_logical3A_672 = arith.shrui %gather3A_669, %shift_right_logical3A_671 : vector<16xi32>
        %and3A_673 = arith.constant 4095 : i32
        %and3A_674 = vector.broadcast %and3A_673 : i32 to vector<16xi32>
        %and3A_675 = arith.andi %gather3A_669, %and3A_674 : vector<16xi32>
        %ge3A_676 = arith.constant 23 : i32
        %ge3A_677 = vector.broadcast %ge3A_676 : i32 to vector<16xi32>
        %ge3A_678 = arith.cmpi sge, %sub3A, %ge3A_677 : vector<16xi32>
        %gt3A_679 = arith.cmpi sgt, %shift_right_logical3A_672, %add3A_165 : vector<16xi32>
        %gt3A_680 = arith.constant 23 : i32
        %gt3A_681 = vector.broadcast %gt3A_680 : i32 to vector<16xi32>
        %gt3A_682 = arith.cmpi sgt, %sub3A, %gt3A_681 : vector<16xi32>
        %lt3A_683 = arith.cmpi slt, %and3A_675, %gather3A : vector<16xi32>
        %and3A_684 = arith.andi %gt3A_682, %lt3A_683 : vector<16xi1>
        %or3A_685 = arith.ori %gt3A_679, %and3A_684 : vector<16xi1>
        %and3A_686 = arith.andi %ge3A_678, %or3A_685 : vector<16xi1>
        %or3A_687 = arith.ori %or3A_665, %and3A_686 : vector<16xi1>
        %add3A_688 = arith.constant 24 : i32
        %add3A_689 = vector.broadcast %add3A_688 : i32 to vector<16xi32>
        %add3A_690 = arith.addi %gather3A, %add3A_689 : vector<16xi32>
        %gather3A_691 = tpu.vector_load_idx %arg15[%add3A_690] : memref<3120xi32, #tpu.memory_space<vmem>>[vector<16xi32>], vector<16xi32>,
        %shift_right_logical3A_692 = arith.constant 12 : i32
        %shift_right_logical3A_693 = vector.broadcast %shift_right_logical3A_692 : i32 to vector<16xi32>
        %shift_right_logical3A_694 = arith.shrui %gather3A_691, %shift_right_logical3A_693 : vector<16xi32>
        %and3A_695 = arith.constant 4095 : i32
        %and3A_696 = vector.broadcast %and3A_695 : i32 to vector<16xi32>
        %and3A_697 = arith.andi %gather3A_691, %and3A_696 : vector<16xi32>
        %ge3A_698 = arith.constant 24 : i32
        %ge3A_699 = vector.broadcast %ge3A_698 : i32 to vector<16xi32>
        %ge3A_700 = arith.cmpi sge, %sub3A, %ge3A_699 : vector<16xi32>
        %gt3A_701 = arith.cmpi sgt, %shift_right_logical3A_694, %add3A_165 : vector<16xi32>
        %gt3A_702 = arith.constant 24 : i32
        %gt3A_703 = vector.broadcast %gt3A_702 : i32 to vector<16xi32>
        %gt3A_704 = arith.cmpi sgt, %sub3A, %gt3A_703 : vector<16xi32>
        %lt3A_705 = arith.cmpi slt, %and3A_697, %gather3A : vector<16xi32>
        %and3A_706 = arith.andi %gt3A_704, %lt3A_705 : vector<16xi1>
        %or3A_707 = arith.ori %gt3A_701, %and3A_706 : vector<16xi1>
        %and3A_708 = arith.andi %ge3A_700, %or3A_707 : vector<16xi1>
        %or3A_709 = arith.ori %or3A_687, %and3A_708 : vector<16xi1>
        %add3A_710 = arith.constant 25 : i32
        %add3A_711 = vector.broadcast %add3A_710 : i32 to vector<16xi32>
        %add3A_712 = arith.addi %gather3A, %add3A_711 : vector<16xi32>
        %gather3A_713 = tpu.vector_load_idx %arg15[%add3A_712] : memref<3120xi32, #tpu.memory_space<vmem>>[vector<16xi32>], vector<16xi32>,
        %shift_right_logical3A_714 = arith.constant 12 : i32
        %shift_right_logical3A_715 = vector.broadcast %shift_right_logical3A_714 : i32 to vector<16xi32>
        %shift_right_logical3A_716 = arith.shrui %gather3A_713, %shift_right_logical3A_715 : vector<16xi32>
        %and3A_717 = arith.constant 4095 : i32
        %and3A_718 = vector.broadcast %and3A_717 : i32 to vector<16xi32>
        %and3A_719 = arith.andi %gather3A_713, %and3A_718 : vector<16xi32>
        %ge3A_720 = arith.constant 25 : i32
        %ge3A_721 = vector.broadcast %ge3A_720 : i32 to vector<16xi32>
        %ge3A_722 = arith.cmpi sge, %sub3A, %ge3A_721 : vector<16xi32>
        %gt3A_723 = arith.cmpi sgt, %shift_right_logical3A_716, %add3A_165 : vector<16xi32>
        %gt3A_724 = arith.constant 25 : i32
        %gt3A_725 = vector.broadcast %gt3A_724 : i32 to vector<16xi32>
        %gt3A_726 = arith.cmpi sgt, %sub3A, %gt3A_725 : vector<16xi32>
        %lt3A_727 = arith.cmpi slt, %and3A_719, %gather3A : vector<16xi32>
        %and3A_728 = arith.andi %gt3A_726, %lt3A_727 : vector<16xi1>
        %or3A_729 = arith.ori %gt3A_723, %and3A_728 : vector<16xi1>
        %and3A_730 = arith.andi %ge3A_722, %or3A_729 : vector<16xi1>
        %or3A_731 = arith.ori %or3A_709, %and3A_730 : vector<16xi1>
        %add3A_732 = arith.constant 26 : i32
        %add3A_733 = vector.broadcast %add3A_732 : i32 to vector<16xi32>
        %add3A_734 = arith.addi %gather3A, %add3A_733 : vector<16xi32>
        %gather3A_735 = tpu.vector_load_idx %arg15[%add3A_734] : memref<3120xi32, #tpu.memory_space<vmem>>[vector<16xi32>], vector<16xi32>,
        %shift_right_logical3A_736 = arith.constant 12 : i32
        %shift_right_logical3A_737 = vector.broadcast %shift_right_logical3A_736 : i32 to vector<16xi32>
        %shift_right_logical3A_738 = arith.shrui %gather3A_735, %shift_right_logical3A_737 : vector<16xi32>
        %and3A_739 = arith.constant 4095 : i32
        %and3A_740 = vector.broadcast %and3A_739 : i32 to vector<16xi32>
        %and3A_741 = arith.andi %gather3A_735, %and3A_740 : vector<16xi32>
        %ge3A_742 = arith.constant 26 : i32
        %ge3A_743 = vector.broadcast %ge3A_742 : i32 to vector<16xi32>
        %ge3A_744 = arith.cmpi sge, %sub3A, %ge3A_743 : vector<16xi32>
        %gt3A_745 = arith.cmpi sgt, %shift_right_logical3A_738, %add3A_165 : vector<16xi32>
        %gt3A_746 = arith.constant 26 : i32
        %gt3A_747 = vector.broadcast %gt3A_746 : i32 to vector<16xi32>
        %gt3A_748 = arith.cmpi sgt, %sub3A, %gt3A_747 : vector<16xi32>
        %lt3A_749 = arith.cmpi slt, %and3A_741, %gather3A : vector<16xi32>
        %and3A_750 = arith.andi %gt3A_748, %lt3A_749 : vector<16xi1>
        %or3A_751 = arith.ori %gt3A_745, %and3A_750 : vector<16xi1>
        %and3A_752 = arith.andi %ge3A_744, %or3A_751 : vector<16xi1>
        %or3A_753 = arith.ori %or3A_731, %and3A_752 : vector<16xi1>
        %add3A_754 = arith.constant 27 : i32
        %add3A_755 = vector.broadcast %add3A_754 : i32 to vector<16xi32>
        %add3A_756 = arith.addi %gather3A, %add3A_755 : vector<16xi32>
        %gather3A_757 = tpu.vector_load_idx %arg15[%add3A_756] : memref<3120xi32, #tpu.memory_space<vmem>>[vector<16xi32>], vector<16xi32>,
        %shift_right_logical3A_758 = arith.constant 12 : i32
        %shift_right_logical3A_759 = vector.broadcast %shift_right_logical3A_758 : i32 to vector<16xi32>
        %shift_right_logical3A_760 = arith.shrui %gather3A_757, %shift_right_logical3A_759 : vector<16xi32>
        %and3A_761 = arith.constant 4095 : i32
        %and3A_762 = vector.broadcast %and3A_761 : i32 to vector<16xi32>
        %and3A_763 = arith.andi %gather3A_757, %and3A_762 : vector<16xi32>
        %ge3A_764 = arith.constant 27 : i32
        %ge3A_765 = vector.broadcast %ge3A_764 : i32 to vector<16xi32>
        %ge3A_766 = arith.cmpi sge, %sub3A, %ge3A_765 : vector<16xi32>
        %gt3A_767 = arith.cmpi sgt, %shift_right_logical3A_760, %add3A_165 : vector<16xi32>
        %gt3A_768 = arith.constant 27 : i32
        %gt3A_769 = vector.broadcast %gt3A_768 : i32 to vector<16xi32>
        %gt3A_770 = arith.cmpi sgt, %sub3A, %gt3A_769 : vector<16xi32>
        %lt3A_771 = arith.cmpi slt, %and3A_763, %gather3A : vector<16xi32>
        %and3A_772 = arith.andi %gt3A_770, %lt3A_771 : vector<16xi1>
        %or3A_773 = arith.ori %gt3A_767, %and3A_772 : vector<16xi1>
        %and3A_774 = arith.andi %ge3A_766, %or3A_773 : vector<16xi1>
        %or3A_775 = arith.ori %or3A_753, %and3A_774 : vector<16xi1>
        %add3A_776 = arith.constant 28 : i32
        %add3A_777 = vector.broadcast %add3A_776 : i32 to vector<16xi32>
        %add3A_778 = arith.addi %gather3A, %add3A_777 : vector<16xi32>
        %gather3A_779 = tpu.vector_load_idx %arg15[%add3A_778] : memref<3120xi32, #tpu.memory_space<vmem>>[vector<16xi32>], vector<16xi32>,
        %shift_right_logical3A_780 = arith.constant 12 : i32
        %shift_right_logical3A_781 = vector.broadcast %shift_right_logical3A_780 : i32 to vector<16xi32>
        %shift_right_logical3A_782 = arith.shrui %gather3A_779, %shift_right_logical3A_781 : vector<16xi32>
        %and3A_783 = arith.constant 4095 : i32
        %and3A_784 = vector.broadcast %and3A_783 : i32 to vector<16xi32>
        %and3A_785 = arith.andi %gather3A_779, %and3A_784 : vector<16xi32>
        %ge3A_786 = arith.constant 28 : i32
        %ge3A_787 = vector.broadcast %ge3A_786 : i32 to vector<16xi32>
        %ge3A_788 = arith.cmpi sge, %sub3A, %ge3A_787 : vector<16xi32>
        %gt3A_789 = arith.cmpi sgt, %shift_right_logical3A_782, %add3A_165 : vector<16xi32>
        %gt3A_790 = arith.constant 28 : i32
        %gt3A_791 = vector.broadcast %gt3A_790 : i32 to vector<16xi32>
        %gt3A_792 = arith.cmpi sgt, %sub3A, %gt3A_791 : vector<16xi32>
        %lt3A_793 = arith.cmpi slt, %and3A_785, %gather3A : vector<16xi32>
        %and3A_794 = arith.andi %gt3A_792, %lt3A_793 : vector<16xi1>
        %or3A_795 = arith.ori %gt3A_789, %and3A_794 : vector<16xi1>
        %and3A_796 = arith.andi %ge3A_788, %or3A_795 : vector<16xi1>
        %or3A_797 = arith.ori %or3A_775, %and3A_796 : vector<16xi1>
        %add3A_798 = arith.constant 29 : i32
        %add3A_799 = vector.broadcast %add3A_798 : i32 to vector<16xi32>
        %add3A_800 = arith.addi %gather3A, %add3A_799 : vector<16xi32>
        %gather3A_801 = tpu.vector_load_idx %arg15[%add3A_800] : memref<3120xi32, #tpu.memory_space<vmem>>[vector<16xi32>], vector<16xi32>,
        %shift_right_logical3A_802 = arith.constant 12 : i32
        %shift_right_logical3A_803 = vector.broadcast %shift_right_logical3A_802 : i32 to vector<16xi32>
        %shift_right_logical3A_804 = arith.shrui %gather3A_801, %shift_right_logical3A_803 : vector<16xi32>
        %and3A_805 = arith.constant 4095 : i32
        %and3A_806 = vector.broadcast %and3A_805 : i32 to vector<16xi32>
        %and3A_807 = arith.andi %gather3A_801, %and3A_806 : vector<16xi32>
        %ge3A_808 = arith.constant 29 : i32
        %ge3A_809 = vector.broadcast %ge3A_808 : i32 to vector<16xi32>
        %ge3A_810 = arith.cmpi sge, %sub3A, %ge3A_809 : vector<16xi32>
        %gt3A_811 = arith.cmpi sgt, %shift_right_logical3A_804, %add3A_165 : vector<16xi32>
        %gt3A_812 = arith.constant 29 : i32
        %gt3A_813 = vector.broadcast %gt3A_812 : i32 to vector<16xi32>
        %gt3A_814 = arith.cmpi sgt, %sub3A, %gt3A_813 : vector<16xi32>
        %lt3A_815 = arith.cmpi slt, %and3A_807, %gather3A : vector<16xi32>
        %and3A_816 = arith.andi %gt3A_814, %lt3A_815 : vector<16xi1>
        %or3A_817 = arith.ori %gt3A_811, %and3A_816 : vector<16xi1>
        %and3A_818 = arith.andi %ge3A_810, %or3A_817 : vector<16xi1>
        %or3A_819 = arith.ori %or3A_797, %and3A_818 : vector<16xi1>
        %not3A = arith.constant dense<true> : vector<16xi1>
        %not3A_820 = arith.xori %or3A_819, %not3A : vector<16xi1>
        %swap3A = arith.constant 0 : index
        %swap3A_821 = tpu.vector_load %arg21[%swap3A] masked %not3A_820 {strides = array<i32>} : memref<32xi32, #tpu.memory_space<vmem>>, vector<16xi32>, vector<16xi1>
        tpu.vector_store %arg21[%swap3A], %get3A_161 masked %not3A_820 {strides = array<i32>} : memref<32xi32, #tpu.memory_space<vmem>>, vector<16xi32>, vector<16xi1>
        %swap3A_822 = arith.constant 0 : index
        %swap3A_823 = tpu.vector_load %arg22[%swap3A_822] masked %not3A_820 {strides = array<i32>} : memref<32xi32, #tpu.memory_space<vmem>>, vector<16xi32>, vector<16xi1>
        tpu.vector_store %arg22[%swap3A_822], %gather3A masked %not3A_820 {strides = array<i32>} : memref<32xi32, #tpu.memory_space<vmem>>, vector<16xi32>, vector<16xi1>
        %swap3A_824 = arith.constant 0 : index
        %swap3A_825 = tpu.vector_load %arg23[%swap3A_824] masked %not3A_820 {strides = array<i32>} : memref<32xi32, #tpu.memory_space<vmem>>, vector<16xi32>, vector<16xi1>
        tpu.vector_store %arg23[%swap3A_824], %gather3A_162 masked %not3A_820 {strides = array<i32>} : memref<32xi32, #tpu.memory_space<vmem>>, vector<16xi32>, vector<16xi1>
        %all_reduce_population_count3A = tpu.all_reduce %not3A_820 {dim = 0 : i64, kind = #tpu.reduction_kind<sum>} : vector<16xi1> -> vector<16xi32>
        %slice3A_826 = vector.extract_strided_slice %all_reduce_population_count3A {offsets = [0], sizes = [1], strides = [1]} : vector<16xi32> to vector<1xi32>
        %squeeze3A_827 = vector.extract %slice3A_826[0] : i32 from vector<1xi32>
        %broadcast_in_dim3A = arith.constant -5 : i32
        %broadcast_in_dim3A_828 = vector.broadcast %broadcast_in_dim3A : i32 to vector<16xi32>
        %while3A = arith.constant 0 : i32
        %while3A_829 = arith.constant 0 : i32
        %while3A_830 = arith.subi %squeeze3A_827, %while3A : i32
        %while3A_831 = arith.addi %while3A, %while3A_830 : i32
        %while3A_832 = arith.constant 1 : i32
        %while3A_833 = arith.divsi %while3A_830, %while3A_832 : i32
        %while3A_834 = arith.muli %while3A_833, %while3A_832 : i32
        %while3A_835 = arith.addi %while3A, %while3A_834 : i32
        %while3A_836 = arith.constant 1 : i32
        %while3A_837:4 = scf.for %while3A_840 = %while3A to %while3A_835 step %while3A_836 iter_args(%while3A_841 = %scan3A_157, %while3A_842 = %while3A_829, %while3A_843 = %broadcast_in_dim3A_828, %while3A_844 = %broadcast_in_dim3A_828) -> (i32, i32, vector<16xi32>, vector<16xi32>)  : i32 {
          %get3A_845 = arith.index_cast %while3A_840 : i32 to index
          %get3A_846 = tpu.vector_load %arg22[%get3A_845] {strides = array<i32>} : memref<32xi32, #tpu.memory_space<vmem>>, vector<16xi32>,
          %slice3A_847 = vector.extract_strided_slice %get3A_846 {offsets = [0], sizes = [1], strides = [1]} : vector<16xi32> to vector<1xi32>
          %squeeze3A_848 = vector.extract %slice3A_847[0] : i32 from vector<1xi32>
          %get3A_849 = arith.index_cast %while3A_840 : i32 to index
          %get3A_850 = tpu.vector_load %arg23[%get3A_849] {strides = array<i32>} : memref<32xi32, #tpu.memory_space<vmem>>, vector<16xi32>,
          %slice3A_851 = vector.extract_strided_slice %get3A_850 {offsets = [0], sizes = [1], strides = [1]} : vector<16xi32> to vector<1xi32>
          %squeeze3A_852 = vector.extract %slice3A_851[0] : i32 from vector<1xi32>
          %get3A_853 = arith.index_cast %while3A_840 : i32 to index
          %get3A_854 = tpu.vector_load %arg21[%get3A_853] {strides = array<i32>} : memref<32xi32, #tpu.memory_space<vmem>>, vector<16xi32>,
          %slice3A_855 = vector.extract_strided_slice %get3A_854 {offsets = [0], sizes = [1], strides = [1]} : vector<16xi32> to vector<1xi32>
          %squeeze3A_856 = vector.extract %slice3A_855[0] : i32 from vector<1xi32>
          %lt3A_857 = vector.broadcast %squeeze3A_848 : i32 to vector<16xi32>
          %lt3A_858 = arith.cmpi slt, %lt3A_857, %while3A_843 : vector<16xi32>
          %le3A = vector.broadcast %squeeze3A_852 : i32 to vector<16xi32>
          %le3A_859 = arith.cmpi sle, %while3A_843, %le3A : vector<16xi32>
          %and3A_860 = arith.andi %lt3A_858, %le3A_859 : vector<16xi1>
          %lt3A_861 = vector.broadcast %squeeze3A_852 : i32 to vector<16xi32>
          %lt3A_862 = arith.cmpi slt, %lt3A_861, %while3A_844 : vector<16xi32>
          %and3A_863 = arith.andi %and3A_860, %lt3A_862 : vector<16xi1>
          %lt3A_864 = vector.broadcast %squeeze3A_848 : i32 to vector<16xi32>
          %lt3A_865 = arith.cmpi slt, %while3A_843, %lt3A_864 : vector<16xi32>
          %le3A_866 = vector.broadcast %squeeze3A_848 : i32 to vector<16xi32>
          %le3A_867 = arith.cmpi sle, %le3A_866, %while3A_844 : vector<16xi32>
          %and3A_868 = arith.andi %lt3A_865, %le3A_867 : vector<16xi1>
          %lt3A_869 = vector.broadcast %squeeze3A_852 : i32 to vector<16xi32>
          %lt3A_870 = arith.cmpi slt, %while3A_844, %lt3A_869 : vector<16xi32>
          %and3A_871 = arith.andi %and3A_868, %lt3A_870 : vector<16xi1>
          %or3A_872 = arith.ori %and3A_863, %and3A_871 : vector<16xi1>
          %all_reduce_population_count3A_873 = tpu.all_reduce %or3A_872 {dim = 0 : i64, kind = #tpu.reduction_kind<sum>} : vector<16xi1> -> vector<16xi32>
          %slice3A_874 = vector.extract_strided_slice %all_reduce_population_count3A_873 {offsets = [0], sizes = [1], strides = [1]} : vector<16xi32> to vector<1xi32>
          %squeeze3A_875 = vector.extract %slice3A_874[0] : i32 from vector<1xi32>
          %eq3A = arith.constant 0 : i32
          %eq3A_876 = arith.cmpi eq, %squeeze3A_875, %eq3A : i32
          %lt3A_877 = arith.constant 1000 : i32
          %lt3A_878 = arith.cmpi slt, %while3A_841, %lt3A_877 : i32
          %and3A_879 = arith.andi %eq3A_876, %lt3A_878 : i1
          %eq3A_880 = arith.constant 0 : i32
          %eq3A_881 = vector.broadcast %eq3A_880 : i32 to vector<16xi32>
          %eq3A_882 = arith.cmpi eq, %iota3A, %eq3A_881 : vector<16xi32>
          %eq3A_883 = arith.constant 1 : i32
          %eq3A_884 = vector.broadcast %eq3A_883 : i32 to vector<16xi32>
          %eq3A_885 = arith.cmpi eq, %iota3A, %eq3A_884 : vector<16xi32>
          %add3A_886 = arith.constant 2080 : i32
          %add3A_887 = arith.addi %add3A_886, %while3A_841 : i32
          %broadcast_in_dim3A_888 = vector.broadcast %squeeze3A_852 : i32 to vector<16xi32>
          %broadcast_in_dim3A_889 = vector.broadcast %add3A_887 : i32 to vector<16xi32>
          %select_n3A = arith.select %eq3A_885, %broadcast_in_dim3A_888, %broadcast_in_dim3A_889 : vector<16xi1>, vector<16xi32>
          %broadcast_in_dim3A_890 = vector.broadcast %squeeze3A_848 : i32 to vector<16xi32>
          %select_n3A_891 = arith.select %eq3A_882, %broadcast_in_dim3A_890, %select_n3A : vector<16xi1>, vector<16xi32>
          %gather3A_892 = tpu.vector_load_idx %arg15[%select_n3A_891] : memref<3120xi32, #tpu.memory_space<vmem>>[vector<16xi32>], vector<16xi32>,
          %shift_right_logical3A_893 = arith.constant 12 : i32
          %shift_right_logical3A_894 = vector.broadcast %shift_right_logical3A_893 : i32 to vector<16xi32>
          %shift_right_logical3A_895 = arith.shrui %gather3A_892, %shift_right_logical3A_894 : vector<16xi32>
          %and3A_896 = arith.constant 4095 : i32
          %and3A_897 = vector.broadcast %and3A_896 : i32 to vector<16xi32>
          %and3A_898 = arith.andi %gather3A_892, %and3A_897 : vector<16xi32>
          %add3A_899 = arith.constant 1 : i32
          %add3A_900 = arith.addi %squeeze3A_852, %add3A_899 : i32
          %max3A = vector.broadcast %add3A_900 : i32 to vector<16xi32>
          %max3A_901 = arith.maxsi %shift_right_logical3A_895, %max3A : vector<16xi32>
          %min3A = vector.broadcast %squeeze3A_848 : i32 to vector<16xi32>
          %min3A_902 = arith.minsi %and3A_898, %min3A : vector<16xi32>
          %shift_left3A = arith.constant 12 : i32
          %shift_left3A_903 = vector.broadcast %shift_left3A : i32 to vector<16xi32>
          %shift_left3A_904 = arith.shli %max3A_901, %shift_left3A_903 : vector<16xi32>
          %eq3A_905 = arith.cmpi eq, %squeeze3A_848, %squeeze3A_852 : i32
          %select_n3A_906 = arith.select %eq3A_905, %min3A_902, %and3A_898 : vector<16xi32>
          %or3A_907 = arith.ori %shift_left3A_904, %select_n3A_906 : vector<16xi32>
          %shift_left3A_908 = arith.constant 12 : i32
          %shift_left3A_909 = vector.broadcast %shift_left3A_908 : i32 to vector<16xi32>
          %shift_left3A_910 = arith.shli %shift_right_logical3A_895, %shift_left3A_909 : vector<16xi32>
          %or3A_911 = arith.ori %shift_left3A_910, %min3A_902 : vector<16xi32>
          %eq3A_912 = arith.constant 0 : i32
          %eq3A_913 = vector.broadcast %eq3A_912 : i32 to vector<16xi32>
          %eq3A_914 = arith.cmpi eq, %iota3A, %eq3A_913 : vector<16xi32>
          %eq3A_915 = arith.constant 1 : i32
          %eq3A_916 = vector.broadcast %eq3A_915 : i32 to vector<16xi32>
          %eq3A_917 = arith.cmpi eq, %iota3A, %eq3A_916 : vector<16xi32>
          %broadcast_in_dim3A_918 = vector.broadcast %squeeze3A_856 : i32 to vector<16xi32>
          %select_n3A_919 = arith.select %eq3A_917, %or3A_911, %broadcast_in_dim3A_918 : vector<16xi1>, vector<16xi32>
          %select_n3A_920 = arith.select %eq3A_914, %or3A_907, %select_n3A_919 : vector<16xi1>, vector<16xi32>
          %lt3A_921 = arith.constant 3 : i32
          %lt3A_922 = vector.broadcast %lt3A_921 : i32 to vector<16xi32>
          %lt3A_923 = arith.cmpi slt, %iota3A, %lt3A_922 : vector<16xi32>
          %and3A_924 = vector.broadcast %and3A_879 : i1 to vector<16xi1>
          %and3A_925 = arith.andi %lt3A_923, %and3A_924 : vector<16xi1>
          %eq3A_926 = arith.constant 1 : i32
          %eq3A_927 = vector.broadcast %eq3A_926 : i32 to vector<16xi32>
          %eq3A_928 = arith.cmpi eq, %iota3A, %eq3A_927 : vector<16xi32>
          %eq3A_929 = arith.cmpi eq, %squeeze3A_848, %squeeze3A_852 : i32
          %and3A_930 = vector.broadcast %eq3A_929 : i1 to vector<16xi1>
          %and3A_931 = arith.andi %eq3A_928, %and3A_930 : vector<16xi1>
          %not3A_932 = arith.constant dense<true> : vector<16xi1>
          %not3A_933 = arith.xori %and3A_931, %not3A_932 : vector<16xi1>
          %and3A_934 = arith.andi %and3A_925, %not3A_933 : vector<16xi1>
          tpu.vector_store_idx %arg15[%select_n3A_891], %select_n3A_920 masked %and3A_934 : memref<3120xi32, #tpu.memory_space<vmem>>[vector<16xi32>], vector<16xi32>, vector<16xi1>
          %eq3A_935 = vector.broadcast %while3A_842 : i32 to vector<16xi32>
          %eq3A_936 = arith.cmpi eq, %iota3A, %eq3A_935 : vector<16xi32>
          %and3A_937 = vector.broadcast %and3A_879 : i1 to vector<16xi1>
          %and3A_938 = arith.andi %eq3A_936, %and3A_937 : vector<16xi1>
          %convert_element_type3A_939 = arith.extui %and3A_879 : i1 to i32
          %add3A_940 = arith.addi %while3A_841, %convert_element_type3A_939 : i32
          %convert_element_type3A_941 = arith.extui %and3A_879 : i1 to i32
          %add3A_942 = arith.addi %while3A_842, %convert_element_type3A_941 : i32
          %broadcast_in_dim3A_943 = vector.broadcast %squeeze3A_848 : i32 to vector<16xi32>
          %select_n3A_944 = arith.select %and3A_938, %broadcast_in_dim3A_943, %while3A_843 : vector<16xi1>, vector<16xi32>
          %broadcast_in_dim3A_945 = vector.broadcast %squeeze3A_852 : i32 to vector<16xi32>
          %select_n3A_946 = arith.select %and3A_938, %broadcast_in_dim3A_945, %while3A_844 : vector<16xi1>, vector<16xi32>
          scf.yield %add3A_940, %add3A_942, %select_n3A_944, %select_n3A_946 : i32, i32, vector<16xi32>, vector<16xi32>
        }
        %while3A_838 = arith.constant 1 : i32
        %while3A_839:4 = scf.for %while3A_840 = %while3A_835 to %while3A_831 step %while3A_838 iter_args(%while3A_841 = %while3A_837#0, %while3A_842 = %while3A_837#1, %while3A_843 = %while3A_837#2, %while3A_844 = %while3A_837#3) -> (i32, i32, vector<16xi32>, vector<16xi32>)  : i32 {
          %get3A_845 = arith.index_cast %while3A_840 : i32 to index
          %get3A_846 = tpu.vector_load %arg22[%get3A_845] {strides = array<i32>} : memref<32xi32, #tpu.memory_space<vmem>>, vector<16xi32>,
          %slice3A_847 = vector.extract_strided_slice %get3A_846 {offsets = [0], sizes = [1], strides = [1]} : vector<16xi32> to vector<1xi32>
          %squeeze3A_848 = vector.extract %slice3A_847[0] : i32 from vector<1xi32>
          %get3A_849 = arith.index_cast %while3A_840 : i32 to index
          %get3A_850 = tpu.vector_load %arg23[%get3A_849] {strides = array<i32>} : memref<32xi32, #tpu.memory_space<vmem>>, vector<16xi32>,
          %slice3A_851 = vector.extract_strided_slice %get3A_850 {offsets = [0], sizes = [1], strides = [1]} : vector<16xi32> to vector<1xi32>
          %squeeze3A_852 = vector.extract %slice3A_851[0] : i32 from vector<1xi32>
          %get3A_853 = arith.index_cast %while3A_840 : i32 to index
          %get3A_854 = tpu.vector_load %arg21[%get3A_853] {strides = array<i32>} : memref<32xi32, #tpu.memory_space<vmem>>, vector<16xi32>,
          %slice3A_855 = vector.extract_strided_slice %get3A_854 {offsets = [0], sizes = [1], strides = [1]} : vector<16xi32> to vector<1xi32>
          %squeeze3A_856 = vector.extract %slice3A_855[0] : i32 from vector<1xi32>
          %lt3A_857 = vector.broadcast %squeeze3A_848 : i32 to vector<16xi32>
          %lt3A_858 = arith.cmpi slt, %lt3A_857, %while3A_843 : vector<16xi32>
          %le3A = vector.broadcast %squeeze3A_852 : i32 to vector<16xi32>
          %le3A_859 = arith.cmpi sle, %while3A_843, %le3A : vector<16xi32>
          %and3A_860 = arith.andi %lt3A_858, %le3A_859 : vector<16xi1>
          %lt3A_861 = vector.broadcast %squeeze3A_852 : i32 to vector<16xi32>
          %lt3A_862 = arith.cmpi slt, %lt3A_861, %while3A_844 : vector<16xi32>
          %and3A_863 = arith.andi %and3A_860, %lt3A_862 : vector<16xi1>
          %lt3A_864 = vector.broadcast %squeeze3A_848 : i32 to vector<16xi32>
          %lt3A_865 = arith.cmpi slt, %while3A_843, %lt3A_864 : vector<16xi32>
          %le3A_866 = vector.broadcast %squeeze3A_848 : i32 to vector<16xi32>
          %le3A_867 = arith.cmpi sle, %le3A_866, %while3A_844 : vector<16xi32>
          %and3A_868 = arith.andi %lt3A_865, %le3A_867 : vector<16xi1>
          %lt3A_869 = vector.broadcast %squeeze3A_852 : i32 to vector<16xi32>
          %lt3A_870 = arith.cmpi slt, %while3A_844, %lt3A_869 : vector<16xi32>
          %and3A_871 = arith.andi %and3A_868, %lt3A_870 : vector<16xi1>
          %or3A_872 = arith.ori %and3A_863, %and3A_871 : vector<16xi1>
          %all_reduce_population_count3A_873 = tpu.all_reduce %or3A_872 {dim = 0 : i64, kind = #tpu.reduction_kind<sum>} : vector<16xi1> -> vector<16xi32>
          %slice3A_874 = vector.extract_strided_slice %all_reduce_population_count3A_873 {offsets = [0], sizes = [1], strides = [1]} : vector<16xi32> to vector<1xi32>
          %squeeze3A_875 = vector.extract %slice3A_874[0] : i32 from vector<1xi32>
          %eq3A = arith.constant 0 : i32
          %eq3A_876 = arith.cmpi eq, %squeeze3A_875, %eq3A : i32
          %lt3A_877 = arith.constant 1000 : i32
          %lt3A_878 = arith.cmpi slt, %while3A_841, %lt3A_877 : i32
          %and3A_879 = arith.andi %eq3A_876, %lt3A_878 : i1
          %eq3A_880 = arith.constant 0 : i32
          %eq3A_881 = vector.broadcast %eq3A_880 : i32 to vector<16xi32>
          %eq3A_882 = arith.cmpi eq, %iota3A, %eq3A_881 : vector<16xi32>
          %eq3A_883 = arith.constant 1 : i32
          %eq3A_884 = vector.broadcast %eq3A_883 : i32 to vector<16xi32>
          %eq3A_885 = arith.cmpi eq, %iota3A, %eq3A_884 : vector<16xi32>
          %add3A_886 = arith.constant 2080 : i32
          %add3A_887 = arith.addi %add3A_886, %while3A_841 : i32
          %broadcast_in_dim3A_888 = vector.broadcast %squeeze3A_852 : i32 to vector<16xi32>
          %broadcast_in_dim3A_889 = vector.broadcast %add3A_887 : i32 to vector<16xi32>
          %select_n3A = arith.select %eq3A_885, %broadcast_in_dim3A_888, %broadcast_in_dim3A_889 : vector<16xi1>, vector<16xi32>
          %broadcast_in_dim3A_890 = vector.broadcast %squeeze3A_848 : i32 to vector<16xi32>
          %select_n3A_891 = arith.select %eq3A_882, %broadcast_in_dim3A_890, %select_n3A : vector<16xi1>, vector<16xi32>
          %gather3A_892 = tpu.vector_load_idx %arg15[%select_n3A_891] : memref<3120xi32, #tpu.memory_space<vmem>>[vector<16xi32>], vector<16xi32>,
          %shift_right_logical3A_893 = arith.constant 12 : i32
          %shift_right_logical3A_894 = vector.broadcast %shift_right_logical3A_893 : i32 to vector<16xi32>
          %shift_right_logical3A_895 = arith.shrui %gather3A_892, %shift_right_logical3A_894 : vector<16xi32>
          %and3A_896 = arith.constant 4095 : i32
          %and3A_897 = vector.broadcast %and3A_896 : i32 to vector<16xi32>
          %and3A_898 = arith.andi %gather3A_892, %and3A_897 : vector<16xi32>
          %add3A_899 = arith.constant 1 : i32
          %add3A_900 = arith.addi %squeeze3A_852, %add3A_899 : i32
          %max3A = vector.broadcast %add3A_900 : i32 to vector<16xi32>
          %max3A_901 = arith.maxsi %shift_right_logical3A_895, %max3A : vector<16xi32>
          %min3A = vector.broadcast %squeeze3A_848 : i32 to vector<16xi32>
          %min3A_902 = arith.minsi %and3A_898, %min3A : vector<16xi32>
          %shift_left3A = arith.constant 12 : i32
          %shift_left3A_903 = vector.broadcast %shift_left3A : i32 to vector<16xi32>
          %shift_left3A_904 = arith.shli %max3A_901, %shift_left3A_903 : vector<16xi32>
          %eq3A_905 = arith.cmpi eq, %squeeze3A_848, %squeeze3A_852 : i32
          %select_n3A_906 = arith.select %eq3A_905, %min3A_902, %and3A_898 : vector<16xi32>
          %or3A_907 = arith.ori %shift_left3A_904, %select_n3A_906 : vector<16xi32>
          %shift_left3A_908 = arith.constant 12 : i32
          %shift_left3A_909 = vector.broadcast %shift_left3A_908 : i32 to vector<16xi32>
          %shift_left3A_910 = arith.shli %shift_right_logical3A_895, %shift_left3A_909 : vector<16xi32>
          %or3A_911 = arith.ori %shift_left3A_910, %min3A_902 : vector<16xi32>
          %eq3A_912 = arith.constant 0 : i32
          %eq3A_913 = vector.broadcast %eq3A_912 : i32 to vector<16xi32>
          %eq3A_914 = arith.cmpi eq, %iota3A, %eq3A_913 : vector<16xi32>
          %eq3A_915 = arith.constant 1 : i32
          %eq3A_916 = vector.broadcast %eq3A_915 : i32 to vector<16xi32>
          %eq3A_917 = arith.cmpi eq, %iota3A, %eq3A_916 : vector<16xi32>
          %broadcast_in_dim3A_918 = vector.broadcast %squeeze3A_856 : i32 to vector<16xi32>
          %select_n3A_919 = arith.select %eq3A_917, %or3A_911, %broadcast_in_dim3A_918 : vector<16xi1>, vector<16xi32>
          %select_n3A_920 = arith.select %eq3A_914, %or3A_907, %select_n3A_919 : vector<16xi1>, vector<16xi32>
          %lt3A_921 = arith.constant 3 : i32
          %lt3A_922 = vector.broadcast %lt3A_921 : i32 to vector<16xi32>
          %lt3A_923 = arith.cmpi slt, %iota3A, %lt3A_922 : vector<16xi32>
          %and3A_924 = vector.broadcast %and3A_879 : i1 to vector<16xi1>
          %and3A_925 = arith.andi %lt3A_923, %and3A_924 : vector<16xi1>
          %eq3A_926 = arith.constant 1 : i32
          %eq3A_927 = vector.broadcast %eq3A_926 : i32 to vector<16xi32>
          %eq3A_928 = arith.cmpi eq, %iota3A, %eq3A_927 : vector<16xi32>
          %eq3A_929 = arith.cmpi eq, %squeeze3A_848, %squeeze3A_852 : i32
          %and3A_930 = vector.broadcast %eq3A_929 : i1 to vector<16xi1>
          %and3A_931 = arith.andi %eq3A_928, %and3A_930 : vector<16xi1>
          %not3A_932 = arith.constant dense<true> : vector<16xi1>
          %not3A_933 = arith.xori %and3A_931, %not3A_932 : vector<16xi1>
          %and3A_934 = arith.andi %and3A_925, %not3A_933 : vector<16xi1>
          tpu.vector_store_idx %arg15[%select_n3A_891], %select_n3A_920 masked %and3A_934 : memref<3120xi32, #tpu.memory_space<vmem>>[vector<16xi32>], vector<16xi32>, vector<16xi1>
          %eq3A_935 = vector.broadcast %while3A_842 : i32 to vector<16xi32>
          %eq3A_936 = arith.cmpi eq, %iota3A, %eq3A_935 : vector<16xi32>
          %and3A_937 = vector.broadcast %and3A_879 : i1 to vector<16xi1>
          %and3A_938 = arith.andi %eq3A_936, %and3A_937 : vector<16xi1>
          %convert_element_type3A_939 = arith.extui %and3A_879 : i1 to i32
          %add3A_940 = arith.addi %while3A_841, %convert_element_type3A_939 : i32
          %convert_element_type3A_941 = arith.extui %and3A_879 : i1 to i32
          %add3A_942 = arith.addi %while3A_842, %convert_element_type3A_941 : i32
          %broadcast_in_dim3A_943 = vector.broadcast %squeeze3A_848 : i32 to vector<16xi32>
          %select_n3A_944 = arith.select %and3A_938, %broadcast_in_dim3A_943, %while3A_843 : vector<16xi1>, vector<16xi32>
          %broadcast_in_dim3A_945 = vector.broadcast %squeeze3A_852 : i32 to vector<16xi32>
          %select_n3A_946 = arith.select %and3A_938, %broadcast_in_dim3A_945, %while3A_844 : vector<16xi1>, vector<16xi32>
          scf.yield %add3A_940, %add3A_942, %select_n3A_944, %select_n3A_946 : i32, i32, vector<16xi32>, vector<16xi32>
        }
        scf.yield %while3A_839#0 : i32
      }
      %scan3A_84 = arith.constant 313 : i32
      %scan3A_85 = arith.constant 0 : i32
      %scan3A_86 = arith.constant 0 : i32
      %scan3A_87 = arith.constant 64 : i32
      %scan3A_88 = arith.addi %scan3A_86, %scan3A_87 : i32
      %scan3A_89 = arith.constant 1 : i32
      scf.for %scan3A_156 = %scan3A_86 to %scan3A_88 step %scan3A_89  : i32 {
        %broadcast_in_dim3A = arith.constant 0 : i32
        %broadcast_in_dim3A_157 = vector.broadcast %broadcast_in_dim3A : i32 to vector<16xi32>
        %mul3A_158 = arith.constant 16 : i32
        %mul3A_159 = arith.muli %scan3A_156, %mul3A_158 : i32
        %swap3A = arith.index_cast %mul3A_159 : i32 to index
        %swap3A_160 = tpu.vector_load %arg13[%swap3A] {strides = array<i32>} : memref<1024xi32, #tpu.memory_space<vmem>>, vector<16xi32>,
        tpu.vector_store %arg13[%swap3A], %broadcast_in_dim3A_157 {strides = array<i32>} : memref<1024xi32, #tpu.memory_space<vmem>>, vector<16xi32>,
      }
      %scan3A_90 = arith.constant 64 : i32
      %scan3A_91 = arith.constant 0 : i32
      %scan3A_92 = arith.constant 0 : i32
      %scan3A_93 = arith.constant 64 : i32
      %scan3A_94 = arith.addi %scan3A_92, %scan3A_93 : i32
      %scan3A_95 = arith.constant 1 : i32
      scf.for %scan3A_156 = %scan3A_92 to %scan3A_94 step %scan3A_95  : i32 {
        %mul3A_157 = arith.constant 16 : i32
        %mul3A_158 = arith.muli %scan3A_156, %mul3A_157 : i32
        %add3A_159 = vector.broadcast %mul3A_158 : i32 to vector<16xi32>
        %add3A_160 = arith.addi %add3A_159, %iota3A : vector<16xi32>
        %add3A_161 = arith.constant 2080 : i32
        %add3A_162 = vector.broadcast %add3A_161 : i32 to vector<16xi32>
        %add3A_163 = arith.addi %add3A_162, %add3A_160 : vector<16xi32>
        %gather3A = tpu.vector_load_idx %arg15[%add3A_163] : memref<3120xi32, #tpu.memory_space<vmem>>[vector<16xi32>], vector<16xi32>,
        %gather3A_164 = tpu.vector_load_idx %arg7[%gather3A] : memref<5120xi32, #tpu.memory_space<vmem>>[vector<16xi32>], vector<16xi32>,
        %gather3A_165 = tpu.vector_load_idx %arg8[%gather3A] : memref<5120xi32, #tpu.memory_space<vmem>>[vector<16xi32>], vector<16xi32>,
        %mul3A_166 = arith.constant 2048 : i32
        %mul3A_167 = vector.broadcast %mul3A_166 : i32 to vector<16xi32>
        %mul3A_168 = arith.muli %gather3A_164, %mul3A_167 : vector<16xi32>
        %add3A_169 = arith.addi %mul3A_168, %gather3A_165 : vector<16xi32>
        %mul3A_170 = arith.constant 1024 : i32
        %mul3A_171 = vector.broadcast %mul3A_170 : i32 to vector<16xi32>
        %mul3A_172 = arith.muli %add3A_169, %mul3A_171 : vector<16xi32>
        %add3A_173 = arith.addi %mul3A_172, %add3A_160 : vector<16xi32>
        %lt3A_174 = vector.broadcast %scan3A_83 : i32 to vector<16xi32>
        %lt3A_175 = arith.cmpi slt, %add3A_160, %lt3A_174 : vector<16xi32>
        %jit3A = arith.constant -1 : i32
        %broadcast_in_dim3A = vector.broadcast %jit3A : i32 to vector<16xi32>
        %select_n3A = arith.select %lt3A_175, %add3A_173, %broadcast_in_dim3A : vector<16xi1>, vector<16xi32>
        %mul3A_176 = arith.constant 16 : i32
        %mul3A_177 = arith.muli %scan3A_156, %mul3A_176 : i32
        %swap3A = arith.index_cast %mul3A_177 : i32 to index
        %swap3A_178 = tpu.vector_load %arg16[%swap3A] {strides = array<i32>} : memref<1024xi32, #tpu.memory_space<vmem>>, vector<16xi32>,
        tpu.vector_store %arg16[%swap3A], %select_n3A {strides = array<i32>} : memref<1024xi32, #tpu.memory_space<vmem>>, vector<16xi32>,
        %mul3A_179 = arith.constant 16 : i32
        %mul3A_180 = arith.muli %scan3A_156, %mul3A_179 : i32
        %swap3A_181 = arith.index_cast %mul3A_180 : i32 to index
        %swap3A_182 = tpu.vector_load %arg18[%swap3A_181] {strides = array<i32>} : memref<1024xi32, #tpu.memory_space<vmem>>, vector<16xi32>,
        tpu.vector_store %arg18[%swap3A_181], %gather3A {strides = array<i32>} : memref<1024xi32, #tpu.memory_space<vmem>>, vector<16xi32>,
        %and3A = arith.constant 255 : i32
        %and3A_183 = vector.broadcast %and3A : i32 to vector<16xi32>
        %and3A_184 = arith.andi %select_n3A, %and3A_183 : vector<16xi32>
        %broadcast_in_dim3A_185 = arith.constant true
        %broadcast_in_dim3A_186 = vector.broadcast %broadcast_in_dim3A_185 : i1 to vector<16xi1>
        %unique3A, %unique3A_187 = tpu.scan_count mask(%broadcast_in_dim3A_186 : vector<16xi1>) value(%and3A_184 : vector<16xi32>) : vector<16xi1>, vector<16xi32>
        tpu.vector_store_idx %arg13[%and3A_184], %unique3A_187 masked %unique3A {add = true} : memref<1024xi32, #tpu.memory_space<vmem>>[vector<16xi32>], vector<16xi32>, vector<16xi1>
      }
      %scan3A_96 = arith.constant 64 : i32
      %scan3A_97 = arith.constant 0 : i32
      %scan3A_98 = arith.constant 0 : i32
      %scan3A_99 = arith.constant 16 : i32
      %scan3A_100 = arith.addi %scan3A_98, %scan3A_99 : i32
      %scan3A_101 = arith.constant 1 : i32
      %scan3A_102 = scf.for %scan3A_156 = %scan3A_98 to %scan3A_100 step %scan3A_101 iter_args(%scan3A_157 = %scan3A_97) -> (i32)  : i32 {
        %mul3A_158 = arith.constant 16 : i32
        %mul3A_159 = arith.muli %scan3A_156, %mul3A_158 : i32
        %add3A_160 = arith.constant 0 : i32
        %add3A_161 = arith.addi %add3A_160, %mul3A_159 : i32
        %get3A_162 = arith.index_cast %add3A_161 : i32 to index
        %get3A_163 = tpu.vector_load %arg13[%get3A_162] {strides = array<i32>} : memref<1024xi32, #tpu.memory_space<vmem>>, vector<16xi32>,
        %broadcast_in_dim3A = arith.constant true
        %broadcast_in_dim3A_164 = vector.broadcast %broadcast_in_dim3A : i1 to vector<16xi1>
        %masked_cumsum3A = tpu.scan <sum>, %get3A_163 masked %broadcast_in_dim3A_164 : vector<16xi32>, vector<16xi1> -> vector<16xi32>
        %sub3A = arith.subi %masked_cumsum3A, %get3A_163 : vector<16xi32>
        %add3A_165 = vector.broadcast %scan3A_157 : i32 to vector<16xi32>
        %add3A_166 = arith.addi %sub3A, %add3A_165 : vector<16xi32>
        %mul3A_167 = arith.constant 16 : i32
        %mul3A_168 = arith.muli %scan3A_156, %mul3A_167 : i32
        %swap3A = arith.index_cast %mul3A_168 : i32 to index
        %swap3A_169 = tpu.vector_load %arg14[%swap3A] {strides = array<i32>} : memref<256xi32, #tpu.memory_space<vmem>>, vector<16xi32>,
        tpu.vector_store %arg14[%swap3A], %add3A_166 {strides = array<i32>} : memref<256xi32, #tpu.memory_space<vmem>>, vector<16xi32>,
        %reduce_sum3A = arith.constant true
        %reduce_sum3A_170 = vector.broadcast %reduce_sum3A : i1 to vector<16xi1>
        %reduce_sum3A_171 = tpu.scan <sum>, %get3A_163 masked %reduce_sum3A_170 : vector<16xi32>, vector<16xi1> -> vector<16xi32>
        %reduce_sum3A_172 = vector.extract %reduce_sum3A_171[15] : i32 from vector<16xi32>
        %add3A_173 = arith.addi %scan3A_157, %reduce_sum3A_172 : i32
        scf.yield %add3A_173 : i32
      }
      %scan3A_103 = arith.constant 16 : i32
      %scan3A_104 = arith.constant 0 : i32
      %scan3A_105 = arith.constant 0 : i32
      %scan3A_106 = arith.constant 64 : i32
      %scan3A_107 = arith.addi %scan3A_105, %scan3A_106 : i32
      %scan3A_108 = arith.constant 1 : i32
      scf.for %scan3A_156 = %scan3A_105 to %scan3A_107 step %scan3A_108  : i32 {
        %mul3A_157 = arith.constant 16 : i32
        %mul3A_158 = arith.muli %scan3A_156, %mul3A_157 : i32
        %get3A_159 = arith.index_cast %mul3A_158 : i32 to index
        %get3A_160 = tpu.vector_load %arg16[%get3A_159] {strides = array<i32>} : memref<1024xi32, #tpu.memory_space<vmem>>, vector<16xi32>,
        %mul3A_161 = arith.constant 16 : i32
        %mul3A_162 = arith.muli %scan3A_156, %mul3A_161 : i32
        %get3A_163 = arith.index_cast %mul3A_162 : i32 to index
        %get3A_164 = tpu.vector_load %arg18[%get3A_163] {strides = array<i32>} : memref<1024xi32, #tpu.memory_space<vmem>>, vector<16xi32>,
        %shift_right_logical3A = arith.constant 0 : i32
        %shift_right_logical3A_165 = vector.broadcast %shift_right_logical3A : i32 to vector<16xi32>
        %shift_right_logical3A_166 = arith.shrui %get3A_160, %shift_right_logical3A_165 : vector<16xi32>
        %and3A = arith.constant 255 : i32
        %and3A_167 = vector.broadcast %and3A : i32 to vector<16xi32>
        %and3A_168 = arith.andi %shift_right_logical3A_166, %and3A_167 : vector<16xi32>
        %broadcast_in_dim3A = arith.constant true
        %broadcast_in_dim3A_169 = vector.broadcast %broadcast_in_dim3A : i1 to vector<16xi1>
        %unique3A, %unique3A_170 = tpu.scan_count mask(%broadcast_in_dim3A_169 : vector<16xi1>) value(%and3A_168 : vector<16xi32>) : vector<16xi1>, vector<16xi32>
        %gather3A = tpu.vector_load_idx %arg14[%and3A_168] : memref<256xi32, #tpu.memory_space<vmem>>[vector<16xi32>], vector<16xi32>,
        %add3A_171 = arith.addi %gather3A, %unique3A_170 : vector<16xi32>
        %sub3A = arith.constant 1 : i32
        %sub3A_172 = vector.broadcast %sub3A : i32 to vector<16xi32>
        %sub3A_173 = arith.subi %add3A_171, %sub3A_172 : vector<16xi32>
        tpu.vector_store_idx %arg17[%sub3A_173], %get3A_160 : memref<1024xi32, #tpu.memory_space<vmem>>[vector<16xi32>], vector<16xi32>,
        tpu.vector_store_idx %arg19[%sub3A_173], %get3A_164 : memref<1024xi32, #tpu.memory_space<vmem>>[vector<16xi32>], vector<16xi32>,
        tpu.vector_store_idx %arg14[%and3A_168], %unique3A_170 masked %unique3A {add = true} : memref<256xi32, #tpu.memory_space<vmem>>[vector<16xi32>], vector<16xi32>, vector<16xi1>
        %shift_right_logical3A_174 = arith.constant 8 : i32
        %shift_right_logical3A_175 = vector.broadcast %shift_right_logical3A_174 : i32 to vector<16xi32>
        %shift_right_logical3A_176 = arith.shrui %get3A_160, %shift_right_logical3A_175 : vector<16xi32>
        %and3A_177 = arith.constant 255 : i32
        %and3A_178 = vector.broadcast %and3A_177 : i32 to vector<16xi32>
        %and3A_179 = arith.andi %shift_right_logical3A_176, %and3A_178 : vector<16xi32>
        %broadcast_in_dim3A_180 = arith.constant true
        %broadcast_in_dim3A_181 = vector.broadcast %broadcast_in_dim3A_180 : i1 to vector<16xi1>
        %unique3A_182, %unique3A_183 = tpu.scan_count mask(%broadcast_in_dim3A_181 : vector<16xi1>) value(%and3A_179 : vector<16xi32>) : vector<16xi1>, vector<16xi32>
        %add3A_184 = arith.constant 256 : i32
        %add3A_185 = vector.broadcast %add3A_184 : i32 to vector<16xi32>
        %add3A_186 = arith.addi %and3A_179, %add3A_185 : vector<16xi32>
        tpu.vector_store_idx %arg13[%add3A_186], %unique3A_183 masked %unique3A_182 {add = true} : memref<1024xi32, #tpu.memory_space<vmem>>[vector<16xi32>], vector<16xi32>, vector<16xi1>
      }
      %scan3A_109 = arith.constant 64 : i32
      %scan3A_110 = arith.constant 0 : i32
      %scan3A_111 = arith.constant 0 : i32
      %scan3A_112 = arith.constant 16 : i32
      %scan3A_113 = arith.addi %scan3A_111, %scan3A_112 : i32
      %scan3A_114 = arith.constant 1 : i32
      %scan3A_115 = scf.for %scan3A_156 = %scan3A_111 to %scan3A_113 step %scan3A_114 iter_args(%scan3A_157 = %scan3A_110) -> (i32)  : i32 {
        %mul3A_158 = arith.constant 16 : i32
        %mul3A_159 = arith.muli %scan3A_156, %mul3A_158 : i32
        %add3A_160 = arith.constant 256 : i32
        %add3A_161 = arith.addi %add3A_160, %mul3A_159 : i32
        %get3A_162 = arith.index_cast %add3A_161 : i32 to index
        %get3A_163 = tpu.vector_load %arg13[%get3A_162] {strides = array<i32>} : memref<1024xi32, #tpu.memory_space<vmem>>, vector<16xi32>,
        %broadcast_in_dim3A = arith.constant true
        %broadcast_in_dim3A_164 = vector.broadcast %broadcast_in_dim3A : i1 to vector<16xi1>
        %masked_cumsum3A = tpu.scan <sum>, %get3A_163 masked %broadcast_in_dim3A_164 : vector<16xi32>, vector<16xi1> -> vector<16xi32>
        %sub3A = arith.subi %masked_cumsum3A, %get3A_163 : vector<16xi32>
        %add3A_165 = vector.broadcast %scan3A_157 : i32 to vector<16xi32>
        %add3A_166 = arith.addi %sub3A, %add3A_165 : vector<16xi32>
        %mul3A_167 = arith.constant 16 : i32
        %mul3A_168 = arith.muli %scan3A_156, %mul3A_167 : i32
        %swap3A = arith.index_cast %mul3A_168 : i32 to index
        %swap3A_169 = tpu.vector_load %arg14[%swap3A] {strides = array<i32>} : memref<256xi32, #tpu.memory_space<vmem>>, vector<16xi32>,
        tpu.vector_store %arg14[%swap3A], %add3A_166 {strides = array<i32>} : memref<256xi32, #tpu.memory_space<vmem>>, vector<16xi32>,
        %reduce_sum3A = arith.constant true
        %reduce_sum3A_170 = vector.broadcast %reduce_sum3A : i1 to vector<16xi1>
        %reduce_sum3A_171 = tpu.scan <sum>, %get3A_163 masked %reduce_sum3A_170 : vector<16xi32>, vector<16xi1> -> vector<16xi32>
        %reduce_sum3A_172 = vector.extract %reduce_sum3A_171[15] : i32 from vector<16xi32>
        %add3A_173 = arith.addi %scan3A_157, %reduce_sum3A_172 : i32
        scf.yield %add3A_173 : i32
      }
      %scan3A_116 = arith.constant 16 : i32
      %scan3A_117 = arith.constant 0 : i32
      %scan3A_118 = arith.constant 0 : i32
      %scan3A_119 = arith.constant 64 : i32
      %scan3A_120 = arith.addi %scan3A_118, %scan3A_119 : i32
      %scan3A_121 = arith.constant 1 : i32
      scf.for %scan3A_156 = %scan3A_118 to %scan3A_120 step %scan3A_121  : i32 {
        %mul3A_157 = arith.constant 16 : i32
        %mul3A_158 = arith.muli %scan3A_156, %mul3A_157 : i32
        %get3A_159 = arith.index_cast %mul3A_158 : i32 to index
        %get3A_160 = tpu.vector_load %arg17[%get3A_159] {strides = array<i32>} : memref<1024xi32, #tpu.memory_space<vmem>>, vector<16xi32>,
        %mul3A_161 = arith.constant 16 : i32
        %mul3A_162 = arith.muli %scan3A_156, %mul3A_161 : i32
        %get3A_163 = arith.index_cast %mul3A_162 : i32 to index
        %get3A_164 = tpu.vector_load %arg19[%get3A_163] {strides = array<i32>} : memref<1024xi32, #tpu.memory_space<vmem>>, vector<16xi32>,
        %shift_right_logical3A = arith.constant 8 : i32
        %shift_right_logical3A_165 = vector.broadcast %shift_right_logical3A : i32 to vector<16xi32>
        %shift_right_logical3A_166 = arith.shrui %get3A_160, %shift_right_logical3A_165 : vector<16xi32>
        %and3A = arith.constant 255 : i32
        %and3A_167 = vector.broadcast %and3A : i32 to vector<16xi32>
        %and3A_168 = arith.andi %shift_right_logical3A_166, %and3A_167 : vector<16xi32>
        %broadcast_in_dim3A = arith.constant true
        %broadcast_in_dim3A_169 = vector.broadcast %broadcast_in_dim3A : i1 to vector<16xi1>
        %unique3A, %unique3A_170 = tpu.scan_count mask(%broadcast_in_dim3A_169 : vector<16xi1>) value(%and3A_168 : vector<16xi32>) : vector<16xi1>, vector<16xi32>
        %gather3A = tpu.vector_load_idx %arg14[%and3A_168] : memref<256xi32, #tpu.memory_space<vmem>>[vector<16xi32>], vector<16xi32>,
        %add3A_171 = arith.addi %gather3A, %unique3A_170 : vector<16xi32>
        %sub3A = arith.constant 1 : i32
        %sub3A_172 = vector.broadcast %sub3A : i32 to vector<16xi32>
        %sub3A_173 = arith.subi %add3A_171, %sub3A_172 : vector<16xi32>
        tpu.vector_store_idx %arg16[%sub3A_173], %get3A_160 : memref<1024xi32, #tpu.memory_space<vmem>>[vector<16xi32>], vector<16xi32>,
        tpu.vector_store_idx %arg18[%sub3A_173], %get3A_164 : memref<1024xi32, #tpu.memory_space<vmem>>[vector<16xi32>], vector<16xi32>,
        tpu.vector_store_idx %arg14[%and3A_168], %unique3A_170 masked %unique3A {add = true} : memref<256xi32, #tpu.memory_space<vmem>>[vector<16xi32>], vector<16xi32>, vector<16xi1>
        %shift_right_logical3A_174 = arith.constant 16 : i32
        %shift_right_logical3A_175 = vector.broadcast %shift_right_logical3A_174 : i32 to vector<16xi32>
        %shift_right_logical3A_176 = arith.shrui %get3A_160, %shift_right_logical3A_175 : vector<16xi32>
        %and3A_177 = arith.constant 255 : i32
        %and3A_178 = vector.broadcast %and3A_177 : i32 to vector<16xi32>
        %and3A_179 = arith.andi %shift_right_logical3A_176, %and3A_178 : vector<16xi32>
        %broadcast_in_dim3A_180 = arith.constant true
        %broadcast_in_dim3A_181 = vector.broadcast %broadcast_in_dim3A_180 : i1 to vector<16xi1>
        %unique3A_182, %unique3A_183 = tpu.scan_count mask(%broadcast_in_dim3A_181 : vector<16xi1>) value(%and3A_179 : vector<16xi32>) : vector<16xi1>, vector<16xi32>
        %add3A_184 = arith.constant 512 : i32
        %add3A_185 = vector.broadcast %add3A_184 : i32 to vector<16xi32>
        %add3A_186 = arith.addi %and3A_179, %add3A_185 : vector<16xi32>
        tpu.vector_store_idx %arg13[%add3A_186], %unique3A_183 masked %unique3A_182 {add = true} : memref<1024xi32, #tpu.memory_space<vmem>>[vector<16xi32>], vector<16xi32>, vector<16xi1>
      }
      %scan3A_122 = arith.constant 64 : i32
      %scan3A_123 = arith.constant 0 : i32
      %scan3A_124 = arith.constant 0 : i32
      %scan3A_125 = arith.constant 16 : i32
      %scan3A_126 = arith.addi %scan3A_124, %scan3A_125 : i32
      %scan3A_127 = arith.constant 1 : i32
      %scan3A_128 = scf.for %scan3A_156 = %scan3A_124 to %scan3A_126 step %scan3A_127 iter_args(%scan3A_157 = %scan3A_123) -> (i32)  : i32 {
        %mul3A_158 = arith.constant 16 : i32
        %mul3A_159 = arith.muli %scan3A_156, %mul3A_158 : i32
        %add3A_160 = arith.constant 512 : i32
        %add3A_161 = arith.addi %add3A_160, %mul3A_159 : i32
        %get3A_162 = arith.index_cast %add3A_161 : i32 to index
        %get3A_163 = tpu.vector_load %arg13[%get3A_162] {strides = array<i32>} : memref<1024xi32, #tpu.memory_space<vmem>>, vector<16xi32>,
        %broadcast_in_dim3A = arith.constant true
        %broadcast_in_dim3A_164 = vector.broadcast %broadcast_in_dim3A : i1 to vector<16xi1>
        %masked_cumsum3A = tpu.scan <sum>, %get3A_163 masked %broadcast_in_dim3A_164 : vector<16xi32>, vector<16xi1> -> vector<16xi32>
        %sub3A = arith.subi %masked_cumsum3A, %get3A_163 : vector<16xi32>
        %add3A_165 = vector.broadcast %scan3A_157 : i32 to vector<16xi32>
        %add3A_166 = arith.addi %sub3A, %add3A_165 : vector<16xi32>
        %mul3A_167 = arith.constant 16 : i32
        %mul3A_168 = arith.muli %scan3A_156, %mul3A_167 : i32
        %swap3A = arith.index_cast %mul3A_168 : i32 to index
        %swap3A_169 = tpu.vector_load %arg14[%swap3A] {strides = array<i32>} : memref<256xi32, #tpu.memory_space<vmem>>, vector<16xi32>,
        tpu.vector_store %arg14[%swap3A], %add3A_166 {strides = array<i32>} : memref<256xi32, #tpu.memory_space<vmem>>, vector<16xi32>,
        %reduce_sum3A = arith.constant true
        %reduce_sum3A_170 = vector.broadcast %reduce_sum3A : i1 to vector<16xi1>
        %reduce_sum3A_171 = tpu.scan <sum>, %get3A_163 masked %reduce_sum3A_170 : vector<16xi32>, vector<16xi1> -> vector<16xi32>
        %reduce_sum3A_172 = vector.extract %reduce_sum3A_171[15] : i32 from vector<16xi32>
        %add3A_173 = arith.addi %scan3A_157, %reduce_sum3A_172 : i32
        scf.yield %add3A_173 : i32
      }
      %scan3A_129 = arith.constant 16 : i32
      %scan3A_130 = arith.constant 0 : i32
      %scan3A_131 = arith.constant 0 : i32
      %scan3A_132 = arith.constant 64 : i32
      %scan3A_133 = arith.addi %scan3A_131, %scan3A_132 : i32
      %scan3A_134 = arith.constant 1 : i32
      scf.for %scan3A_156 = %scan3A_131 to %scan3A_133 step %scan3A_134  : i32 {
        %mul3A_157 = arith.constant 16 : i32
        %mul3A_158 = arith.muli %scan3A_156, %mul3A_157 : i32
        %get3A_159 = arith.index_cast %mul3A_158 : i32 to index
        %get3A_160 = tpu.vector_load %arg16[%get3A_159] {strides = array<i32>} : memref<1024xi32, #tpu.memory_space<vmem>>, vector<16xi32>,
        %mul3A_161 = arith.constant 16 : i32
        %mul3A_162 = arith.muli %scan3A_156, %mul3A_161 : i32
        %get3A_163 = arith.index_cast %mul3A_162 : i32 to index
        %get3A_164 = tpu.vector_load %arg18[%get3A_163] {strides = array<i32>} : memref<1024xi32, #tpu.memory_space<vmem>>, vector<16xi32>,
        %shift_right_logical3A = arith.constant 16 : i32
        %shift_right_logical3A_165 = vector.broadcast %shift_right_logical3A : i32 to vector<16xi32>
        %shift_right_logical3A_166 = arith.shrui %get3A_160, %shift_right_logical3A_165 : vector<16xi32>
        %and3A = arith.constant 255 : i32
        %and3A_167 = vector.broadcast %and3A : i32 to vector<16xi32>
        %and3A_168 = arith.andi %shift_right_logical3A_166, %and3A_167 : vector<16xi32>
        %broadcast_in_dim3A = arith.constant true
        %broadcast_in_dim3A_169 = vector.broadcast %broadcast_in_dim3A : i1 to vector<16xi1>
        %unique3A, %unique3A_170 = tpu.scan_count mask(%broadcast_in_dim3A_169 : vector<16xi1>) value(%and3A_168 : vector<16xi32>) : vector<16xi1>, vector<16xi32>
        %gather3A = tpu.vector_load_idx %arg14[%and3A_168] : memref<256xi32, #tpu.memory_space<vmem>>[vector<16xi32>], vector<16xi32>,
        %add3A_171 = arith.addi %gather3A, %unique3A_170 : vector<16xi32>
        %sub3A = arith.constant 1 : i32
        %sub3A_172 = vector.broadcast %sub3A : i32 to vector<16xi32>
        %sub3A_173 = arith.subi %add3A_171, %sub3A_172 : vector<16xi32>
        tpu.vector_store_idx %arg17[%sub3A_173], %get3A_160 : memref<1024xi32, #tpu.memory_space<vmem>>[vector<16xi32>], vector<16xi32>,
        tpu.vector_store_idx %arg19[%sub3A_173], %get3A_164 : memref<1024xi32, #tpu.memory_space<vmem>>[vector<16xi32>], vector<16xi32>,
        tpu.vector_store_idx %arg14[%and3A_168], %unique3A_170 masked %unique3A {add = true} : memref<256xi32, #tpu.memory_space<vmem>>[vector<16xi32>], vector<16xi32>, vector<16xi1>
        %shift_right_logical3A_174 = arith.constant 24 : i32
        %shift_right_logical3A_175 = vector.broadcast %shift_right_logical3A_174 : i32 to vector<16xi32>
        %shift_right_logical3A_176 = arith.shrui %get3A_160, %shift_right_logical3A_175 : vector<16xi32>
        %and3A_177 = arith.constant 255 : i32
        %and3A_178 = vector.broadcast %and3A_177 : i32 to vector<16xi32>
        %and3A_179 = arith.andi %shift_right_logical3A_176, %and3A_178 : vector<16xi32>
        %broadcast_in_dim3A_180 = arith.constant true
        %broadcast_in_dim3A_181 = vector.broadcast %broadcast_in_dim3A_180 : i1 to vector<16xi1>
        %unique3A_182, %unique3A_183 = tpu.scan_count mask(%broadcast_in_dim3A_181 : vector<16xi1>) value(%and3A_179 : vector<16xi32>) : vector<16xi1>, vector<16xi32>
        %add3A_184 = arith.constant 768 : i32
        %add3A_185 = vector.broadcast %add3A_184 : i32 to vector<16xi32>
        %add3A_186 = arith.addi %and3A_179, %add3A_185 : vector<16xi32>
        tpu.vector_store_idx %arg13[%add3A_186], %unique3A_183 masked %unique3A_182 {add = true} : memref<1024xi32, #tpu.memory_space<vmem>>[vector<16xi32>], vector<16xi32>, vector<16xi1>
      }
      %scan3A_135 = arith.constant 64 : i32
      %scan3A_136 = arith.constant 0 : i32
      %scan3A_137 = arith.constant 0 : i32
      %scan3A_138 = arith.constant 16 : i32
      %scan3A_139 = arith.addi %scan3A_137, %scan3A_138 : i32
      %scan3A_140 = arith.constant 1 : i32
      %scan3A_141 = scf.for %scan3A_156 = %scan3A_137 to %scan3A_139 step %scan3A_140 iter_args(%scan3A_157 = %scan3A_136) -> (i32)  : i32 {
        %mul3A_158 = arith.constant 16 : i32
        %mul3A_159 = arith.muli %scan3A_156, %mul3A_158 : i32
        %add3A_160 = arith.constant 768 : i32
        %add3A_161 = arith.addi %add3A_160, %mul3A_159 : i32
        %get3A_162 = arith.index_cast %add3A_161 : i32 to index
        %get3A_163 = tpu.vector_load %arg13[%get3A_162] {strides = array<i32>} : memref<1024xi32, #tpu.memory_space<vmem>>, vector<16xi32>,
        %broadcast_in_dim3A = arith.constant true
        %broadcast_in_dim3A_164 = vector.broadcast %broadcast_in_dim3A : i1 to vector<16xi1>
        %masked_cumsum3A = tpu.scan <sum>, %get3A_163 masked %broadcast_in_dim3A_164 : vector<16xi32>, vector<16xi1> -> vector<16xi32>
        %sub3A = arith.subi %masked_cumsum3A, %get3A_163 : vector<16xi32>
        %add3A_165 = vector.broadcast %scan3A_157 : i32 to vector<16xi32>
        %add3A_166 = arith.addi %sub3A, %add3A_165 : vector<16xi32>
        %mul3A_167 = arith.constant 16 : i32
        %mul3A_168 = arith.muli %scan3A_156, %mul3A_167 : i32
        %swap3A = arith.index_cast %mul3A_168 : i32 to index
        %swap3A_169 = tpu.vector_load %arg14[%swap3A] {strides = array<i32>} : memref<256xi32, #tpu.memory_space<vmem>>, vector<16xi32>,
        tpu.vector_store %arg14[%swap3A], %add3A_166 {strides = array<i32>} : memref<256xi32, #tpu.memory_space<vmem>>, vector<16xi32>,
        %reduce_sum3A = arith.constant true
        %reduce_sum3A_170 = vector.broadcast %reduce_sum3A : i1 to vector<16xi1>
        %reduce_sum3A_171 = tpu.scan <sum>, %get3A_163 masked %reduce_sum3A_170 : vector<16xi32>, vector<16xi1> -> vector<16xi32>
        %reduce_sum3A_172 = vector.extract %reduce_sum3A_171[15] : i32 from vector<16xi32>
        %add3A_173 = arith.addi %scan3A_157, %reduce_sum3A_172 : i32
        scf.yield %add3A_173 : i32
      }
      %scan3A_142 = arith.constant 16 : i32
      %scan3A_143 = arith.constant 0 : i32
      %scan3A_144 = arith.constant 0 : i32
      %scan3A_145 = arith.constant 64 : i32
      %scan3A_146 = arith.addi %scan3A_144, %scan3A_145 : i32
      %scan3A_147 = arith.constant 1 : i32
      scf.for %scan3A_156 = %scan3A_144 to %scan3A_146 step %scan3A_147  : i32 {
        %mul3A_157 = arith.constant 16 : i32
        %mul3A_158 = arith.muli %scan3A_156, %mul3A_157 : i32
        %get3A_159 = arith.index_cast %mul3A_158 : i32 to index
        %get3A_160 = tpu.vector_load %arg17[%get3A_159] {strides = array<i32>} : memref<1024xi32, #tpu.memory_space<vmem>>, vector<16xi32>,
        %mul3A_161 = arith.constant 16 : i32
        %mul3A_162 = arith.muli %scan3A_156, %mul3A_161 : i32
        %get3A_163 = arith.index_cast %mul3A_162 : i32 to index
        %get3A_164 = tpu.vector_load %arg19[%get3A_163] {strides = array<i32>} : memref<1024xi32, #tpu.memory_space<vmem>>, vector<16xi32>,
        %shift_right_logical3A = arith.constant 24 : i32
        %shift_right_logical3A_165 = vector.broadcast %shift_right_logical3A : i32 to vector<16xi32>
        %shift_right_logical3A_166 = arith.shrui %get3A_160, %shift_right_logical3A_165 : vector<16xi32>
        %and3A = arith.constant 255 : i32
        %and3A_167 = vector.broadcast %and3A : i32 to vector<16xi32>
        %and3A_168 = arith.andi %shift_right_logical3A_166, %and3A_167 : vector<16xi32>
        %broadcast_in_dim3A = arith.constant true
        %broadcast_in_dim3A_169 = vector.broadcast %broadcast_in_dim3A : i1 to vector<16xi1>
        %unique3A, %unique3A_170 = tpu.scan_count mask(%broadcast_in_dim3A_169 : vector<16xi1>) value(%and3A_168 : vector<16xi32>) : vector<16xi1>, vector<16xi32>
        %gather3A = tpu.vector_load_idx %arg14[%and3A_168] : memref<256xi32, #tpu.memory_space<vmem>>[vector<16xi32>], vector<16xi32>,
        %add3A_171 = arith.addi %gather3A, %unique3A_170 : vector<16xi32>
        %sub3A = arith.constant 1 : i32
        %sub3A_172 = vector.broadcast %sub3A : i32 to vector<16xi32>
        %sub3A_173 = arith.subi %add3A_171, %sub3A_172 : vector<16xi32>
        tpu.vector_store_idx %arg16[%sub3A_173], %get3A_160 : memref<1024xi32, #tpu.memory_space<vmem>>[vector<16xi32>], vector<16xi32>,
        tpu.vector_store_idx %arg18[%sub3A_173], %get3A_164 : memref<1024xi32, #tpu.memory_space<vmem>>[vector<16xi32>], vector<16xi32>,
        tpu.vector_store_idx %arg14[%and3A_168], %unique3A_170 masked %unique3A {add = true} : memref<256xi32, #tpu.memory_space<vmem>>[vector<16xi32>], vector<16xi32>, vector<16xi1>
      }
      %scan3A_148 = arith.constant 64 : i32
      %get3A = arith.constant 0 : index
      %get3A_149 = tpu.vector_load %arg18[%get3A] {strides = array<i32>} : memref<1024xi32, #tpu.memory_space<vmem>>, vector<16xi32>,
      %slice3A = vector.extract_strided_slice %get3A_149 {offsets = [0], sizes = [1], strides = [1]} : vector<16xi32> to vector<1xi32>
      %squeeze3A = vector.extract %slice3A[0] : i32 from vector<1xi32>
      %scan3A_150 = arith.constant 0 : i32
      %scan3A_151 = arith.constant 0 : i32
      %scan3A_152 = arith.constant 64 : i32
      %scan3A_153 = arith.addi %scan3A_151, %scan3A_152 : i32
      %scan3A_154 = arith.constant 1 : i32
      scf.for %scan3A_156 = %scan3A_151 to %scan3A_153 step %scan3A_154  : i32 {
        %mul3A_157 = arith.constant 16 : i32
        %mul3A_158 = arith.muli %scan3A_156, %mul3A_157 : i32
        %add3A_159 = vector.broadcast %mul3A_158 : i32 to vector<16xi32>
        %add3A_160 = arith.addi %add3A_159, %iota3A : vector<16xi32>
        %mul3A_161 = arith.constant 16 : i32
        %mul3A_162 = arith.muli %scan3A_156, %mul3A_161 : i32
        %get3A_163 = arith.index_cast %mul3A_162 : i32 to index
        %get3A_164 = tpu.vector_load %arg18[%get3A_163] {strides = array<i32>} : memref<1024xi32, #tpu.memory_space<vmem>>, vector<16xi32>,
        %lt3A_165 = vector.broadcast %scan3A_83 : i32 to vector<16xi32>
        %lt3A_166 = arith.cmpi slt, %add3A_160, %lt3A_165 : vector<16xi32>
        %broadcast_in_dim3A = vector.broadcast %squeeze3A : i32 to vector<16xi32>
        %select_n3A = arith.select %lt3A_166, %get3A_164, %broadcast_in_dim3A : vector<16xi1>, vector<16xi32>
        %mul3A_167 = arith.constant 16 : i32
        %mul3A_168 = arith.muli %scan3A_156, %mul3A_167 : i32
        %swap3A = arith.index_cast %mul3A_168 : i32 to index
        %swap3A_169 = tpu.vector_load %arg20[%swap3A] {strides = array<i32>} : memref<1024xi32, #tpu.memory_space<vmem>>, vector<16xi32>,
        tpu.vector_store %arg20[%swap3A], %select_n3A {strides = array<i32>} : memref<1024xi32, #tpu.memory_space<vmem>>, vector<16xi32>,
      }
      %scan3A_155 = arith.constant 64 : i32
      "tpu.region"() ({
        %run_scoped3A = tpu.sem_alloc : memref<!tpu.dma_semaphore, #tpu.memory_space<semaphore_mem>>
        %dma_start3A = arith.constant 0 : i32
        %dma_start3A_156 = tpu.memref_slice %arg5[%add3A, %dma_start3A] : memref<4x1024xi32, #tpu.memory_space<hbm>> -> memref<1x1024xi32, #tpu.memory_space<hbm>>
        %dma_start3A_157 = tpu.memref_squeeze %dma_start3A_156 : memref<1x1024xi32, #tpu.memory_space<hbm>> -> memref<1024xi32, #tpu.memory_space<hbm>>
        %dma_start3A_158 = arith.constant 0 : i32
        %dma_start3A_159 = tpu.memref_slice %arg5[%add3A, %dma_start3A_158] : memref<4x1024xi32, #tpu.memory_space<hbm>> -> memref<1x1024xi32, #tpu.memory_space<hbm>>
        %dma_start3A_160 = tpu.memref_squeeze %dma_start3A_159 : memref<1x1024xi32, #tpu.memory_space<hbm>> -> memref<1024xi32, #tpu.memory_space<hbm>>
        tpu.enqueue_dma source(%arg20 : memref<1024xi32, #tpu.memory_space<vmem>>) target(%dma_start3A_160 : memref<1024xi32, #tpu.memory_space<hbm>>) target_semaphore(%run_scoped3A : memref<!tpu.dma_semaphore, #tpu.memory_space<semaphore_mem>>)
        %dma_wait3A = arith.constant 0 : i32
        %dma_wait3A_161 = tpu.memref_slice %arg5[%add3A, %dma_wait3A] : memref<4x1024xi32, #tpu.memory_space<hbm>> -> memref<1x1024xi32, #tpu.memory_space<hbm>>
        %dma_wait3A_162 = tpu.memref_squeeze %dma_wait3A_161 : memref<1x1024xi32, #tpu.memory_space<hbm>> -> memref<1024xi32, #tpu.memory_space<hbm>>
        %dma_wait3A_163 = arith.constant 0 : i32
        %dma_wait3A_164 = tpu.memref_slice %arg5[%add3A, %dma_wait3A_163] : memref<4x1024xi32, #tpu.memory_space<hbm>> -> memref<1x1024xi32, #tpu.memory_space<hbm>>
        %dma_wait3A_165 = tpu.memref_squeeze %dma_wait3A_164 : memref<1x1024xi32, #tpu.memory_space<hbm>> -> memref<1024xi32, #tpu.memory_space<hbm>>
        tpu.wait_dma2 semaphore(%run_scoped3A : memref<!tpu.dma_semaphore, #tpu.memory_space<semaphore_mem>>) src(%arg20 : memref<1024xi32, #tpu.memory_space<vmem>>) dst(%dma_wait3A_165 : memref<1024xi32, #tpu.memory_space<hbm>>)
        tpu.yield
      }) : () -> ()
    } else {
    }
    return
  }
}

</mosaic_0001>

<sc_bundles>
// kernel: _impl.3.cloned.1.call-start
scs
__scs_entry_jumppad:
0x0: {  	(pc) =	sbr.rel $0x88, $3  }
0x1: {  	(tag) =	ssettag $0x0;
	lr =	simm.s32 $0x1  }
0x2: {  	[smem:$0x3F9E] =	sst lr;
	_ =	strace $0xD0000000  }
0x3: {  	_ = 	snop  }
0x4: {  	_ = 	snop  }
0x5: {  	_ = 	snop  }
0x6: {  	_ = 	snop  }
0x7: {  	_ = 	snop  }
__scs_overlays_trampoline_lowered:
0x8: {  	[smem:$0x3FAD] =	sst s0  }
0x9: {  	[smem:$0x3FAE] =	sst s1  }
0xa: {  	[smem:$0x3FAF] =	sst s2  }
0xb: {  	[smem:$0x3FB0] =	sst s3  }
0xc: {  	[smem:$0x3FB1] =	sst s4  }
0xd: {  	[smem:$0x3FB2] =	sst s5  }
0xe: {  	[smem:$0x3FB3] =	sst s6  }
0xf: {  	[smem:$0x3FB4] =	sst s7  }
0x10: {  	[smem:$0x3FB5] =	sst s8  }
0x11: {  	[smem:$0x3FB6] =	sst s9;
	s0 =	simm.s32 @!p0 $0x0  }
0x12: {  	s1 =	sld [smem:$0x3F9C];
	s0 =	simm.s32 @p0 $0x1  }
0x13: {  	[smem:$0x3FB7] =	sst s0;
	s0 =	simm.s32 @!p1 $0x0  }
0x14: {  	s2 =	sld [smem:$0x3F9B];
	s0 =	simm.s32 @p1 $0x1  }
0x15: {  	[smem:$0x3FB8] =	sst s0;
	s0 =	simm.s32 @!p2 $0x0  }
0x16: {  	s3 =	sld [smem:$0x3FDB];
	s0 =	simm.s32 @p2 $0x1  }
0x17: {  	s4 =	simm.s32 $0x1BF5;
	[smem:$0x3FBA] =	sst s0  }
0x18: {  	s0 =	sld [smem:$0x3F9D];
	_ =	swait.ge [sflag:s4], $0x0  }
0x19: {  	s7 =	sld [smem:$0x3F9E]  }
0x1a: {  	s8 =	sadd.s32 $0xFFFFE003, lr  }
0x1b: {  	s9 =	sadd.s32 $0xFFFFFEF7, lr;
	s5 =	simm.s32 $0xFFFFFFFF;
	p2 =	slt.u32 s8, $0xFFFFF086  }
0x1c: {  	p1 =	slt.u32 s9, $0xF7A;
	s5 =	simm.s32 @!p2 $0x0  }
0x1d: {  	s5 =	simm.s32 @p1 $0x1;
	p0 =	seq.s32 s7, s2  }
0x1e: {  	s7 =	smul.u32 @!p0 $0xF7A, s2;
	p2 =	seq.s32 @!p0 s5, $0x0  }
0x1f: {  	s9 =	smul.u32 $0xF7A, s1;
	s8 =	simm.s32 @!p0 $0x1BF5;
	p2 =	por !p2, p0  }
0x20: {  	[sflag:s8] =	ssyncset.s32 @!p0 $0xFFFFF086;
	s6 =	sadd.s32 @!p0 s3, s7;
	s7 =	simm.s32 @!p0 $0x108  }
0x21: {  	s3 =	sadd.s32 s3, s9;
	s6 =	sadd.s32 @!p0 $0x88, s6;
	s7 =	simm.s32 @p2 $0x1082  }
0x22: {  	[simem:s7], [sflag:s8] =	dma.local @!p0 [hbm:s6], $0xF7A  }
0x23: {  	s9 =	sor.u32 $0xD0000000, s2;
	s6 =	simm.s32 $0x108;
	_ =	swait.ge @!p0 [sflag:s8], $0x0  }
0x24: {  	s3 =	sadd.s32 $0x88, s3;
	s6 =	simm.s32 @!p1 $0x1082;
	[sflag:s4] =	ssyncset.s32 $0xFFFFF086  }
0x25: {  	[simem:s6], [sflag:s4] =	dma.local [hbm:s3], $0xF7A  }
0x26: {  	[smem:$0x3F9E] =	sst s1;
	(tag) =	ssettag s2;
	_ =	strace s9  }
0x27: {  	s1 =	sld [smem:$0x3FAE]  }
0x28: {  	s2 =	sld [smem:$0x3FAF]  }
0x29: {  	s4 =	sld [smem:$0x3FB1]  }
0x2a: {  	p0 =	seq.s32 s5, $0x0;
	s5 =	sld [smem:$0x3FB2]  }
0x2b: {  	s6 =	sld [smem:$0x3FB3]  }
0x2c: {  	s7 =	sld [smem:$0x3FB4]  }
0x2d: {  	s3 =	simm.s32 $0x108;
	s8 =	sld [smem:$0x3FB5]  }
0x2e: {  	s3 =	simm.s32 @!p0 $0x1082;
	s9 =	sld [smem:$0x3FB6]  }
0x2f: {  	lr =	sadd.s32 s0, s3;
	s0 =	sld [smem:$0x3FAD]  }
0x30: {  	s3 =	sld [smem:$0x3FB0]  }
0x31: {  	[smem:$0x3FB9] =	sst s10  }
0x32: {  	s10 =	sld [smem:$0x3FB7];
	_ =	sdelay $0x3  }
0x33: {  	p0 =	seq.s32 s10, $0x1;
	s10 =	sld [smem:$0x3FB9];
	_ =	sdelay $0x3  }
0x34: {  	[smem:$0x3FB9] =	sst s10  }
0x35: {  	s10 =	sld [smem:$0x3FB8];
	_ =	sdelay $0x3  }
0x36: {  	p1 =	seq.s32 s10, $0x1;
	s10 =	sld [smem:$0x3FB9];
	_ =	sdelay $0x3  }
0x37: {  	[smem:$0x3FB9] =	sst s10  }
0x38: {  	s10 =	sld [smem:$0x3FBA]  }
0x39: {  	_ = 	snop;
	(pc) =	sbr.ind lr, $3  }
0x3a: {  	_ = 	snop  }
0x3b: {  	_ = 	snop  }
0x3c: {  	p2 =	seq.s32 s10, $0x1;
	s10 =	sld [smem:$0x3FB9]  }
0x3d: {  	_ =	shalt  }
0x3e: {  	_ =	shalt  }
0x3f: {  	_ =	shalt  }
0x40: {  	_ =	shalt  }
0x41: {  	_ =	shalt  }
0x42: {  	_ =	shalt  }
0x43: {  	_ =	shalt  }
0x44: {  	_ =	shalt  }
0x45: {  	_ =	shalt  }
0x46: {  	_ =	shalt  }
0x47: {  	_ =	shalt  }
0x48: {  	_ =	shalt  }
0x49: {  	_ =	shalt  }
0x4a: {  	_ =	shalt  }
0x4b: {  	_ =	shalt  }
0x4c: {  	_ =	shalt  }
0x4d: {  	_ =	shalt  }
0x4e: {  	_ =	shalt  }
0x4f: {  	_ =	shalt  }
0x50: {  	_ =	shalt  }
0x51: {  	_ =	shalt  }
0x52: {  	_ =	shalt  }
0x53: {  	_ =	shalt  }
0x54: {  	_ =	shalt  }
0x55: {  	_ =	shalt  }
0x56: {  	_ =	shalt  }
0x57: {  	_ =	shalt  }
0x58: {  	_ =	shalt  }
0x59: {  	_ =	shalt  }
0x5a: {  	_ =	shalt  }
0x5b: {  	_ =	shalt  }
0x5c: {  	_ =	shalt  }
0x5d: {  	_ =	shalt  }
0x5e: {  	_ =	shalt  }
0x5f: {  	_ =	shalt  }
0x60: {  	_ =	shalt  }
0x61: {  	_ =	shalt  }
0x62: {  	_ =	shalt  }
0x63: {  	_ =	shalt  }
0x64: {  	_ =	shalt  }
0x65: {  	_ =	shalt  }
0x66: {  	_ =	shalt  }
0x67: {  	_ =	shalt  }
0x68: {  	_ =	shalt  }
0x69: {  	_ =	shalt  }
0x6a: {  	_ =	shalt  }
0x6b: {  	_ =	shalt  }
0x6c: {  	_ =	shalt  }
0x6d: {  	_ =	shalt  }
0x6e: {  	_ =	shalt  }
0x6f: {  	_ =	shalt  }
0x70: {  	_ =	shalt  }
0x71: {  	_ =	shalt  }
0x72: {  	_ =	shalt  }
0x73: {  	_ =	shalt  }
0x74: {  	_ =	shalt  }
0x75: {  	_ =	shalt  }
0x76: {  	_ =	shalt  }
0x77: {  	_ =	shalt  }
0x78: {  	_ =	shalt  }
0x79: {  	_ =	shalt  }
0x7a: {  	_ =	shalt  }
0x7b: {  	_ =	shalt  }
0x7c: {  	_ =	shalt  }
0x7d: {  	_ =	shalt  }
0x7e: {  	_ =	shalt  }
0x7f: {  	_ =	shalt  }
0x80: {  	_ =	shalt  }
0x81: {  	_ =	shalt  }
0x82: {  	_ =	shalt  }
0x83: {  	_ =	shalt  }
0x84: {  	_ =	shalt  }
0x85: {  	_ =	shalt  }
0x86: {  	_ =	shalt  }
0x87: {  	_ =	shalt  }
.Lfunc_end0:
.L_simem_size_0:
called_computation_lowered:
.L_overlay_start_0:
0x88: {  	s2 =	sld [smem:$0x3FD9]  }
0x89: {  	s3 =	sld [smem:$0x3FFE];
	_ =	sdelay $0x1  }
0x8a: {  	s1 =	srdreg.scid  }
0x8b: {  	s0 =	sand.u32 $0x1, s1  }
0x8c: {  	s18 =	sshll.u32 s0, $0xA;
	s2 =	sadd.s32 s3, s2  }
0x8d: {  	s2 =	sadd.s32 s2, s18  }
0x8e: {  	[smem:$0x3FC5] =	sst s2  }
0x8f: {  	_ = 	snop  }
0x90: {  	s2 =	sld [smem:$0x3FC9]  }
0x91: {  	s19 =	sld [smem:$0x3FC8]  }
0x92: {  	s4 =	sld [smem:$0x3FC7]  }
0x93: {  	s5 =	sld [smem:$0x3FD0];
	(tm) =	ssettm $0x1  }
0x94: {  	s6 =	sld [smem:$0x3FFB];
	_ =	sdelay $0x3  }
0x95: {  	_ =	strace s6  }
0x96: {  	s6 =	sld [smem:$0x3FFC];
	_ =	sdelay $0x3  }
0x97: {  	_ =	strace s6  }
0x98: {  	s6 =	sld [smem:$0x3FFD];
	_ =	sdelay $0x3  }
0x99: {  	_ =	strace s6  }
0x9a: {  	_ =	strace $0x8FFFFFFF  }
0x9b: {  	s20 =	sld [smem:$0x3FDB];
	_ =	sdelay $0x1  }
0x9c: {  	s7 =	simm.s32 $_scs_section_size  }
0x9d: {  	s8 =	simm.s32 $_size__tile_overlayer_lowered;
	s9 =	simm.s32 $_tile_overlayer_lowered  }
0x9e: {  	s23 =	simm.s32 $0x1BFF;
	s22 =	sshll.u32 s9, $0x1;
	s6 =	sadd.s32 s7, s20  }
0x9f: {  	s10 =	simm.s32 $0x0;
	s21 =	sshll.u32 s8, $0x1;
	s8 =	sadd.s32 s22, s6  }
0xa0: {  	[timem:s10], [sflag:s23] =	dma.local [hbm:s8], s21  }
0xa1: {  	_ =	swait.ge [sflag:s23], s21  }
0xa2: {  	s7 =	ssub.s32 $0x0, s21;
	[sflag:s23] =	ssyncset.done $0x0  }
0xa3: {  	[sflag:s23] =	ssyncadd.s32 s7;
	_ =	sdelay $0x1  }
0xa4: {  	s24 =	simm.s32 $0x1B8B  }
0xa5: {  	_ =	swait.ge [sflag:s24], $0x1  }
0xa6: {  	[sflag:s24] =	ssyncset.done $0x0  }
0xa7: {  	s25 =	simm.s32 $0x1B8E;
	[sflag:s24] =	ssyncadd.s32 $0xFFFFFFFF  }
0xa8: {  	s26 =	simm.s32 $execute0_lowered;
	[smem:$0x3FD2] =	sst s25  }
0xa9: {  	s7 =	sshll.u32 s26, $0x1;
	_ =	strace $0x80000046;
	[dreg:$0x1] =	wrdreg $0xFFFFFFFF  }
0xaa: {  	s28 =	simm.s32 $_size_execute0_lowered;
	s6 =	sadd.s32 s6, s7;
	[dreg:$0x0] =	wrdreg $0x0  }
0xab: {  	s7 =	sshll.u32 s28, $0x1;
	[dreg:$0x2] =	wrdreg s6  }
0xac: {  	[dreg:$0x3] =	wrdreg s7  }
0xad: {  	[dreg:$0x4] =	wrdreg $0xC0  }
0xae: {  	_ =	task [dreg:s10], $0x5FFFF  }
0xaf: {  	[dreg:$0x1] =	wrdreg $0xFFFFFFFF  }
0xb0: {  	[dreg:$0x0] =	wrdreg $0x60  }
0xb1: {  	[dreg:$0x2] =	wrdreg s2  }
0xb2: {  	[dreg:$0x3] =	wrdreg s19  }
0xb3: {  	[dreg:$0x4] =	wrdreg s4  }
0xb4: {  	[dreg:$0x5] =	wrdreg s5  }
0xb5: {  	[dreg:$0x6] =	wrdreg $0x9  }
0xb6: {  	_ =	task.clear_ibuf [dreg:s10], $0x7FFFF;
	_ =	strace $0x90000046  }
0xb7: {  	s29 =	simm.s32 $0x9;
	_ =	strace $0x80000048  }
0xb8: {  	_ =	swait.ge [sflag:s29], $0x1  }
0xb9: {  	[sflag:s29] =	ssyncadd.s32 $0xFFFFFFFF  }
0xba: {  	_ =	strace $0x90000048  }
0xbb: {  	_ =	sfence  }
0xbc: {  	s30 =	sld [smem:$0x0];
	_ =	sdelay $0x2  }
0xbd: {  	s31 =	sshll.u32 s1, $0xD;
	s1 =	sshrl.u32 s1, $0x2  }
0xbe: {  	s3 =	sand.u32 $0x4000, s31;
	s1 =	sadd.s32 s1, s30  }
0xbf: {  	s0 =	sor.u32 s3, s0;
	s1 =	sshll.u32 s1, $0x11  }
0xc0: {  	s0 =	sor.u32 s1, s0  }
0xc1: {  	s0 =	sadd.s32 $0x8F2B, s0  }
0xc2: {  	[sflag:s0] =	ssyncadd.remote.s32 $0x1  }
0xc3: {  	_ =	sfence.sel $0xFFFF  }
0xc4: {  	[dreg:$0x0] =	wrdreg $0xFFFFFFFF;
	(pc) =	sbr.abs _section_cstart, $3  }
0xc5: {  	[dreg:$0x1] =	wrdreg $0xFFFFFFFF  }
0xc6: {  	_ =	task.clear_ibuf [dreg:s10], $0x2FFFF;
	_ =	strace $0x9FFFFFFF  }
0xc7: {  	(tm) =	ssettm $0x7FFFFFFF  }
tec
execute0_lowered:
.L_overlay_start_1:
0x0: {  	(tag) =	ssettag $0x1  }
0x1: {  	s5 =	stileid.u32  }
0x2: {  	p0 =	sgt.u32 s5, $0x1  }
.Ltmp0:
0x3: {  	s0 =	rddreg [dreg:$0x0];
	(pc) =	sbr.rel @p0 .LBB2_66-.Ltmp0, $4  }
0x4: {  	s3 =	rddreg [dreg:$0x1]  }
0x5: {  	s4 =	rddreg [dreg:$0x2];
	s2 =	simm.s32 $0x0  }
0x6: {  	[smem:$0x7FF] =	sst s2  }
0x7: {  	s1 =	rddreg [dreg:$0x3];
	_ =	strace $0x80000047  }
0x8: {  	s5 =	srdreg.scid;
	s6 =	stileid.u32;
	s9 =	simm.s32 $0x200  }
0x9: {  	s10 =	simm.s32 $0x1;
	s11 =	simm.s32 $0x1400;
	s12 =	simm.s32 $0x2800  }
0xa: {  	s13 =	simm.s32 $0x8C00;
	s14 =	simm.s32 $0x5000;
	s15 =	simm.s32 $0x7800  }
0xb: {  	s16 =	simm.s32 $0x3C00;
	s17 =	simm.s32 $0x6400;
	s18 =	simm.s32 $0x9000  }
0xc: {  	s19 =	simm.s32 $0x9100;
	s20 =	simm.s32 $0xA180;
	s5 =	sand.u32 $0x1, s5  }
0xd: {  	s21 =	simm.s32 $0xA980;
	s6 =	sshll.u32 s6, $0x5;
	s7 =	sshll.u32 s5, $0x4  }
0xe: {  	s22 =	simm.s32 $0x9D80;
	s29 =	ssub.s32 $0x2, s5;
	s6 =	sor.u32 s7, s6  }
0xf: {  	v0 =	vlaneseq.u32;
	s23 =	simm.s32 $0xA580;
	s8 =	sshrl.u32 s29, $0x1;
	s3 =	sadd.s32 s3, s6  }
0x10: {  	v3 =	vmul.u32 $0xFFFFFFFF, v0;
	s30 =	sadd.s32 s4, s6;
	s1 =	sadd.s32 s1, s6;
	[dreg:$0x5] =	wrdreg s3  }
0x11: {  	v1 =	vimm.s32 $0x0;
	v2 =	vimm.s32 $0x800;
	vm0 =	vcmask $0x3F08;
	s31 =	ssub.s32 s29, s8;
	s6 =	sadd.s32 s0, s6;
	[dreg:$0x6] =	wrdreg s30  }
0x12: {  	vm1 =	vmxor vm1, vm1;
	vm2 =	vcmask $0x704;
	v3 =	vadd.s32 $0x1387, v3;
	s8 =	simm.s32 $0x80;
	[dreg:$0x7] =	wrdreg s1;
	s7 =	smax.u32 s31, $0x1  }
.LBB2_2:
0x13: {  	s0 =	simm.s32 $0x0  }
0x14: {  	[tilespmem:s0], [sflag:$0x1] =	stream.strided.gather [hbm4b:s6+s8], $0x1400, s9, s8, $0x38;
	[tilespmem:$0xB300] =	vst v63  }
0x15: {  	_ =	swait.ge [sflag:s10], $0x1400  }
0x16: {  	[sflag:s10] =	ssyncset.done $0x0  }
0x17: {  	s1 =	rddreg [dreg:$0x5];
	[sflag:s10] =	ssyncadd.s32 $0xFFFFEC00  }
0x18: {  	[tilespmem:s11], [sflag:$0x1] =	stream.strided.gather [hbm4b:s1+s8], $0x1400, s9, s8, $0x38;
	[tilespmem:$0xB300] =	vst v63  }
0x19: {  	_ =	swait.ge [sflag:s10], $0x1400  }
0x1a: {  	[sflag:s10] =	ssyncset.done $0x0  }
0x1b: {  	s31 =	rddreg [dreg:$0x6];
	[sflag:s10] =	ssyncadd.s32 $0xFFFFEC00  }
0x1c: {  	[tilespmem:s12], [sflag:$0x1] =	stream.strided.gather [hbm4b:s31+s8], $0x1400, s9, s8, $0x38;
	[tilespmem:$0xB300] =	vst v63  }
0x1d: {  	_ =	swait.ge [sflag:s10], $0x1400  }
0x1e: {  	[sflag:s10] =	ssyncset.done $0x0  }
0x1f: {  	s1 =	simm.s32 $0x0;
	[sflag:s10] =	ssyncadd.s32 $0xFFFFEC00  }
.LBB2_3:
0x20: {  	p0 =	sne.s32 s1, $0xFC0  }
.Ltmp1:
0x21: {  	_ = 	snop;
	(pc) =	sbr.rel @p0 .LBB2_3-.Ltmp1, $3  }
0x22: {  	_ =	sdelay $0x1  }
0x23: {  	s24 =	sshra.s32 s1, $0x2  }
0x24: {  	s1 =	sadd.s32 $0x40, s1;
	[tilespmem:s24+$0x8C00] =	vst v1  }
0x25: {  	v4 =	vld [tilespmem:s0+$0x0];
	_ =	sdelay $0x4  }
0x26: {  	v5 =	vor.u32 s0, v0;
	vm3 =	vlt.s32 v4, $0x0;
	v6 =	vandn.u32 $0x7FFFFFFF, v4  }
0x27: {  	vm4 =	vgt.u32 v5, $0x1387;
	v4 =	vsel vm3, v4, v6  }
0x28: {  	v4 =	vsel vm4, $0xFFFFFFFF, v4  }
0x29: {  	v6 =	vand.u32 $0xFF, v4  }
0x2a: {  	(xrf1) =	vunique.msk.u32 $0xffff, v6;
	_ =	sdelay $0xd  }
0x2b: {  	_, v7, vm3 =	vpop (xrf1);
	_ =	sdelay $0x2  }
0x2c: {  	s1 =	simm.s32 $0x3C00  }
0x2d: {  	s0 =	simm.s32 $0x6400;
	[tilespmem:s1+$0x0] =	vst v4;
	v4 =	vsel vm4, $0x0, v5  }
0x2e: {  	[tilespmem:s0+$0x0] =	vst v4  }
0x2f: {  	s24 =	simm.s32 $0x10;
	[tilespmem:v6+s13+$0x0] =	vst.idx.add.s32.msk vm3, v7  }
0x30: {  	s25 =	simm.s32 $0x20;
	s26 =	simm.s32 $0x10;
	v4 =	vld [tilespmem:s24+$0x0]  }
.LBB2_5:
0x31: {  	p0 =	sne.s32 s25, $0x13F0;
	_ =	sdelay $0x3  }
0x32: {  	v5 =	vor.u32 s24, v0;
	s24 =	smov.u32 s25;
	vm3 =	vlt.s32 v4, $0x0;
	v6 =	vandn.u32 $0x7FFFFFFF, v4  }
0x33: {  	vm4 =	vgt.u32 v5, $0x1387;
	v4 =	vsel vm3, v4, v6  }
0x34: {  	v4 =	vsel vm4, $0xFFFFFFFF, v4  }
0x35: {  	v6 =	vand.u32 $0xFF, v4  }
0x36: {  	(xrf1) =	vunique.msk.u32 $0xffff, v6;
	_ =	sdelay $0xd  }
0x37: {  	_, v7, vm3 =	vpop (xrf1);
	_ =	sdelay $0x2  }
.Ltmp2:
0x38: {  	s1 =	sadd.s32 $0x10, s1;
	(pc) =	sbr.rel @p0 .LBB2_5-.Ltmp2, $4  }
0x39: {  	s0 =	sadd.s32 $0x10, s0;
	[tilespmem:s1+$0x0] =	vst v4;
	v4 =	vsel vm4, $0x0, v5  }
0x3a: {  	[tilespmem:s0+$0x0] =	vst v4  }
0x3b: {  	s26 =	sadd.s32 $0x10, s26;
	[tilespmem:v6+s13+$0x0] =	vst.idx.add.s32.msk vm3, v7  }
0x3c: {  	s25 =	sadd.s32 $0x10, s25;
	v4 =	vld [tilespmem:s26+$0x0]  }
0x3d: {  	_ =	sdelay $0x3  }
0x3e: {  	v5 =	vor.u32 s24, v0;
	vm3 =	vlt.s32 v4, $0x0;
	v6 =	vandn.u32 $0x7FFFFFFF, v4  }
0x3f: {  	vm4 =	vgt.u32 v5, $0x1387;
	v4 =	vsel vm3, v4, v6  }
0x40: {  	v4 =	vsel vm4, $0xFFFFFFFF, v4  }
0x41: {  	v6 =	vand.u32 $0xFF, v4  }
0x42: {  	(xrf1) =	vunique.msk.u32 $0xffff, v6;
	_ =	sdelay $0xd  }
0x43: {  	_, v7, vm3 =	vpop (xrf1);
	_ =	sdelay $0x1  }
0x44: {  	p3 =	por $0x1, $0x1  }
.Ltmp3:
0x45: {  	s1 =	sadd.s32 $0x10, s1;
	(pc) =	sbr.rel @!p3 .LBB2_7-.Ltmp3, $4  }
0x46: {  	s0 =	sadd.s32 $0x10, s0;
	[tilespmem:s1+$0x0] =	vst v4;
	v4 =	vsel vm4, $0x0, v5  }
0x47: {  	[tilespmem:s0+$0x0] =	vst v4  }
0x48: {  	s28 =	simm.s32 $0x0;
	s26 =	simm.s32 $0x0;
	s25 =	simm.s32 $0x40;
	[tilespmem:v6+s13+$0x0] =	vst.idx.add.s32.msk vm3, v7  }
0x49: {  	p0 =	por $0x0, $0x0;
	p1 =	por $0x0, $0x0;
	p2 =	por $0x0, $0x0;
	v6 =	vld [tilespmem:s26+$0x8C00]  }
0x4a: {  	s29 =	simm.s32 $0x10;
	p3 =	por $0x1, $0x1  }
.Ltmp4:
0x4b: {  	v5 =	vld [tilespmem:s29+$0x8C00];
	(pc) =	sbr.rel @!p3 .LBB2_9-.Ltmp4, $2  }
0x4c: {  	_ =	sdelay $0x2  }
0x4d: {  	p0 =	por $0x1, $0x1;
	(xrf0) =	vadd.scan.msk.s32 $0xffff, v6  }
0x4e: {  	_ =	sdelay $0x4  }
0x4f: {  	v7, _, _ =	vpop (xrf0)  }
0x50: {  	(v2sf) =	vpush v7, $0xF;
	_ =	sdelay $0x4  }
0x51: {  	s1 =	simm.s32 $0x20;
	p3 =	por $0x1, $0x1  }
.Ltmp5:
0x52: {  	v11 =	vld [tilespmem:s1+$0x8C00];
	(pc) =	sbr.rel @!p3 .LBB2_11-.Ltmp5, $2  }
0x53: {  	_ =	sdelay $0x2  }
0x54: {  	p1 =	por $0x1, $0x1;
	(xrf0) =	vadd.scan.msk.s32 $0xffff, v5  }
0x55: {  	_ =	sdelay $0x4  }
0x56: {  	v8, _, _ =	vpop (xrf0)  }
0x57: {  	(v2sf) =	vpush v8, $0xF;
	_ =	sdelay $0x3  }
0x58: {  	s31 =	simm.s32 $0x30;
	p3 =	por $0x1, $0x1;
	(xrf0) =	vadd.scan.msk.s32 $0xffff, v11  }
.Ltmp6:
0x59: {  	v4 =	vld [tilespmem:s31+$0x8C00];
	(pc) =	sbr.rel @!p3 .LBB2_13-.Ltmp6, $3  }
0x5a: {  	_ =	sdelay $0x1  }
0x5b: {  	s30 =	simm.s32 $0x100  }
0x5c: {  	p2 =	por $0x1, $0x1;
	s0 =	simm.s32 $0x0;
	v9 =	vmov v6;
	v10 =	vmov v7;
	s24 =	simm.s32 $0x0  }
.LBB2_14:
0x5d: {  	s3 =	sshra.s32 s30, $0x2;
	p3 =	sne.s32 s30, $0x3C0;
	s30 =	sadd.s32 $0x40, s30;
	(xrf0) =	vadd.scan.msk.s32 $0xffff, v4;
	v12, _, _ =	vpop (xrf0);
	v13 =	vsub.s32 s0, v9;
	v9 =	vmov v5;
	v5 =	vmov v11  }
.Ltmp7:
0x5e: {  	v11 =	vmovc v4;
	(v2sf) =	vpush v12, $0xF;
	v13 =	vadd.s32 v10, v13;
	v10 =	vmovc v8;
	v8 =	vmov v12;
	v4 =	vld [tilespmem:s3+$0x8C00];
	(pc) =	sbr.rel @p3 .LBB2_14-.Ltmp7, $4  }
0x5f: {  	[tilespmem:s24+$0x9000] =	vst v13;
	s24 =	smov.u32 s29;
	s29 =	smov.u32 s1;
	s1 =	smov.u32 s31  }
0x60: {  	s31 =	smov.u32 s3  }
0x61: {  	s3 =	spop (v2sf)  }
0x62: {  	s0 =	sadd.s32 s0, s3  }
0x63: {  	v12 =	vmov v5;
	s30 =	smov.u32 s29;
	v5 =	vmov v11;
	s29 =	smov.u32 s31  }
.LBB2_16:
0x64: {  	v11, _, _ =	vpop @p0 (xrf0)  }
0x65: {  	(v2sf) =	vpush @p0 v11, $0xF  }
0x66: {  	(xrf0) =	vadd.scan.msk.s32 $0xffff, v4;
	_ =	sdelay $0x5  }
0x67: {  	v13, _, _ =	vpop (xrf0)  }
0x68: {  	(v2sf) =	vpush v13, $0xF;
	_ =	sdelay $0x2  }
0x69: {  	s3 =	spop @p2 (v2sf)  }
0x6a: {  	s31 =	simm.s32 $0x0;
	v9 =	vsub.s32 @p2 s0, v9;
	s3 =	sadd.s32 @p2 s0, s3;
	s0 =	smov.u32 @p0 s1  }
0x6b: {  	v5 =	vpsel p0, v5, v6;
	s1 =	smov.u32 s26;
	s31 =	smov.u32 @p2 s3;
	s3 =	spop @p1 (v2sf)  }
0x6c: {  	s4 =	simm.s32 $0x0;
	v8 =	vpsel p1, v8, v0;
	v6 =	vmovc @p0 v11;
	v11 =	vpsel p1, v12, v0;
	v9 =	vadd.s32 @p2 v10, v9;
	s1 =	smov.u32 @p0 s0;
	s3 =	sadd.s32 @p1 s31, s3  }
0x6d: {  	v5 =	vpsel p0, v5, v0;
	v6 =	vpsel p0, v6, v7;
	s0 =	smov.u32 @p1 s30;
	v7 =	vsub.s32 @p1 s31, v11;
	s4 =	smov.u32 @p1 s3;
	s3 =	spop @p0 (v2sf)  }
0x6e: {  	[tilespmem:s24+$0x9000] =	vst @p2 v9;
	s0 =	smov.u32 @p1 s0;
	v6 =	vpsel p0, v6, v0;
	v7 =	vadd.s32 @p1 v8, v7;
	v5 =	vsub.s32 @p0 s4, v5;
	s3 =	sadd.s32 @p0 s4, s3  }
0x6f: {  	[tilespmem:s0+$0x9000] =	vst @p1 v7;
	s0 =	smov.u32 @p0 s1;
	v5 =	vadd.s32 @p0 v6, v5;
	s28 =	smov.u32 @p0 s3  }
0x70: {  	[tilespmem:s0+$0x9000] =	vst @p0 v5;
	p0 =	por $0x1, $0x1;
	v4 =	vsub.s32 s28, v4  }
.Ltmp8:
0x71: {  	v4 =	vadd.s32 v13, v4;
	(pc) =	sbr.rel @!p0 .LBB2_18-.Ltmp8, $3  }
0x72: {  	[tilespmem:s29+$0x9000] =	vst v4  }
0x73: {  	v4 =	vld [tilespmem:s26+$0x3C00];
	_ =	sdelay $0x1  }
0x74: {  	s31 =	spop (v2sf);
	v5 =	vld [tilespmem:s26+$0x6400]  }
.LBB2_17:
0x75: {  	p0 =	sne.s32 s25, $0x4FC0;
	_ =	sdelay $0x1  }
0x76: {  	v6 =	vand.u32 $0xFF, v4  }
0x77: {  	(xrf1) =	vunique.msk.u32 $0xffff, v6;
	_ =	sdelay $0x1  }
0x78: {  	v7 =	vshrl.u32 v4, $0x8  }
0x79: {  	v7 =	vand.u32 $0xFF, v7  }
0x7a: {  	(xrf1) =	vunique.msk.u32 $0xffff, v7;
	_ =	sdelay $0x3  }
0x7b: {  	s0 =	simm.s32 $0x9000  }
0x7c: {  	v8 =	vld.idx.msk [tilespmem:v6+s0+$0x0], $0xffff;
	_ =	sdelay $0x4  }
0x7d: {  	_, v9, vm3 =	vpop (xrf1)  }
0x7e: {  	v8 =	vadd.s32 v9, v8  }
0x7f: {  	v8 =	vadd.s32 $0xFFFFFFFF, v8;
	_ =	sdelay $0x1  }
0x80: {  	_, v10, vm4 =	vpop (xrf1)  }
0x81: {  	v7 =	vor.u32 $0x100, v7;
	_ =	sdelay $0x1  }
0x82: {  	[tilespmem:v8+s14+$0x0] =	vst.idx.msk $0xffff, v4  }
0x83: {  	[tilespmem:v8+s15+$0x0] =	vst.idx.msk $0xffff, v5  }
.Ltmp9:
0x84: {  	[tilespmem:v6+s0+$0x0] =	vst.idx.add.s32.msk vm3, v9;
	(pc) =	sbr.rel @p0 .LBB2_17-.Ltmp9, $4  }
0x85: {  	s0 =	sshra.s32 s25, $0x2;
	[tilespmem:v7+s13+$0x0] =	vst.idx.add.s32.msk vm4, v10  }
0x86: {  	v4 =	vld [tilespmem:s0+$0x3C00]  }
0x87: {  	v5 =	vld [tilespmem:s0+$0x6400]  }
0x88: {  	s25 =	sadd.s32 $0x40, s25  }
.LBB2_18:
0x89: {  	_ =	sdelay $0x1  }
0x8a: {  	v6 =	vand.u32 $0xFF, v4  }
0x8b: {  	(xrf1) =	vunique.msk.u32 $0xffff, v6;
	_ =	sdelay $0x1  }
0x8c: {  	v7 =	vshrl.u32 v4, $0x8  }
0x8d: {  	v7 =	vand.u32 $0xFF, v7  }
0x8e: {  	(xrf1) =	vunique.msk.u32 $0xffff, v7;
	_ =	sdelay $0x4  }
0x8f: {  	s0 =	simm.s32 $0x9000  }
0x90: {  	v8 =	vld.idx.msk [tilespmem:v6+s0+$0x0], $0xffff;
	_ =	sdelay $0x3  }
0x91: {  	_, v9, vm3 =	vpop (xrf1)  }
0x92: {  	v8 =	vadd.s32 v9, v8  }
0x93: {  	v8 =	vadd.s32 $0xFFFFFFFF, v8;
	_ =	sdelay $0x1  }
0x94: {  	_, v10, vm4 =	vpop (xrf1)  }
0x95: {  	v7 =	vor.u32 $0x100, v7;
	_ =	sdelay $0x1  }
0x96: {  	[tilespmem:v8+s14+$0x0] =	vst.idx.msk $0xffff, v4  }
0x97: {  	[tilespmem:v8+s15+$0x0] =	vst.idx.msk $0xffff, v5  }
0x98: {  	s1 =	simm.s32 $0x0;
	[tilespmem:v6+s0+$0x0] =	vst.idx.add.s32.msk vm3, v9  }
0x99: {  	s3 =	sand.u32 $0xF0, s1;
	[tilespmem:v7+s13+$0x0] =	vst.idx.add.s32.msk vm4, v10  }
0x9a: {  	v4 =	vld [tilespmem:s3+$0x8D00];
	_ =	sdelay $0x4  }
0x9b: {  	(xrf0) =	vadd.scan.msk.s32 $0xffff, v4;
	_ =	sdelay $0x5  }
0x9c: {  	v5, _, _ =	vpop (xrf0)  }
0x9d: {  	(v2sf) =	vpush v5, $0xF  }
0x9e: {  	v4 =	vsub.s32 s1, v4  }
0x9f: {  	s31 =	simm.s32 $0x10;
	v4 =	vadd.s32 v5, v4  }
0xa0: {  	s24 =	simm.s32 $0x20;
	s25 =	sand.u32 $0xF0, s31;
	[tilespmem:s0+$0x0] =	vst v4  }
.LBB2_19:
0xa1: {  	p0 =	sne.s32 s24, $0xF0;
	v4 =	vld [tilespmem:s25+$0x8D00];
	_ =	sdelay $0x4  }
0xa2: {  	(xrf0) =	vadd.scan.msk.s32 $0xffff, v4;
	_ =	sdelay $0x5  }
.Ltmp10:
0xa3: {  	v5, _, _ =	vpop (xrf0);
	s3 =	spop (v2sf);
	(pc) =	sbr.rel @p0 .LBB2_19-.Ltmp10, $4  }
0xa4: {  	(v2sf) =	vpush v5, $0xF;
	s1 =	sadd.s32 s1, s3  }
0xa5: {  	v4 =	vsub.s32 s1, v4  }
0xa6: {  	s0 =	sadd.s32 $0x10, s0;
	v4 =	vadd.s32 v5, v4  }
0xa7: {  	s25 =	sand.u32 $0xF0, s24;
	s24 =	sadd.s32 $0x10, s24;
	[tilespmem:s0+$0x0] =	vst v4  }
0xa8: {  	v4 =	vld [tilespmem:s25+$0x8D00];
	_ =	sdelay $0x4  }
0xa9: {  	(xrf0) =	vadd.scan.msk.s32 $0xffff, v4;
	_ =	sdelay $0x5  }
0xaa: {  	v5, _, _ =	vpop (xrf0)  }
0xab: {  	(v2sf) =	vpush v5, $0xF;
	_ =	sdelay $0x7  }
0xac: {  	s3 =	spop (v2sf)  }
0xad: {  	s1 =	sadd.s32 s1, s3  }
0xae: {  	v4 =	vsub.s32 s1, v4  }
0xaf: {  	s0 =	sadd.s32 $0x10, s0;
	v4 =	vadd.s32 v5, v4  }
0xb0: {  	s30 =	simm.s32 $0x0;
	[tilespmem:s0+$0x0] =	vst v4  }
0xb1: {  	v4 =	vld [tilespmem:s30+$0x5000];
	_ =	sdelay $0x1  }
0xb2: {  	s1 =	simm.s32 $0x40;
	v5 =	vld [tilespmem:s30+$0x7800];
	s31 =	spop (v2sf)  }
.LBB2_21:
0xb3: {  	p0 =	sne.s32 s1, $0x4FC0;
	_ =	sdelay $0x1  }
0xb4: {  	v6 =	vshrl.u32 v4, $0x8  }
0xb5: {  	v6 =	vand.u32 $0xFF, v6  }
0xb6: {  	(xrf1) =	vunique.msk.u32 $0xffff, v6;
	_ =	sdelay $0x1  }
0xb7: {  	v7 =	vshrl.u32 v4, $0x10  }
0xb8: {  	v7 =	vand.u32 $0xFF, v7  }
0xb9: {  	(xrf1) =	vunique.msk.u32 $0xffff, v7;
	_ =	sdelay $0x3  }
0xba: {  	s0 =	simm.s32 $0x9000  }
0xbb: {  	v8 =	vld.idx.msk [tilespmem:v6+s0+$0x0], $0xffff;
	_ =	sdelay $0x4  }
0xbc: {  	_, v9, vm3 =	vpop (xrf1)  }
0xbd: {  	v8 =	vadd.s32 v9, v8  }
0xbe: {  	v8 =	vadd.s32 $0xFFFFFFFF, v8;
	_ =	sdelay $0x1  }
0xbf: {  	_, v10, vm4 =	vpop (xrf1)  }
0xc0: {  	v7 =	vor.u32 $0x200, v7;
	_ =	sdelay $0x1  }
0xc1: {  	[tilespmem:v8+s16+$0x0] =	vst.idx.msk $0xffff, v4  }
0xc2: {  	[tilespmem:v8+s17+$0x0] =	vst.idx.msk $0xffff, v5  }
.Ltmp11:
0xc3: {  	[tilespmem:v6+s0+$0x0] =	vst.idx.add.s32.msk vm3, v9;
	(pc) =	sbr.rel @p0 .LBB2_21-.Ltmp11, $4  }
0xc4: {  	s3 =	sshra.s32 s1, $0x2;
	[tilespmem:v7+s13+$0x0] =	vst.idx.add.s32.msk vm4, v10  }
0xc5: {  	v4 =	vld [tilespmem:s3+$0x5000]  }
0xc6: {  	v5 =	vld [tilespmem:s3+$0x7800]  }
0xc7: {  	s1 =	sadd.s32 $0x40, s1  }
0xc8: {  	_ =	sdelay $0x1  }
0xc9: {  	v6 =	vshrl.u32 v4, $0x8  }
0xca: {  	v6 =	vand.u32 $0xFF, v6  }
0xcb: {  	(xrf1) =	vunique.msk.u32 $0xffff, v6;
	_ =	sdelay $0x1  }
0xcc: {  	v7 =	vshrl.u32 v4, $0x10  }
0xcd: {  	v7 =	vand.u32 $0xFF, v7  }
0xce: {  	(xrf1) =	vunique.msk.u32 $0xffff, v7;
	_ =	sdelay $0x5  }
0xcf: {  	v8 =	vld.idx.msk [tilespmem:v6+s0+$0x0], $0xffff;
	_ =	sdelay $0x3  }
0xd0: {  	_, v9, vm3 =	vpop (xrf1)  }
0xd1: {  	v8 =	vadd.s32 v9, v8  }
0xd2: {  	v8 =	vadd.s32 $0xFFFFFFFF, v8;
	_ =	sdelay $0x1  }
0xd3: {  	_, v10, vm4 =	vpop (xrf1)  }
0xd4: {  	v7 =	vor.u32 $0x200, v7;
	_ =	sdelay $0x1  }
0xd5: {  	[tilespmem:v8+s16+$0x0] =	vst.idx.msk $0xffff, v4  }
0xd6: {  	[tilespmem:v8+s17+$0x0] =	vst.idx.msk $0xffff, v5  }
0xd7: {  	s1 =	simm.s32 $0x0;
	[tilespmem:v6+s0+$0x0] =	vst.idx.add.s32.msk vm3, v9  }
0xd8: {  	s3 =	sand.u32 $0xF0, s1;
	[tilespmem:v7+s13+$0x0] =	vst.idx.add.s32.msk vm4, v10  }
0xd9: {  	v4 =	vld [tilespmem:s3+$0x8E00];
	_ =	sdelay $0x4  }
0xda: {  	(xrf0) =	vadd.scan.msk.s32 $0xffff, v4;
	_ =	sdelay $0x5  }
0xdb: {  	v5, _, _ =	vpop (xrf0)  }
0xdc: {  	(v2sf) =	vpush v5, $0xF  }
0xdd: {  	v4 =	vsub.s32 s1, v4  }
0xde: {  	s31 =	simm.s32 $0x10;
	v4 =	vadd.s32 v5, v4  }
0xdf: {  	s24 =	simm.s32 $0x20;
	s25 =	sand.u32 $0xF0, s31;
	[tilespmem:s0+$0x0] =	vst v4  }
.LBB2_23:
0xe0: {  	p0 =	sne.s32 s24, $0xF0;
	v4 =	vld [tilespmem:s25+$0x8E00];
	_ =	sdelay $0x4  }
0xe1: {  	(xrf0) =	vadd.scan.msk.s32 $0xffff, v4;
	_ =	sdelay $0x5  }
.Ltmp12:
0xe2: {  	v5, _, _ =	vpop (xrf0);
	s3 =	spop (v2sf);
	(pc) =	sbr.rel @p0 .LBB2_23-.Ltmp12, $4  }
0xe3: {  	(v2sf) =	vpush v5, $0xF;
	s1 =	sadd.s32 s1, s3  }
0xe4: {  	v4 =	vsub.s32 s1, v4  }
0xe5: {  	s0 =	sadd.s32 $0x10, s0;
	v4 =	vadd.s32 v5, v4  }
0xe6: {  	s25 =	sand.u32 $0xF0, s24;
	s24 =	sadd.s32 $0x10, s24;
	[tilespmem:s0+$0x0] =	vst v4  }
0xe7: {  	v4 =	vld [tilespmem:s25+$0x8E00];
	_ =	sdelay $0x4  }
0xe8: {  	(xrf0) =	vadd.scan.msk.s32 $0xffff, v4;
	_ =	sdelay $0x5  }
0xe9: {  	v5, _, _ =	vpop (xrf0)  }
0xea: {  	(v2sf) =	vpush v5, $0xF;
	_ =	sdelay $0x7  }
0xeb: {  	s3 =	spop (v2sf)  }
0xec: {  	s1 =	sadd.s32 s1, s3  }
0xed: {  	v4 =	vsub.s32 s1, v4  }
0xee: {  	s0 =	sadd.s32 $0x10, s0;
	v4 =	vadd.s32 v5, v4  }
0xef: {  	s30 =	simm.s32 $0x0;
	[tilespmem:s0+$0x0] =	vst v4  }
0xf0: {  	v4 =	vld [tilespmem:s30+$0x3C00];
	_ =	sdelay $0x1  }
0xf1: {  	s1 =	simm.s32 $0x40;
	v5 =	vld [tilespmem:s30+$0x6400];
	s31 =	spop (v2sf)  }
.LBB2_25:
0xf2: {  	p0 =	sne.s32 s1, $0x4FC0;
	_ =	sdelay $0x1  }
0xf3: {  	v6 =	vshrl.u32 v4, $0x10  }
0xf4: {  	v6 =	vand.u32 $0xFF, v6  }
0xf5: {  	(xrf1) =	vunique.msk.u32 $0xffff, v6;
	_ =	sdelay $0x2  }
0xf6: {  	v7 =	vshrl.u32 v4, $0x18  }
0xf7: {  	(xrf1) =	vunique.msk.u32 $0xffff, v7;
	_ =	sdelay $0x3  }
0xf8: {  	s0 =	simm.s32 $0x9000  }
0xf9: {  	v8 =	vld.idx.msk [tilespmem:v6+s0+$0x0], $0xffff;
	_ =	sdelay $0x4  }
0xfa: {  	_, v9, vm3 =	vpop (xrf1)  }
0xfb: {  	v8 =	vadd.s32 v9, v8  }
0xfc: {  	v8 =	vadd.s32 $0xFFFFFFFF, v8;
	_ =	sdelay $0x1  }
0xfd: {  	_, v10, vm4 =	vpop (xrf1)  }
0xfe: {  	v7 =	vor.u32 $0x300, v7;
	_ =	sdelay $0x1  }
0xff: {  	[tilespmem:v8+s14+$0x0] =	vst.idx.msk $0xffff, v4  }
0x100: {  	[tilespmem:v8+s15+$0x0] =	vst.idx.msk $0xffff, v5  }
.Ltmp13:
0x101: {  	[tilespmem:v6+s0+$0x0] =	vst.idx.add.s32.msk vm3, v9;
	(pc) =	sbr.rel @p0 .LBB2_25-.Ltmp13, $4  }
0x102: {  	s3 =	sshra.s32 s1, $0x2;
	[tilespmem:v7+s13+$0x0] =	vst.idx.add.s32.msk vm4, v10  }
0x103: {  	v4 =	vld [tilespmem:s3+$0x3C00]  }
0x104: {  	v5 =	vld [tilespmem:s3+$0x6400]  }
0x105: {  	s1 =	sadd.s32 $0x40, s1  }
0x106: {  	_ =	sdelay $0x1  }
0x107: {  	v6 =	vshrl.u32 v4, $0x10  }
0x108: {  	v6 =	vand.u32 $0xFF, v6  }
0x109: {  	(xrf1) =	vunique.msk.u32 $0xffff, v6;
	_ =	sdelay $0x2  }
0x10a: {  	v7 =	vshrl.u32 v4, $0x18  }
0x10b: {  	(xrf1) =	vunique.msk.u32 $0xffff, v7;
	_ =	sdelay $0x5  }
0x10c: {  	v8 =	vld.idx.msk [tilespmem:v6+s0+$0x0], $0xffff;
	_ =	sdelay $0x3  }
0x10d: {  	_, v9, vm3 =	vpop (xrf1)  }
0x10e: {  	v8 =	vadd.s32 v9, v8  }
0x10f: {  	v8 =	vadd.s32 $0xFFFFFFFF, v8;
	_ =	sdelay $0x1  }
0x110: {  	_, v10, vm4 =	vpop (xrf1)  }
0x111: {  	v7 =	vor.u32 $0x300, v7;
	_ =	sdelay $0x1  }
0x112: {  	[tilespmem:v8+s14+$0x0] =	vst.idx.msk $0xffff, v4  }
0x113: {  	[tilespmem:v8+s15+$0x0] =	vst.idx.msk $0xffff, v5  }
0x114: {  	s1 =	simm.s32 $0x0;
	[tilespmem:v6+s0+$0x0] =	vst.idx.add.s32.msk vm3, v9  }
0x115: {  	s3 =	sand.u32 $0xF0, s1;
	[tilespmem:v7+s13+$0x0] =	vst.idx.add.s32.msk vm4, v10  }
0x116: {  	v4 =	vld [tilespmem:s3+$0x8F00];
	_ =	sdelay $0x4  }
0x117: {  	(xrf0) =	vadd.scan.msk.s32 $0xffff, v4;
	_ =	sdelay $0x5  }
0x118: {  	v5, _, _ =	vpop (xrf0)  }
0x119: {  	(v2sf) =	vpush v5, $0xF  }
0x11a: {  	v4 =	vsub.s32 s1, v4  }
0x11b: {  	s31 =	simm.s32 $0x10;
	v4 =	vadd.s32 v5, v4  }
0x11c: {  	s24 =	simm.s32 $0x20;
	s25 =	sand.u32 $0xF0, s31;
	[tilespmem:s0+$0x0] =	vst v4  }
.LBB2_27:
0x11d: {  	p0 =	sne.s32 s24, $0xF0;
	v4 =	vld [tilespmem:s25+$0x8F00];
	_ =	sdelay $0x4  }
0x11e: {  	(xrf0) =	vadd.scan.msk.s32 $0xffff, v4;
	_ =	sdelay $0x5  }
.Ltmp14:
0x11f: {  	v5, _, _ =	vpop (xrf0);
	s3 =	spop (v2sf);
	(pc) =	sbr.rel @p0 .LBB2_27-.Ltmp14, $4  }
0x120: {  	(v2sf) =	vpush v5, $0xF;
	s1 =	sadd.s32 s1, s3  }
0x121: {  	v4 =	vsub.s32 s1, v4  }
0x122: {  	s0 =	sadd.s32 $0x10, s0;
	v4 =	vadd.s32 v5, v4  }
0x123: {  	s25 =	sand.u32 $0xF0, s24;
	s24 =	sadd.s32 $0x10, s24;
	[tilespmem:s0+$0x0] =	vst v4  }
0x124: {  	v4 =	vld [tilespmem:s25+$0x8F00];
	_ =	sdelay $0x4  }
0x125: {  	(xrf0) =	vadd.scan.msk.s32 $0xffff, v4;
	_ =	sdelay $0x5  }
0x126: {  	v5, _, _ =	vpop (xrf0)  }
0x127: {  	(v2sf) =	vpush v5, $0xF;
	_ =	sdelay $0x8  }
0x128: {  	s3 =	spop (v2sf)  }
0x129: {  	s1 =	sadd.s32 s1, s3  }
0x12a: {  	v4 =	vsub.s32 s1, v4  }
0x12b: {  	s0 =	sadd.s32 $0x10, s0;
	v4 =	vadd.s32 v5, v4  }
0x12c: {  	s30 =	simm.s32 $0x0;
	[tilespmem:s0+$0x0] =	vst v4  }
0x12d: {  	v4 =	vld [tilespmem:s30+$0x5000]  }
0x12e: {  	s0 =	simm.s32 $0x40;
	v5 =	vld [tilespmem:s30+$0x7800];
	s31 =	spop (v2sf)  }
.LBB2_29:
0x12f: {  	p0 =	sne.s32 s0, $0x4FC0;
	_ =	sdelay $0x2  }
0x130: {  	v6 =	vshrl.u32 v4, $0x18  }
0x131: {  	(xrf1) =	vunique.msk.u32 $0xffff, v6;
	_ =	sdelay $0x8  }
0x132: {  	v7 =	vld.idx.msk [tilespmem:v6+s18+$0x0], $0xffff;
	_ =	sdelay $0x4  }
0x133: {  	_, v8, vm3 =	vpop (xrf1)  }
0x134: {  	v7 =	vadd.s32 v8, v7  }
0x135: {  	v7 =	vadd.s32 $0xFFFFFFFF, v7;
	_ =	sdelay $0x4  }
.Ltmp15:
0x136: {  	[tilespmem:v7+s16+$0x0] =	vst.idx.msk $0xffff, v4;
	(pc) =	sbr.rel @p0 .LBB2_29-.Ltmp15, $4  }
0x137: {  	[tilespmem:v7+s17+$0x0] =	vst.idx.msk $0xffff, v5  }
0x138: {  	s1 =	sshra.s32 s0, $0x2;
	[tilespmem:v6+s18+$0x0] =	vst.idx.add.s32.msk vm3, v8  }
0x139: {  	v4 =	vld [tilespmem:s1+$0x5000]  }
0x13a: {  	s0 =	sadd.s32 $0x40, s0;
	v5 =	vld [tilespmem:s1+$0x7800]  }
0x13b: {  	_ =	sdelay $0x2  }
0x13c: {  	v6 =	vshrl.u32 v4, $0x18  }
0x13d: {  	(xrf1) =	vunique.msk.u32 $0xffff, v6;
	_ =	sdelay $0x9  }
0x13e: {  	v7 =	vld.idx.msk [tilespmem:v6+s18+$0x0], $0xffff;
	_ =	sdelay $0x3  }
0x13f: {  	_, v8, vm3 =	vpop (xrf1)  }
0x140: {  	v7 =	vadd.s32 v8, v7  }
0x141: {  	v7 =	vadd.s32 $0xFFFFFFFF, v7;
	_ =	sdelay $0x4  }
0x142: {  	[tilespmem:v7+s16+$0x0] =	vst.idx.msk $0xffff, v4  }
0x143: {  	[tilespmem:v7+s17+$0x0] =	vst.idx.msk $0xffff, v5  }
0x144: {  	s0 =	simm.s32 $0x40;
	s1 =	simm.s32 $0x0;
	[tilespmem:v6+s18+$0x0] =	vst.idx.add.s32.msk vm3, v8  }
.LBB2_31:
0x145: {  	p0 =	sne.s32 s0, $0x2040;
	[tilespmem:s1+$0x9100] =	vst v2;
	s1 =	smov.u32 s0;
	s0 =	sadd.s32 $0x40, s0  }
.Ltmp16:
0x146: {  	(pc) =	sbr.rel @p0 .LBB2_31-.Ltmp16, $2  }
0x147: {  	_ =	sdelay $0x2  }
0x148: {  	s1 =	sshra.s32 s1, $0x2  }
0x149: {  	[tilespmem:s1+$0x9100] =	vst v2;
	s0 =	simm.s32 $0x40;
	s1 =	simm.s32 $0x0  }
.LBB2_33:
0x14a: {  	p0 =	sne.s32 s0, $0x1000;
	[tilespmem:s1+$0x9920] =	vst v1;
	s1 =	smov.u32 s0;
	s0 =	sadd.s32 $0x40, s0  }
.Ltmp17:
0x14b: {  	(pc) =	sbr.rel @p0 .LBB2_33-.Ltmp17, $2  }
0x14c: {  	_ =	sdelay $0x2  }
0x14d: {  	s1 =	sshra.s32 s1, $0x2  }
.Ltmp18:
0x14e: {  	(pc) =	sbr.rel .LBB2_35-.Ltmp18, $2  }
0x14f: {  	_ =	sdelay $0x2  }
0x150: {  	[tilespmem:s1+$0x9920] =	vst v1;
	s26 =	simm.s32 $0x0;
	s25 =	simm.s32 $0x0;
	s28 =	simm.s32 $0x0  }
.LBB2_37:
0x151: {  	v5 =	vimm.s32 $0xFFFFFFFB;
	s30 =	simm.s32 $0xB180  }
.LBB2_41:
0x152: {  	v8 =	vbroadcast v6, $0x0  }
0x153: {  	v9 =	vbroadcast v7, $0x0  }
0x154: {  	vm3 =	vlt.s32 v8, v4;
	vm4 =	vle.s32 v8, v5  }
0x155: {  	vm5 =	vlt.s32 v9, v5;
	vm6 =	vlt.s32 v4, v8;
	vm7 =	vlt.s32 v5, v9  }
0x156: {  	vm8 =	vle.s32 v4, v9;
	vm3 =	vmand vm3, vm5;
	vm12 =	vmand vm6, vm7  }
0x157: {  	vm3 =	vmand vm3, vm8;
	vm4 =	vmand vm12, vm4  }
0x158: {  	vm3 =	vmor vm4, vm3  }
0x159: {  	(v2sf) =	vpush v6, $0x0;
	v4 =	vmpcnt.ones.xlane vm3  }
0x15a: {  	(v2sf) =	vpush v7, $0x0  }
0x15b: {  	(v2sf) =	vpush v4, $0x0;
	_ =	sdelay $0x8  }
0x15c: {  	s0 =	sadd.s32 $0x820, s25  }
0x15d: {  	vm3 =	vmmov $0x1;
	v4 =	vsel vm0, s0, v9  }
0x15e: {  	v4 =	vsel vm3, v6, v4;
	_ =	sdelay $0x1  }
0x15f: {  	s24 =	spop (v2sf)  }
0x160: {  	s1 =	spop (v2sf)  }
0x161: {  	s3 =	spop (v2sf)  }
0x162: {  	p3 =	slt.s32 s25, $0x3E8;
	vm4 =	vmmov vm1;
	v5 =	vld.idx.msk [tilespmem:v4+s19+$0x0], $0xffff;
	p2 =	seq.s32 s24, s1;
	p1 =	seq.s32 s3, $0x0  }
0x163: {  	vm4 =	vmneg @p2 vm4;
	p1 =	por !p3, !p1  }
0x164: {  	vm5 =	vmmov vm1;
	s0 =	sadd.s32 @p0 $0x1, s30;
	vm4 =	vmand vm4, vm2;
	p1 =	por !p1, !p1  }
0x165: {  	s29 =	smov.u32 @p0 s0;
	vm4 =	vmneg vm4;
	vm5 =	vmneg @p1 vm5  }
0x166: {  	vm13 =	vmmov $0x7;
	v61 =	vld.msk [tilespmem:s29+$0x0 ss:$0x0], $0xffff;
	vm4 =	vmand vm5, vm4  }
0x167: {  	s31 =	sadd.s32 $0x1, s1;
	v62 =	vshrl.u32 v5, $0xC;
	v63 =	vand.u32 $0xFFF, v5;
	vm4 =	vmand vm4, vm13  }
0x168: {  	vm14 =	vgt.s32 v62, s31;
	vm15 =	vlt.s32 v63, v8  }
0x169: {  	v5 =	vand.u32 $0xFFFFF000, v5;
	v7 =	vnsel vm14, s31, v62;
	v8 =	vsel vm15, v63, v8  }
0x16a: {  	v7 =	vshll.u32 v7, $0xC;
	v9 =	vpsel p2, v8, v63;
	v5 =	vor.u32 v5, v8  }
0x16b: {  	s0 =	simm.s32 $0x1;
	v7 =	vor.u32 v9, v7;
	v5 =	vsel vm0, v61, v5  }
0x16c: {  	v5 =	vsel vm3, v7, v5;
	s0 =	simm.s32 @!p1 $0x0  }
0x16d: {  	s25 =	sadd.s32 s0, s25;
	[tilespmem:v4+s19+$0x0] =	vst.idx.msk vm4, v5  }
.LBB2_42:
0x16e: {  	s28 =	sadd.s32 $0x1, s28  }
0x16f: {  	p0 =	seq.s32 s28, $0x139  }
.Ltmp19:
0x170: {  	_ = 	snop;
	(pc) =	sbr.rel @p0 .LBB2_43-.Ltmp19, $1  }
0x171: {  	_ =	sdelay $0x3  }
.LBB2_35:
0x172: {  	s0 =	sshll.u32 s28, $0x4  }
0x173: {  	v6 =	vld [tilespmem:s0+$0x6400];
	_ =	sdelay $0x7  }
0x174: {  	v5 =	vld.idx.msk [tilespmem:v6+s11+$0x0], $0xffff;
	_ =	sdelay $0x4  }
0x175: {  	v7 =	vadd.s32 $0x1, v5  }
0x176: {  	v9 =	vadd.s32 $0x2, v5  }
0x177: {  	v12 =	vadd.s32 $0x3, v5  }
0x178: {  	v4 =	vld.idx.msk [tilespmem:v6+s12+$0x0], $0xffff;
	v46 =	vadd.s32 $0x4, v5  }
0x179: {  	v51 =	vadd.s32 $0x6, v5;
	v11 =	vld.idx.msk [tilespmem:v5+s19+$0x0], $0xffff  }
0x17a: {  	v55 =	vadd.s32 $0x7, v5;
	v10 =	vld.idx.msk [tilespmem:v7+s19+$0x0], $0xffff  }
0x17b: {  	v13 =	vmov s0;
	v56 =	vadd.s32 $0x8, v5;
	v9 =	vld.idx.msk [tilespmem:v9+s19+$0x0], $0xffff  }
0x17c: {  	vm3 =	vgt.u32 v13, v3;
	v17 =	vadd.s32 $0xC, v5;
	v47 =	vld.idx.msk [tilespmem:v12+s19+$0x0], $0xffff  }
0x17d: {  	v8 =	vsub.s32 v4, v5;
	v49 =	vadd.s32 $0x5, v5;
	v22 =	vadd.s32 $0xE, v5;
	v50 =	vld.idx.msk [tilespmem:v46+s19+$0x0], $0xffff  }
0x17e: {  	v59 =	vadd.s32 $0x9, v5;
	v61 =	vadd.s32 $0xA, v5;
	v31 =	vadd.s32 $0x12, v5;
	v54 =	vld.idx.msk [tilespmem:v51+s19+$0x0], $0xffff  }
0x17f: {  	v16 =	vadd.s32 $0xB, v5;
	v21 =	vadd.s32 $0xD, v5;
	v34 =	vadd.s32 $0x13, v5;
	v12 =	vld.idx.msk [tilespmem:v55+s19+$0x0], $0xffff  }
0x180: {  	v25 =	vadd.s32 $0xF, v5;
	v27 =	vadd.s32 $0x10, v5;
	v30 =	vadd.s32 $0x11, v5;
	v60 =	vld.idx.msk [tilespmem:v56+s19+$0x0], $0xffff  }
0x181: {  	v36 =	vadd.s32 $0x14, v5;
	v40 =	vadd.s32 $0x15, v5;
	v44 =	vadd.s32 $0x16, v5;
	v20 =	vld.idx.msk [tilespmem:v17+s19+$0x0], $0xffff  }
0x182: {  	vm5 =	vgt.s32 v8, $0x0;
	vm6 =	vgt.s32 v8, $0x1;
	v7 =	vadd.s32 $0x1, v4;
	v26 =	vld.idx.msk [tilespmem:v22+s19+$0x0], $0xffff  }
0x183: {  	v35 =	vld.idx.msk [tilespmem:v31+s19+$0x0], $0xffff;
	v46 =	vadd.s32 $0x17, v5;
	v55 =	vadd.s32 $0x1B, v5;
	v11 =	vand.u32 $0xFFF, v11  }
0x184: {  	v38 =	vld.idx.msk [tilespmem:v34+s19+$0x0], $0xffff;
	vm7 =	vlt.s32 v11, v5;
	v45 =	vand.u32 $0xFFF, v10;
	v10 =	vshrl.u32 v10, $0xC  }
0x185: {  	v48 =	vshrl.u32 v9, $0xC;
	v9 =	vand.u32 $0xFFF, v9;
	v52 =	vand.u32 $0xFFF, v47  }
0x186: {  	v53 =	vshrl.u32 v50, $0xC;
	v11 =	vand.u32 $0xFFF, v50;
	v58 =	vshrl.u32 v54, $0xC  }
0x187: {  	v41 =	vld.idx.msk [tilespmem:v36+s19+$0x0], $0xffff;
	v62 =	vshrl.u32 v12, $0xC;
	v12 =	vand.u32 $0xFFF, v12;
	v63 =	vshrl.u32 v60, $0xC  }
0x188: {  	v43 =	vld.idx.msk [tilespmem:v40+s19+$0x0], $0xffff;
	v24 =	vshrl.u32 v20, $0xC;
	v29 =	vshrl.u32 v26, $0xC;
	v39 =	vand.u32 $0xFFF, v35  }
0x189: {  	v42 =	vshrl.u32 v38, $0xC;
	v50 =	vadd.s32 $0x19, v5;
	vm4 =	vlt.s32 v45, v5  }
0x18a: {  	vm8 =	vgt.s32 v10, v7;
	vm9 =	vlt.s32 v9, v5;
	vm15 =	vgt.s32 v48, v7  }
0x18b: {  	v10 =	vshrl.u32 v47, $0xC;
	vm12 =	vlt.s32 v52, v5;
	vm14 =	vlt.s32 v11, v5  }
0x18c: {  	v11 =	vand.u32 $0xFFF, v54;
	v45 =	vshrl.u32 v41, $0xC;
	vm4 =	vmand vm6, vm4  }
0x18d: {  	v9 =	vld.idx.msk [tilespmem:v49+s19+$0x0], $0xffff;
	v47 =	vand.u32 $0xFFF, v43;
	vm4 =	vmor vm8, vm4;
	vm8 =	vgt.s32 v8, $0x2  }
0x18e: {  	v48 =	vadd.s32 $0x18, v5;
	vm4 =	vmor vm7, vm4;
	vm9 =	vmand vm8, vm9  }
0x18f: {  	vm13 =	vgt.s32 v10, v7;
	vm4 =	vmand vm5, vm4;
	vm10 =	vmor vm15, vm9  }
0x190: {  	v10 =	vld.idx.msk [tilespmem:v61+s19+$0x0], $0xffff;
	vm5 =	vgt.s32 v8, $0x3;
	vm15 =	vgt.s32 v53, v7;
	vm9 =	vgt.s32 v8, $0x6  }
0x191: {  	v53 =	vadd.s32 $0x1A, v5;
	vm3 =	vmor vm3, vm4;
	vm11 =	vmand vm6, vm10  }
0x192: {  	vm6 =	vmand vm5, vm12;
	v57 =	vshrl.u32 v9, $0xC;
	v9 =	vand.u32 $0xFFF, v9  }
0x193: {  	vm10 =	vlt.s32 v11, v5;
	v11 =	vld.idx.msk [tilespmem:v59+s19+$0x0], $0xffff;
	v59 =	vadd.s32 $0x1D, v5;
	vm3 =	vmor vm11, vm3  }
0x194: {  	v54 =	vld.idx.msk [tilespmem:v50+s19+$0x0], $0xffff;
	vm4 =	vmor vm13, vm6;
	vm6 =	vgt.s32 v8, $0x4;
	vm13 =	vgt.s32 v57, v7  }
0x195: {  	vm10 =	vmand vm9, vm10;
	v19 =	vshrl.u32 v10, $0xC;
	v10 =	vand.u32 $0xFFF, v10  }
0x196: {  	v57 =	vadd.s32 $0x1C, v5;
	vm4 =	vmand vm8, vm4;
	vm7 =	vmand vm6, vm14  }
0x197: {  	v51 =	vld.idx.msk [tilespmem:v48+s19+$0x0], $0xffff;
	vm14 =	vlt.s32 v9, v5;
	v9 =	vand.u32 $0xFFF, v60;
	vm3 =	vmor vm4, vm3  }
0x198: {  	vm12 =	vmor vm15, vm7;
	vm7 =	vgt.s32 v8, $0x5;
	vm15 =	vgt.s32 v58, v7  }
0x199: {  	vm4 =	vmand vm5, vm12;
	vm8 =	vmand vm7, vm14;
	v58 =	vshrl.u32 v54, $0xC  }
0x19a: {  	vm5 =	vmor vm13, vm8;
	vm3 =	vmor vm4, vm3;
	vm13 =	vmor vm15, vm10  }
0x19b: {  	vm15 =	vgt.s32 v62, v7;
	v18 =	vand.u32 $0xFFF, v11;
	v11 =	vshrl.u32 v11, $0xC  }
0x19c: {  	v56 =	vand.u32 $0xFFF, v51;
	vm12 =	vmand vm6, vm5;
	vm14 =	vmand vm7, vm13  }
0x19d: {  	vm13 =	vlt.s32 v12, v5;
	vm7 =	vgt.s32 v8, $0x8;
	vm3 =	vmor vm12, vm3  }
0x19e: {  	vm5 =	vgt.s32 v8, $0x9;
	vm12 =	vgt.s32 v8, $0x7;
	vm3 =	vmor vm14, vm3  }
0x19f: {  	v12 =	vld.idx.msk [tilespmem:v21+s19+$0x0], $0xffff;
	vm6 =	vmand vm12, vm13;
	vm14 =	vlt.s32 v9, v5;
	vm13 =	vgt.s32 v11, v7  }
0x1a0: {  	v9 =	vld.idx.msk [tilespmem:v16+s19+$0x0], $0xffff;
	vm4 =	vmor vm15, vm6;
	vm15 =	vgt.s32 v63, v7;
	vm8 =	vmand vm7, vm14  }
0x1a1: {  	v11 =	vld.idx.msk [tilespmem:v27+s19+$0x0], $0xffff;
	vm14 =	vlt.s32 v10, v5;
	v10 =	vand.u32 $0xFFF, v20;
	vm4 =	vmand vm9, vm4  }
0x1a2: {  	vm6 =	vmor vm15, vm8;
	vm15 =	vgt.s32 v19, v7;
	vm9 =	vgt.s32 v8, $0xC  }
0x1a3: {  	vm3 =	vmor vm4, vm3;
	vm11 =	vmand vm12, vm6;
	vm12 =	vlt.s32 v18, v5  }
0x1a4: {  	v28 =	vshrl.u32 v12, $0xC;
	v12 =	vand.u32 $0xFFF, v12;
	vm6 =	vmand vm5, vm12  }
0x1a5: {  	vm3 =	vmor vm11, vm3;
	vm4 =	vmor vm13, vm6;
	vm6 =	vgt.s32 v8, $0xA  }
0x1a6: {  	v23 =	vshrl.u32 v9, $0xC;
	v9 =	vand.u32 $0xFFF, v9;
	v33 =	vand.u32 $0xFFF, v11  }
0x1a7: {  	v11 =	vshrl.u32 v11, $0xC;
	vm4 =	vmand vm7, vm4;
	vm8 =	vmand vm6, vm14  }
0x1a8: {  	vm12 =	vgt.s32 v23, v7;
	vm7 =	vgt.s32 v8, $0xB;
	vm13 =	vlt.s32 v9, v5  }
0x1a9: {  	vm14 =	vlt.s32 v10, v5;
	v9 =	vand.u32 $0xFFF, v26;
	vm3 =	vmor vm4, vm3  }
0x1aa: {  	vm11 =	vmor vm15, vm8;
	vm8 =	vmand vm7, vm13;
	vm15 =	vgt.s32 v24, v7  }
0x1ab: {  	v10 =	vld.idx.msk [tilespmem:v25+s19+$0x0], $0xffff;
	vm10 =	vmand vm9, vm14;
	vm4 =	vmand vm5, vm11;
	vm5 =	vmor vm12, vm8  }
0x1ac: {  	vm13 =	vmor vm15, vm10;
	vm15 =	vgt.s32 v28, v7;
	vm3 =	vmor vm4, vm3  }
0x1ad: {  	vm12 =	vmand vm6, vm5;
	vm14 =	vmand vm7, vm13;
	vm13 =	vlt.s32 v12, v5  }
0x1ae: {  	vm7 =	vgt.s32 v8, $0xE;
	vm3 =	vmor vm12, vm3;
	vm12 =	vgt.s32 v8, $0xD  }
0x1af: {  	vm5 =	vgt.s32 v8, $0xF;
	vm3 =	vmor vm14, vm3;
	vm6 =	vmand vm12, vm13  }
0x1b0: {  	v12 =	vld.idx.msk [tilespmem:v53+s19+$0x0], $0xffff;
	vm14 =	vlt.s32 v9, v5;
	v32 =	vand.u32 $0xFFF, v10;
	v10 =	vshrl.u32 v10, $0xC  }
0x1b1: {  	vm4 =	vmor vm15, vm6;
	vm15 =	vgt.s32 v29, v7;
	vm8 =	vmand vm7, vm14  }
0x1b2: {  	v9 =	vld.idx.msk [tilespmem:v30+s19+$0x0], $0xffff;
	vm13 =	vgt.s32 v10, v7;
	vm14 =	vlt.s32 v33, v5;
	v10 =	vshrl.u32 v35, $0xC  }
0x1b3: {  	vm4 =	vmand vm9, vm4;
	vm6 =	vmor vm15, vm8;
	vm15 =	vgt.s32 v11, v7  }
0x1b4: {  	vm9 =	vgt.s32 v8, $0x12;
	v11 =	vshrl.u32 v43, $0xC;
	vm3 =	vmor vm4, vm3  }
0x1b5: {  	vm11 =	vmand vm12, vm6;
	vm12 =	vlt.s32 v32, v5;
	v60 =	vand.u32 $0xFFF, v12  }
0x1b6: {  	v12 =	vshrl.u32 v12, $0xC;
	vm3 =	vmor vm11, vm3;
	vm6 =	vmand vm5, vm12  }
0x1b7: {  	vm4 =	vmor vm13, vm6;
	vm6 =	vgt.s32 v8, $0x10;
	v37 =	vshrl.u32 v9, $0xC  }
0x1b8: {  	v9 =	vand.u32 $0xFFF, v9;
	vm4 =	vmand vm7, vm4;
	vm8 =	vmand vm6, vm14  }
0x1b9: {  	vm12 =	vgt.s32 v37, v7;
	vm7 =	vgt.s32 v8, $0x11;
	vm13 =	vlt.s32 v9, v5  }
0x1ba: {  	vm14 =	vlt.s32 v39, v5;
	v9 =	vand.u32 $0xFFF, v38;
	vm3 =	vmor vm4, vm3  }
0x1bb: {  	vm11 =	vmor vm15, vm8;
	vm8 =	vmand vm7, vm13;
	vm15 =	vgt.s32 v10, v7  }
0x1bc: {  	vm10 =	vmand vm9, vm14;
	v10 =	vand.u32 $0xFFF, v41;
	vm4 =	vmand vm5, vm11  }
0x1bd: {  	vm5 =	vmor vm12, vm8;
	vm13 =	vmor vm15, vm10;
	vm15 =	vgt.s32 v42, v7  }
0x1be: {  	vm11 =	vlt.s32 v9, v5;
	vm3 =	vmor vm4, vm3;
	vm12 =	vmand vm6, vm5  }
0x1bf: {  	vm14 =	vmand vm7, vm13;
	vm5 =	vgt.s32 v8, $0x13;
	vm7 =	vgt.s32 v8, $0x14  }
0x1c0: {  	v9 =	vld.idx.msk [tilespmem:v44+s19+$0x0], $0xffff;
	vm13 =	vgt.s32 v45, v7;
	vm3 =	vmor vm12, vm3;
	vm6 =	vmand vm5, vm11  }
0x1c1: {  	vm12 =	vlt.s32 v10, v5;
	vm3 =	vmor vm14, vm3;
	vm4 =	vmor vm15, vm6  }
0x1c2: {  	vm8 =	vmand vm7, vm12;
	vm14 =	vlt.s32 v47, v5;
	vm15 =	vgt.s32 v11, v7  }
0x1c3: {  	v10 =	vld.idx.msk [tilespmem:v46+s19+$0x0], $0xffff;
	vm4 =	vmand vm9, vm4;
	vm6 =	vmor vm13, vm8;
	vm8 =	vgt.s32 v8, $0x15  }
0x1c4: {  	vm9 =	vmand vm8, vm14;
	vm3 =	vmor vm4, vm3;
	vm11 =	vmand vm5, vm6  }
0x1c5: {  	v11 =	vld.idx.msk [tilespmem:v55+s19+$0x0], $0xffff;
	v49 =	vshrl.u32 v9, $0xC;
	v9 =	vand.u32 $0xFFF, v9;
	vm5 =	vgt.s32 v8, $0x18  }
0x1c6: {  	vm12 =	vmor vm15, vm9;
	vm3 =	vmor vm11, vm3;
	vm14 =	vgt.s32 v49, v7  }
0x1c7: {  	vm15 =	vgt.s32 v8, $0x16;
	vm13 =	vmand vm7, vm12;
	vm12 =	vlt.s32 v9, v5  }
0x1c8: {  	v52 =	vand.u32 $0xFFF, v10;
	v10 =	vshrl.u32 v10, $0xC;
	vm7 =	vgt.s32 v8, $0x17  }
0x1c9: {  	v9 =	vshrl.u32 v51, $0xC;
	vm3 =	vmor vm13, vm3;
	vm6 =	vmand vm15, vm12  }
0x1ca: {  	vm13 =	vlt.s32 v52, v5;
	vm12 =	vlt.s32 v56, v5;
	v61 =	vand.u32 $0xFFF, v11  }
0x1cb: {  	vm4 =	vmor vm14, vm6;
	vm14 =	vgt.s32 v10, v7;
	vm9 =	vmand vm7, vm13  }
0x1cc: {  	v11 =	vshrl.u32 v11, $0xC;
	vm4 =	vmand vm8, vm4;
	vm6 =	vmor vm14, vm9  }
0x1cd: {  	vm13 =	vgt.s32 v9, v7;
	vm3 =	vmor vm4, vm3;
	vm15 =	vmand vm15, vm6  }
0x1ce: {  	v10 =	vand.u32 $0xFFF, v54;
	v9 =	vld.idx.msk [tilespmem:v57+s19+$0x0], $0xffff;
	vm6 =	vmand vm5, vm12;
	vm3 =	vmor vm15, vm3  }
0x1cf: {  	vm14 =	vmor vm13, vm6;
	vm6 =	vgt.s32 v8, $0x19;
	vm15 =	vlt.s32 v10, v5  }
0x1d0: {  	vm12 =	vgt.s32 v58, v7;
	vm4 =	vmand vm7, vm14;
	vm7 =	vmand vm6, vm15  }
0x1d1: {  	vm13 =	vlt.s32 v60, v5;
	v10 =	vld.idx.msk [tilespmem:v59+s19+$0x0], $0xffff;
	vm15 =	vgt.s32 v12, v7;
	vm14 =	vmor vm12, vm7  }
0x1d2: {  	vm3 =	vmor vm4, vm3;
	vm4 =	vmand vm5, vm14;
	vm5 =	vgt.s32 v8, $0x1A  }
0x1d3: {  	v62 =	vand.u32 $0xFFF, v9;
	v9 =	vshrl.u32 v9, $0xC;
	vm12 =	vmand vm5, vm13  }
0x1d4: {  	vm13 =	vlt.s32 v61, v5;
	vm3 =	vmor vm4, vm3;
	vm14 =	vmor vm15, vm12  }
0x1d5: {  	vm15 =	vgt.s32 v11, v7;
	vm4 =	vmand vm6, vm14;
	vm6 =	vgt.s32 v8, $0x1B  }
0x1d6: {  	v63 =	vand.u32 $0xFFF, v10;
	v10 =	vshrl.u32 v10, $0xC;
	vm12 =	vmand vm6, vm13  }
0x1d7: {  	vm13 =	vlt.s32 v62, v5;
	vm3 =	vmor vm4, vm3;
	vm14 =	vmor vm15, vm12  }
0x1d8: {  	vm15 =	vgt.s32 v9, v7;
	vm4 =	vmand vm5, vm14;
	vm5 =	vgt.s32 v8, $0x1C  }
0x1d9: {  	vm14 =	vlt.s32 v63, v5;
	vm12 =	vmand vm5, vm13;
	vm13 =	vgt.s32 v8, $0x1D  }
0x1da: {  	vm7 =	vmor vm15, vm12;
	vm15 =	vmand vm13, vm14;
	vm12 =	vgt.s32 v10, v7  }
0x1db: {  	vm3 =	vmor vm4, vm3;
	vm13 =	vmand vm6, vm7;
	vm14 =	vmor vm12, vm15  }
0x1dc: {  	vm3 =	vmor vm13, vm3;
	vm15 =	vmand vm5, vm14  }
0x1dd: {  	vm3 =	vmor vm15, vm3  }
0x1de: {  	vm3 =	vmneg vm3  }
0x1df: {  	v7 =	vmpcnt.ones.xlane vm3;
	_ =	sdelay $0x1  }
0x1e0: {  	(v2sf) =	vpush v7, $0x0;
	_ =	sdelay $0xe  }
0x1e1: {  	s24 =	spop (v2sf)  }
0x1e2: {  	p0 =	slt.s32 s24, $0x1  }
.Ltmp20:
0x1e3: {  	_ = 	snop;
	(pc) =	sbr.rel @p0 .LBB2_42-.Ltmp20, $4  }
0x1e4: {  	s29 =	simm.s32 $0xB180  }
0x1e5: {  	s0 =	simm.s32 $0xB200;
	[tilespmem:s29+$0x0] =	vst.msk vm3, v6  }
0x1e6: {  	s1 =	simm.s32 $0xB280;
	[tilespmem:s0+$0x0] =	vst.msk vm3, v5  }
0x1e7: {  	[tilespmem:s1+$0x0] =	vst.msk vm3, v4;
	v4 =	vimm.s32 $0xFFFFFFFB  }
0x1e8: {  	p1 =	sne.s32 s24, $0x1  }
.Ltmp21:
0x1e9: {  	v6 =	vld [tilespmem:s0+$0x0];
	(pc) =	sbr.rel @!p1 .LBB2_37-.Ltmp21, $2  }
0x1ea: {  	v7 =	vld [tilespmem:s1+$0x0];
	_ =	sdelay $0x2  }
0x1eb: {  	s24 =	sadd.s32 $0xFFFFFFFF, s24;
	p0 =	por $0x0, $0x0  }
0x1ec: {  	v8 =	vbroadcast v6, $0x0  }
0x1ed: {  	v5 =	vbroadcast v7, $0x0  }
0x1ee: {  	vm3 =	vlt.s32 v8, v4;
	vm4 =	vle.s32 v8, v4  }
0x1ef: {  	vm6 =	vlt.s32 v4, v8;
	vm5 =	vlt.s32 v5, v4;
	vm7 =	vlt.s32 v4, v5  }
0x1f0: {  	vm8 =	vle.s32 v4, v5;
	vm3 =	vmand vm3, vm5;
	vm5 =	vmand vm6, vm7  }
0x1f1: {  	vm3 =	vmand vm3, vm8;
	vm4 =	vmand vm5, vm4  }
0x1f2: {  	vm3 =	vmor vm4, vm3  }
0x1f3: {  	(v2sf) =	vpush v6, $0x0;
	v9 =	vmpcnt.ones.xlane vm3  }
0x1f4: {  	(v2sf) =	vpush v7, $0x0  }
0x1f5: {  	(v2sf) =	vpush v9, $0x0;
	_ =	sdelay $0x8  }
0x1f6: {  	s3 =	sadd.s32 $0x820, s25  }
0x1f7: {  	v7 =	vsel vm0, s3, v5;
	vm3 =	vmmov $0x1  }
0x1f8: {  	v6 =	vsel vm3, v6, v7;
	_ =	sdelay $0x1  }
0x1f9: {  	s5 =	spop (v2sf)  }
0x1fa: {  	s4 =	spop (v2sf)  }
0x1fb: {  	s30 =	spop (v2sf)  }
0x1fc: {  	p2 =	slt.s32 s25, $0x3E8;
	vm4 =	vmmov vm1;
	v7 =	vld.idx.msk [tilespmem:v6+s19+$0x0], $0xffff;
	p1 =	seq.s32 s5, s4;
	p0 =	seq.s32 s30, $0x0  }
0x1fd: {  	vm4 =	vmneg @p1 vm4;
	p0 =	por !p2, !p0  }
0x1fe: {  	vm5 =	vmmov vm1;
	vm4 =	vmand vm4, vm2;
	p0 =	por !p0, !p0  }
0x1ff: {  	vm4 =	vmneg vm4;
	vm5 =	vmneg @p0 vm5  }
0x200: {  	v62 =	vld.msk [tilespmem:s29+$0x0 ss:$0x0], $0xffff;
	vm6 =	vmand vm5, vm4;
	vm4 =	vmmov $0x7  }
0x201: {  	s5 =	sadd.s32 $0x1, s4;
	v10 =	vshrl.u32 v7, $0xC;
	v11 =	vand.u32 $0xFFF, v7;
	vm6 =	vmand vm6, vm4  }
0x202: {  	vm7 =	vgt.s32 v10, s5;
	vm15 =	vlt.s32 v11, v8  }
0x203: {  	v7 =	vand.u32 $0xFFFFF000, v7;
	v10 =	vnsel vm7, s5, v10;
	v12 =	vsel vm15, v11, v8  }
0x204: {  	v10 =	vshll.u32 v10, $0xC;
	v11 =	vpsel p1, v12, v11;
	v7 =	vor.u32 v7, v12  }
0x205: {  	v10 =	vor.u32 v11, v10;
	v7 =	vsel vm0, v62, v7  }
0x206: {  	v7 =	vsel vm3, v10, v7  }
0x207: {  	s31 =	sadd.s32 $0x1, s0;
	p1 =	sne.s32 s24, $0x1;
	[tilespmem:v6+s19+$0x0] =	vst.idx.msk vm6, v7  }
.Ltmp22:
0x208: {  	s1 =	sadd.s32 $0x1, s1;
	v6 =	vld [tilespmem:s31+$0x0];
	(pc) =	sbr.rel @!p1 .LBB2_39-.Ltmp22, $4  }
0x209: {  	v63 =	vmov s26;
	v7 =	vld [tilespmem:s1+$0x0]  }
0x20a: {  	s3 =	simm.s32 $0x1;
	vm7 =	veq.s32 v63, v0  }
0x20b: {  	s24 =	sadd.s32 $0xFFFFFFFF, s24;
	s30 =	simm.s32 $0xB180;
	s3 =	simm.s32 @!p0 $0x0;
	vm5 =	vmand vm7, vm5  }
0x20c: {  	p0 =	por $0x1, $0x1;
	s25 =	sadd.s32 s3, s25;
	s0 =	sadd.s32 s3, s26;
	v5 =	vsel vm5, v5, v4;
	v4 =	vsel vm5, v8, v4  }
.LBB2_40:
0x20d: {  	p1 =	sne.s32 s24, $0x1;
	_ =	sdelay $0x2  }
0x20e: {  	v8 =	vbroadcast v6, $0x0  }
0x20f: {  	v9 =	vbroadcast v7, $0x0  }
0x210: {  	vm5 =	vlt.s32 v8, v4;
	vm6 =	vle.s32 v8, v5  }
0x211: {  	vm7 =	vlt.s32 v9, v5;
	vm8 =	vlt.s32 v4, v8;
	vm9 =	vlt.s32 v5, v9  }
0x212: {  	vm10 =	vle.s32 v4, v9;
	vm5 =	vmand vm5, vm7;
	vm7 =	vmand vm8, vm9  }
0x213: {  	vm5 =	vmand vm5, vm10;
	vm6 =	vmand vm7, vm6  }
0x214: {  	vm5 =	vmor vm6, vm5  }
0x215: {  	v10 =	vmpcnt.ones.xlane vm5;
	(v2sf) =	vpush v6, $0x0  }
0x216: {  	(v2sf) =	vpush v7, $0x0  }
0x217: {  	(v2sf) =	vpush v10, $0x0;
	_ =	sdelay $0x7  }
0x218: {  	s3 =	sadd.s32 $0x820, s25  }
0x219: {  	v7 =	vsel vm0, s3, v9  }
0x21a: {  	v6 =	vsel vm3, v6, v7;
	_ =	sdelay $0x2  }
0x21b: {  	s3 =	spop (v2sf)  }
0x21c: {  	s4 =	spop (v2sf)  }
0x21d: {  	v7 =	vld.idx.msk [tilespmem:v6+s19+$0x0], $0xffff;
	s5 =	spop (v2sf)  }
0x21e: {  	p4 =	slt.s32 s25, $0x3E8;
	vm5 =	vmmov vm1;
	p2 =	seq.s32 s3, s4;
	p3 =	seq.s32 s5, $0x0  }
0x21f: {  	vm5 =	vmneg @p2 vm5;
	p3 =	por !p4, !p3  }
0x220: {  	s30 =	sadd.s32 $0x1, s30;
	vm6 =	vmmov vm1;
	v10 =	vmov s0;
	s3 =	simm.s32 $0x1;
	vm5 =	vmand vm5, vm2;
	p3 =	por !p3, !p3  }
0x221: {  	vm7 =	veq.s32 v10, v0;
	vm5 =	vmneg vm5;
	v11 =	vld.msk [tilespmem:s30+$0x0 ss:$0x0], $0xffff;
	vm6 =	vmneg @p3 vm6;
	s3 =	simm.s32 @!p3 $0x0  }
0x222: {  	vm5 =	vmand vm6, vm5;
	vm6 =	vmand vm7, vm6;
	s25 =	sadd.s32 s3, s25;
	s0 =	sadd.s32 s3, s0  }
0x223: {  	v10 =	vshrl.u32 v7, $0xC;
	v12 =	vand.u32 $0xFFF, v7;
	s3 =	sadd.s32 $0x1, s4;
	vm5 =	vmand vm5, vm4  }
0x224: {  	vm7 =	vgt.s32 v10, s3;
	vm8 =	vlt.s32 v12, v8;
	v5 =	vsel vm6, v9, v5  }
0x225: {  	v7 =	vand.u32 $0xFFFFF000, v7;
	v9 =	vnsel vm7, s3, v10;
	v10 =	vsel vm8, v12, v8  }
0x226: {  	v9 =	vshll.u32 v9, $0xC;
	v12 =	vpsel p2, v10, v12;
	v7 =	vor.u32 v7, v10  }
.Ltmp23:
0x227: {  	v4 =	vsel vm6, v8, v4;
	v9 =	vor.u32 v12, v9;
	v7 =	vsel vm0, v11, v7;
	(pc) =	sbr.rel @p1 .LBB2_40-.Ltmp23, $4  }
0x228: {  	v7 =	vsel vm3, v9, v7  }
0x229: {  	s31 =	sadd.s32 $0x1, s31;
	[tilespmem:v6+s19+$0x0] =	vst.idx.msk vm5, v7  }
0x22a: {  	s1 =	sadd.s32 $0x1, s1;
	v6 =	vld [tilespmem:s31+$0x0]  }
0x22b: {  	s24 =	sadd.s32 $0xFFFFFFFF, s24;
	v7 =	vld [tilespmem:s1+$0x0]  }
.Ltmp24:
0x22c: {  	_ = 	snop;
	(pc) =	sbr.rel .LBB2_41-.Ltmp24, $1  }
0x22d: {  	_ =	sdelay $0x3  }
.LBB2_39:
.Ltmp25:
0x22e: {  	(pc) =	sbr.rel .LBB2_41-.Ltmp25, $2  }
0x22f: {  	_ =	sdelay $0x2  }
0x230: {  	s30 =	simm.s32 $0xB180  }
.LBB2_43:
0x231: {  	s0 =	simm.s32 $0x40;
	s1 =	simm.s32 $0x0  }
.LBB2_44:
0x232: {  	p0 =	seq.s32 s0, $0xFC0;
	[tilespmem:s1+$0x8C00] =	vst v1;
	s1 =	smov.u32 s0;
	s0 =	sadd.s32 $0x40, s0  }
.Ltmp26:
0x233: {  	(pc) =	sbr.rel @!p0 .LBB2_44-.Ltmp26, $2  }
0x234: {  	_ =	sdelay $0x2  }
0x235: {  	s1 =	sshra.s32 s1, $0x2  }
0x236: {  	v4 =	vmov s25;
	s25 =	simm.s32 $0x0;
	v5 =	vor.u32 $0x820, v0  }
0x237: {  	v6 =	vadd.s32 s25, v5;
	_ =	sdelay $0x3  }
0x238: {  	[tilespmem:s1+$0x8C00] =	vst v1  }
0x239: {  	v7 =	vld.idx.msk [tilespmem:v6+s19+$0x0], $0xffff;
	_ =	sdelay $0x7  }
0x23a: {  	v6 =	vld.idx.msk [tilespmem:v7+s11+$0x0], $0xffff  }
0x23b: {  	v8 =	vld.idx.msk [tilespmem:v7+s12+$0x0], $0xffff;
	_ =	sdelay $0x4  }
0x23c: {  	v6 =	vshll.u32 v6, $0x15;
	v8 =	vshll.u32 v8, $0xA  }
0x23d: {  	v9 =	vor.u32 s25, v0;
	v6 =	vadd.s32 v6, v8  }
0x23e: {  	vm3 =	vlt.s32 v9, v4;
	v6 =	vadd.s32 v9, v6  }
0x23f: {  	v8 =	vnsel vm3, $0xFFFFFFFF, v6  }
0x240: {  	v6 =	vand.u32 $0xFF, v8  }
0x241: {  	(xrf1) =	vunique.msk.u32 $0xffff, v6;
	_ =	sdelay $0xb  }
0x242: {  	s0 =	simm.s32 $0x9D80  }
0x243: {  	s1 =	simm.s32 $0xA580;
	[tilespmem:s0+$0x0] =	vst v8  }
0x244: {  	[tilespmem:s1+$0x0] =	vst v7;
	_, v7, vm3 =	vpop (xrf1)  }
0x245: {  	s24 =	simm.s32 $0x10  }
0x246: {  	s26 =	simm.s32 $0x20;
	v8 =	vadd.s32 s24, v5  }
.LBB2_46:
0x247: {  	_ = 	snop  }
0x248: {  	s0 =	sadd.s32 $0x10, s0  }
0x249: {  	s1 =	sadd.s32 $0x10, s1;
	s3 =	smov.u32 s26;
	s4 =	sadd.s32 $0x10, s26  }
0x24a: {  	p0 =	sne.s32 s26, $0x3F0;
	[tilespmem:v6+s13+$0x0] =	vst.idx.add.s32.msk vm3, v7  }
0x24b: {  	v7 =	vld.idx.msk [tilespmem:v8+s19+$0x0], $0xffff;
	_ =	sdelay $0x7  }
0x24c: {  	v6 =	vld.idx.msk [tilespmem:v7+s11+$0x0], $0xffff  }
0x24d: {  	v8 =	vld.idx.msk [tilespmem:v7+s12+$0x0], $0xffff;
	_ =	sdelay $0x4  }
0x24e: {  	v6 =	vshll.u32 v6, $0x15  }
0x24f: {  	v9 =	vor.u32 s24, v0;
	s24 =	smov.u32 s3;
	v8 =	vshll.u32 v8, $0xA  }
0x250: {  	vm3 =	vlt.s32 v9, v4;
	v6 =	vadd.s32 v6, v8  }
0x251: {  	v6 =	vadd.s32 v9, v6  }
0x252: {  	v6 =	vnsel vm3, $0xFFFFFFFF, v6  }
0x253: {  	[tilespmem:s0+$0x0] =	vst v6;
	v6 =	vand.u32 $0xFF, v6  }
0x254: {  	[tilespmem:s1+$0x0] =	vst v7;
	(xrf1) =	vunique.msk.u32 $0xffff, v6;
	_ =	sdelay $0xb  }
.Ltmp27:
0x255: {  	(pc) =	sbr.rel @p0 .LBB2_46-.Ltmp27, $3  }
0x256: {  	_ = 	snop  }
0x257: {  	_, v7, vm3 =	vpop (xrf1);
	_ =	sdelay $0x1  }
0x258: {  	s26 =	smov.u32 s4;
	v8 =	vadd.s32 s24, v5  }
0x259: {  	_ =	sdelay $0x4  }
0x25a: {  	[tilespmem:v6+s13+$0x0] =	vst.idx.add.s32.msk vm3, v7  }
0x25b: {  	v5 =	vld.idx.msk [tilespmem:v8+s19+$0x0], $0xffff;
	_ =	sdelay $0x7  }
0x25c: {  	v6 =	vld.idx.msk [tilespmem:v5+s11+$0x0], $0xffff  }
0x25d: {  	v7 =	vld.idx.msk [tilespmem:v5+s12+$0x0], $0xffff;
	_ =	sdelay $0x4  }
0x25e: {  	v6 =	vshll.u32 v6, $0x15;
	v7 =	vshll.u32 v7, $0xA  }
0x25f: {  	v8 =	vor.u32 s24, v0;
	v6 =	vadd.s32 v6, v7  }
0x260: {  	vm3 =	vlt.s32 v8, v4;
	v6 =	vadd.s32 v8, v6  }
0x261: {  	v6 =	vnsel vm3, $0xFFFFFFFF, v6  }
0x262: {  	v7 =	vand.u32 $0xFF, v6  }
0x263: {  	(xrf1) =	vunique.msk.u32 $0xffff, v7;
	_ =	sdelay $0xd  }
0x264: {  	_, v8, vm3 =	vpop (xrf1);
	_ =	sdelay $0x2  }
0x265: {  	s0 =	sadd.s32 $0x10, s0  }
0x266: {  	s1 =	sadd.s32 $0x10, s1;
	[tilespmem:s0+$0x0] =	vst v6  }
0x267: {  	[tilespmem:s1+$0x0] =	vst v5  }
0x268: {  	s24 =	simm.s32 $0x0;
	[tilespmem:v7+s13+$0x0] =	vst.idx.add.s32.msk vm3, v8  }
0x269: {  	s0 =	simm.s32 $0x10;
	v6 =	vld [tilespmem:s24+$0x8C00]  }
0x26a: {  	v5 =	vld [tilespmem:s0+$0x8C00];
	_ =	sdelay $0x3  }
0x26b: {  	(xrf0) =	vadd.scan.msk.s32 $0xffff, v6  }
0x26c: {  	(xrf0) =	vadd.scan.msk.s32 $0xffff, v5;
	_ =	sdelay $0x4  }
0x26d: {  	s1 =	simm.s32 $0x20;
	v10, _, _ =	vpop (xrf0)  }
0x26e: {  	v8 =	vld [tilespmem:s1+$0x8C00];
	(v2sf) =	vpush v10, $0xF;
	v9, _, _ =	vpop (xrf0)  }
0x26f: {  	(v2sf) =	vpush v9, $0xF;
	_ =	sdelay $0x3  }
0x270: {  	s26 =	simm.s32 $0x30;
	(xrf0) =	vadd.scan.msk.s32 $0xffff, v8  }
0x271: {  	v7 =	vld [tilespmem:s26+$0x8C00];
	_ =	sdelay $0x3  }
0x272: {  	s28 =	simm.s32 $0x100  }
.LBB2_48:
0x273: {  	s3 =	sshra.s32 s28, $0x2;
	p0 =	sne.s32 s28, $0x3C0;
	s28 =	sadd.s32 $0x40, s28;
	(xrf0) =	vadd.scan.msk.s32 $0xffff, v7;
	v11, _, _ =	vpop (xrf0);
	v12 =	vsub.s32 s25, v6;
	v6 =	vmov v5;
	v5 =	vmov v8  }
.Ltmp28:
0x274: {  	v8 =	vmovc v7;
	(v2sf) =	vpush v11, $0xF;
	v12 =	vadd.s32 v10, v12;
	v10 =	vmovc v9;
	v9 =	vmov v11;
	v7 =	vld [tilespmem:s3+$0x8C00];
	(pc) =	sbr.rel @p0 .LBB2_48-.Ltmp28, $4  }
0x275: {  	[tilespmem:s24+$0x9000] =	vst v12;
	s24 =	smov.u32 s0;
	s0 =	smov.u32 s1;
	s1 =	smov.u32 s26  }
0x276: {  	s26 =	smov.u32 s3  }
0x277: {  	s3 =	spop (v2sf)  }
0x278: {  	s25 =	sadd.s32 s25, s3  }
0x279: {  	v11, _, _ =	vpop (xrf0)  }
0x27a: {  	(xrf0) =	vadd.scan.msk.s32 $0xffff, v7;
	(v2sf) =	vpush v11, $0xF;
	_ =	sdelay $0x5  }
0x27b: {  	v12, _, _ =	vpop (xrf0)  }
0x27c: {  	(v2sf) =	vpush v12, $0xF;
	_ =	sdelay $0x5  }
0x27d: {  	s3 =	spop (v2sf)  }
0x27e: {  	v6 =	vsub.s32 s25, v6;
	s3 =	sadd.s32 s25, s3;
	s4 =	spop (v2sf)  }
0x27f: {  	v6 =	vadd.s32 v10, v6;
	v5 =	vsub.s32 s3, v5;
	s3 =	sadd.s32 s3, s4;
	s29 =	spop (v2sf)  }
0x280: {  	[tilespmem:s24+$0x9000] =	vst v6;
	v5 =	vadd.s32 v9, v5;
	v6 =	vsub.s32 s3, v8;
	s3 =	sadd.s32 s3, s29  }
0x281: {  	[tilespmem:s0+$0x9000] =	vst v5;
	v5 =	vadd.s32 v11, v6;
	v6 =	vsub.s32 s3, v7  }
0x282: {  	[tilespmem:s1+$0x9000] =	vst v5;
	v5 =	vadd.s32 v12, v6  }
0x283: {  	s30 =	simm.s32 $0x0;
	[tilespmem:s26+$0x9000] =	vst v5  }
0x284: {  	v5 =	vld [tilespmem:s30+$0x9D80];
	_ =	sdelay $0x1  }
0x285: {  	s25 =	simm.s32 $0x0;
	s1 =	simm.s32 $0x40;
	v6 =	vld [tilespmem:s30+$0xA580];
	s31 =	spop (v2sf)  }
.LBB2_50:
0x286: {  	p0 =	sne.s32 s1, $0xFC0;
	_ =	sdelay $0x1  }
0x287: {  	v7 =	vand.u32 $0xFF, v5  }
0x288: {  	(xrf1) =	vunique.msk.u32 $0xffff, v7;
	_ =	sdelay $0x1  }
0x289: {  	v8 =	vshrl.u32 v5, $0x8  }
0x28a: {  	v8 =	vand.u32 $0xFF, v8  }
0x28b: {  	(xrf1) =	vunique.msk.u32 $0xffff, v8;
	_ =	sdelay $0x3  }
0x28c: {  	s0 =	simm.s32 $0x9000  }
0x28d: {  	v9 =	vld.idx.msk [tilespmem:v7+s0+$0x0], $0xffff;
	_ =	sdelay $0x4  }
0x28e: {  	_, v10, vm3 =	vpop (xrf1)  }
0x28f: {  	v9 =	vadd.s32 v10, v9  }
0x290: {  	v9 =	vadd.s32 $0xFFFFFFFF, v9;
	_ =	sdelay $0x1  }
0x291: {  	_, v11, vm4 =	vpop (xrf1)  }
0x292: {  	v8 =	vor.u32 $0x100, v8;
	_ =	sdelay $0x1  }
0x293: {  	[tilespmem:v9+s20+$0x0] =	vst.idx.msk $0xffff, v5  }
0x294: {  	[tilespmem:v9+s21+$0x0] =	vst.idx.msk $0xffff, v6  }
.Ltmp29:
0x295: {  	[tilespmem:v7+s0+$0x0] =	vst.idx.add.s32.msk vm3, v10;
	(pc) =	sbr.rel @p0 .LBB2_50-.Ltmp29, $4  }
0x296: {  	s3 =	sshra.s32 s1, $0x2;
	[tilespmem:v8+s13+$0x0] =	vst.idx.add.s32.msk vm4, v11  }
0x297: {  	v5 =	vld [tilespmem:s3+$0x9D80]  }
0x298: {  	v6 =	vld [tilespmem:s3+$0xA580]  }
0x299: {  	s1 =	sadd.s32 $0x40, s1  }
0x29a: {  	_ =	sdelay $0x1  }
0x29b: {  	v7 =	vand.u32 $0xFF, v5  }
0x29c: {  	(xrf1) =	vunique.msk.u32 $0xffff, v7;
	_ =	sdelay $0x1  }
0x29d: {  	v8 =	vshrl.u32 v5, $0x8  }
0x29e: {  	v8 =	vand.u32 $0xFF, v8  }
0x29f: {  	(xrf1) =	vunique.msk.u32 $0xffff, v8;
	_ =	sdelay $0x5  }
0x2a0: {  	v9 =	vld.idx.msk [tilespmem:v7+s0+$0x0], $0xffff;
	_ =	sdelay $0x3  }
0x2a1: {  	_, v10, vm3 =	vpop (xrf1)  }
0x2a2: {  	v9 =	vadd.s32 v10, v9  }
0x2a3: {  	v9 =	vadd.s32 $0xFFFFFFFF, v9;
	_ =	sdelay $0x1  }
0x2a4: {  	_, v11, vm4 =	vpop (xrf1)  }
0x2a5: {  	v8 =	vor.u32 $0x100, v8;
	_ =	sdelay $0x1  }
0x2a6: {  	[tilespmem:v9+s20+$0x0] =	vst.idx.msk $0xffff, v5  }
0x2a7: {  	[tilespmem:v9+s21+$0x0] =	vst.idx.msk $0xffff, v6  }
0x2a8: {  	[tilespmem:v7+s0+$0x0] =	vst.idx.add.s32.msk vm3, v10  }
0x2a9: {  	s1 =	sand.u32 $0xF0, s25;
	[tilespmem:v8+s13+$0x0] =	vst.idx.add.s32.msk vm4, v11  }
0x2aa: {  	v5 =	vld [tilespmem:s1+$0x8D00];
	_ =	sdelay $0x4  }
0x2ab: {  	(xrf0) =	vadd.scan.msk.s32 $0xffff, v5;
	_ =	sdelay $0x5  }
0x2ac: {  	v6, _, _ =	vpop (xrf0)  }
0x2ad: {  	(v2sf) =	vpush v6, $0xF  }
0x2ae: {  	v5 =	vsub.s32 s25, v5  }
0x2af: {  	s31 =	simm.s32 $0x10;
	v5 =	vadd.s32 v6, v5  }
0x2b0: {  	s24 =	sand.u32 $0xF0, s31;
	s1 =	simm.s32 $0x20;
	[tilespmem:s0+$0x0] =	vst v5  }
.LBB2_52:
0x2b1: {  	p0 =	sne.s32 s1, $0xF0;
	v5 =	vld [tilespmem:s24+$0x8D00];
	_ =	sdelay $0x4  }
0x2b2: {  	(xrf0) =	vadd.scan.msk.s32 $0xffff, v5;
	_ =	sdelay $0x5  }
.Ltmp30:
0x2b3: {  	v6, _, _ =	vpop (xrf0);
	s3 =	spop (v2sf);
	(pc) =	sbr.rel @p0 .LBB2_52-.Ltmp30, $4  }
0x2b4: {  	(v2sf) =	vpush v6, $0xF;
	s25 =	sadd.s32 s25, s3  }
0x2b5: {  	v5 =	vsub.s32 s25, v5  }
0x2b6: {  	s0 =	sadd.s32 $0x10, s0;
	v5 =	vadd.s32 v6, v5  }
0x2b7: {  	s24 =	sand.u32 $0xF0, s1;
	s1 =	sadd.s32 $0x10, s1;
	[tilespmem:s0+$0x0] =	vst v5  }
0x2b8: {  	v5 =	vld [tilespmem:s24+$0x8D00];
	_ =	sdelay $0x4  }
0x2b9: {  	(xrf0) =	vadd.scan.msk.s32 $0xffff, v5;
	_ =	sdelay $0x5  }
0x2ba: {  	v6, _, _ =	vpop (xrf0)  }
0x2bb: {  	(v2sf) =	vpush v6, $0xF;
	_ =	sdelay $0x7  }
0x2bc: {  	s1 =	spop (v2sf)  }
0x2bd: {  	s1 =	sadd.s32 s25, s1  }
0x2be: {  	v5 =	vsub.s32 s1, v5  }
0x2bf: {  	s0 =	sadd.s32 $0x10, s0;
	v5 =	vadd.s32 v6, v5  }
0x2c0: {  	s30 =	simm.s32 $0x0;
	[tilespmem:s0+$0x0] =	vst v5  }
0x2c1: {  	v5 =	vld [tilespmem:s30+$0xA180];
	_ =	sdelay $0x1  }
0x2c2: {  	s25 =	simm.s32 $0x0;
	s1 =	simm.s32 $0x40;
	v6 =	vld [tilespmem:s30+$0xA980];
	s31 =	spop (v2sf)  }
.LBB2_54:
0x2c3: {  	p0 =	sne.s32 s1, $0xFC0;
	_ =	sdelay $0x1  }
0x2c4: {  	v7 =	vshrl.u32 v5, $0x8  }
0x2c5: {  	v7 =	vand.u32 $0xFF, v7  }
0x2c6: {  	(xrf1) =	vunique.msk.u32 $0xffff, v7;
	_ =	sdelay $0x1  }
0x2c7: {  	v8 =	vshrl.u32 v5, $0x10  }
0x2c8: {  	v8 =	vand.u32 $0xFF, v8  }
0x2c9: {  	(xrf1) =	vunique.msk.u32 $0xffff, v8;
	_ =	sdelay $0x3  }
0x2ca: {  	s0 =	simm.s32 $0x9000  }
0x2cb: {  	v9 =	vld.idx.msk [tilespmem:v7+s0+$0x0], $0xffff;
	_ =	sdelay $0x4  }
0x2cc: {  	_, v10, vm3 =	vpop (xrf1)  }
0x2cd: {  	v9 =	vadd.s32 v10, v9  }
0x2ce: {  	v9 =	vadd.s32 $0xFFFFFFFF, v9;
	_ =	sdelay $0x1  }
0x2cf: {  	_, v11, vm4 =	vpop (xrf1)  }
0x2d0: {  	v8 =	vor.u32 $0x200, v8;
	_ =	sdelay $0x1  }
0x2d1: {  	[tilespmem:v9+s22+$0x0] =	vst.idx.msk $0xffff, v5  }
0x2d2: {  	[tilespmem:v9+s23+$0x0] =	vst.idx.msk $0xffff, v6  }
.Ltmp31:
0x2d3: {  	[tilespmem:v7+s0+$0x0] =	vst.idx.add.s32.msk vm3, v10;
	(pc) =	sbr.rel @p0 .LBB2_54-.Ltmp31, $4  }
0x2d4: {  	s3 =	sshra.s32 s1, $0x2;
	[tilespmem:v8+s13+$0x0] =	vst.idx.add.s32.msk vm4, v11  }
0x2d5: {  	v5 =	vld [tilespmem:s3+$0xA180]  }
0x2d6: {  	v6 =	vld [tilespmem:s3+$0xA980]  }
0x2d7: {  	s1 =	sadd.s32 $0x40, s1  }
0x2d8: {  	_ =	sdelay $0x1  }
0x2d9: {  	v7 =	vshrl.u32 v5, $0x8  }
0x2da: {  	v7 =	vand.u32 $0xFF, v7  }
0x2db: {  	(xrf1) =	vunique.msk.u32 $0xffff, v7;
	_ =	sdelay $0x1  }
0x2dc: {  	v8 =	vshrl.u32 v5, $0x10  }
0x2dd: {  	v8 =	vand.u32 $0xFF, v8  }
0x2de: {  	(xrf1) =	vunique.msk.u32 $0xffff, v8;
	_ =	sdelay $0x5  }
0x2df: {  	v9 =	vld.idx.msk [tilespmem:v7+s0+$0x0], $0xffff;
	_ =	sdelay $0x3  }
0x2e0: {  	_, v10, vm3 =	vpop (xrf1)  }
0x2e1: {  	v9 =	vadd.s32 v10, v9  }
0x2e2: {  	v9 =	vadd.s32 $0xFFFFFFFF, v9;
	_ =	sdelay $0x1  }
0x2e3: {  	_, v11, vm4 =	vpop (xrf1)  }
0x2e4: {  	v8 =	vor.u32 $0x200, v8;
	_ =	sdelay $0x1  }
0x2e5: {  	[tilespmem:v9+s22+$0x0] =	vst.idx.msk $0xffff, v5  }
0x2e6: {  	[tilespmem:v9+s23+$0x0] =	vst.idx.msk $0xffff, v6  }
0x2e7: {  	[tilespmem:v7+s0+$0x0] =	vst.idx.add.s32.msk vm3, v10  }
0x2e8: {  	s1 =	sand.u32 $0xF0, s25;
	[tilespmem:v8+s13+$0x0] =	vst.idx.add.s32.msk vm4, v11  }
0x2e9: {  	v5 =	vld [tilespmem:s1+$0x8E00];
	_ =	sdelay $0x4  }
0x2ea: {  	(xrf0) =	vadd.scan.msk.s32 $0xffff, v5;
	_ =	sdelay $0x5  }
0x2eb: {  	v6, _, _ =	vpop (xrf0)  }
0x2ec: {  	(v2sf) =	vpush v6, $0xF  }
0x2ed: {  	v5 =	vsub.s32 s25, v5  }
0x2ee: {  	s31 =	simm.s32 $0x10;
	v5 =	vadd.s32 v6, v5  }
0x2ef: {  	s24 =	sand.u32 $0xF0, s31;
	s1 =	simm.s32 $0x20;
	[tilespmem:s0+$0x0] =	vst v5  }
.LBB2_56:
0x2f0: {  	p0 =	sne.s32 s1, $0xF0;
	v5 =	vld [tilespmem:s24+$0x8E00];
	_ =	sdelay $0x4  }
0x2f1: {  	(xrf0) =	vadd.scan.msk.s32 $0xffff, v5;
	_ =	sdelay $0x5  }
.Ltmp32:
0x2f2: {  	v6, _, _ =	vpop (xrf0);
	s3 =	spop (v2sf);
	(pc) =	sbr.rel @p0 .LBB2_56-.Ltmp32, $4  }
0x2f3: {  	(v2sf) =	vpush v6, $0xF;
	s25 =	sadd.s32 s25, s3  }
0x2f4: {  	v5 =	vsub.s32 s25, v5  }
0x2f5: {  	s0 =	sadd.s32 $0x10, s0;
	v5 =	vadd.s32 v6, v5  }
0x2f6: {  	s24 =	sand.u32 $0xF0, s1;
	s1 =	sadd.s32 $0x10, s1;
	[tilespmem:s0+$0x0] =	vst v5  }
0x2f7: {  	v5 =	vld [tilespmem:s24+$0x8E00];
	_ =	sdelay $0x4  }
0x2f8: {  	(xrf0) =	vadd.scan.msk.s32 $0xffff, v5;
	_ =	sdelay $0x5  }
0x2f9: {  	v6, _, _ =	vpop (xrf0)  }
0x2fa: {  	(v2sf) =	vpush v6, $0xF;
	_ =	sdelay $0x7  }
0x2fb: {  	s1 =	spop (v2sf)  }
0x2fc: {  	s1 =	sadd.s32 s25, s1  }
0x2fd: {  	v5 =	vsub.s32 s1, v5  }
0x2fe: {  	s0 =	sadd.s32 $0x10, s0;
	v5 =	vadd.s32 v6, v5  }
0x2ff: {  	s30 =	simm.s32 $0x0;
	[tilespmem:s0+$0x0] =	vst v5  }
0x300: {  	v5 =	vld [tilespmem:s30+$0x9D80];
	_ =	sdelay $0x1  }
0x301: {  	s25 =	simm.s32 $0x0;
	s1 =	simm.s32 $0x40;
	v6 =	vld [tilespmem:s30+$0xA580];
	s31 =	spop (v2sf)  }
.LBB2_58:
0x302: {  	p0 =	sne.s32 s1, $0xFC0;
	_ =	sdelay $0x1  }
0x303: {  	v7 =	vshrl.u32 v5, $0x10  }
0x304: {  	v7 =	vand.u32 $0xFF, v7  }
0x305: {  	(xrf1) =	vunique.msk.u32 $0xffff, v7;
	_ =	sdelay $0x2  }
0x306: {  	v8 =	vshrl.u32 v5, $0x18  }
0x307: {  	(xrf1) =	vunique.msk.u32 $0xffff, v8;
	_ =	sdelay $0x3  }
0x308: {  	s0 =	simm.s32 $0x9000  }
0x309: {  	v9 =	vld.idx.msk [tilespmem:v7+s0+$0x0], $0xffff;
	_ =	sdelay $0x4  }
0x30a: {  	_, v10, vm3 =	vpop (xrf1)  }
0x30b: {  	v9 =	vadd.s32 v10, v9  }
0x30c: {  	v9 =	vadd.s32 $0xFFFFFFFF, v9;
	_ =	sdelay $0x1  }
0x30d: {  	_, v11, vm4 =	vpop (xrf1)  }
0x30e: {  	v8 =	vor.u32 $0x300, v8;
	_ =	sdelay $0x1  }
0x30f: {  	[tilespmem:v9+s20+$0x0] =	vst.idx.msk $0xffff, v5  }
0x310: {  	[tilespmem:v9+s21+$0x0] =	vst.idx.msk $0xffff, v6  }
.Ltmp33:
0x311: {  	[tilespmem:v7+s0+$0x0] =	vst.idx.add.s32.msk vm3, v10;
	(pc) =	sbr.rel @p0 .LBB2_58-.Ltmp33, $4  }
0x312: {  	s3 =	sshra.s32 s1, $0x2;
	[tilespmem:v8+s13+$0x0] =	vst.idx.add.s32.msk vm4, v11  }
0x313: {  	v5 =	vld [tilespmem:s3+$0x9D80]  }
0x314: {  	v6 =	vld [tilespmem:s3+$0xA580]  }
0x315: {  	s1 =	sadd.s32 $0x40, s1  }
0x316: {  	_ =	sdelay $0x1  }
0x317: {  	v7 =	vshrl.u32 v5, $0x10  }
0x318: {  	v7 =	vand.u32 $0xFF, v7  }
0x319: {  	(xrf1) =	vunique.msk.u32 $0xffff, v7;
	_ =	sdelay $0x2  }
0x31a: {  	v8 =	vshrl.u32 v5, $0x18  }
0x31b: {  	(xrf1) =	vunique.msk.u32 $0xffff, v8;
	_ =	sdelay $0x5  }
0x31c: {  	v9 =	vld.idx.msk [tilespmem:v7+s0+$0x0], $0xffff;
	_ =	sdelay $0x3  }
0x31d: {  	_, v10, vm3 =	vpop (xrf1)  }
0x31e: {  	v9 =	vadd.s32 v10, v9  }
0x31f: {  	v9 =	vadd.s32 $0xFFFFFFFF, v9;
	_ =	sdelay $0x1  }
0x320: {  	_, v11, vm4 =	vpop (xrf1)  }
0x321: {  	v8 =	vor.u32 $0x300, v8;
	_ =	sdelay $0x1  }
0x322: {  	[tilespmem:v9+s20+$0x0] =	vst.idx.msk $0xffff, v5  }
0x323: {  	[tilespmem:v9+s21+$0x0] =	vst.idx.msk $0xffff, v6  }
0x324: {  	[tilespmem:v7+s0+$0x0] =	vst.idx.add.s32.msk vm3, v10  }
0x325: {  	s1 =	sand.u32 $0xF0, s25;
	[tilespmem:v8+s13+$0x0] =	vst.idx.add.s32.msk vm4, v11  }
0x326: {  	v5 =	vld [tilespmem:s1+$0x8F00];
	_ =	sdelay $0x4  }
0x327: {  	(xrf0) =	vadd.scan.msk.s32 $0xffff, v5;
	_ =	sdelay $0x5  }
0x328: {  	v6, _, _ =	vpop (xrf0)  }
0x329: {  	(v2sf) =	vpush v6, $0xF  }
0x32a: {  	v5 =	vsub.s32 s25, v5  }
0x32b: {  	s31 =	simm.s32 $0x10;
	v5 =	vadd.s32 v6, v5  }
0x32c: {  	s24 =	sand.u32 $0xF0, s31;
	s1 =	simm.s32 $0x20;
	[tilespmem:s0+$0x0] =	vst v5  }
.LBB2_60:
0x32d: {  	p0 =	sne.s32 s1, $0xF0;
	v5 =	vld [tilespmem:s24+$0x8F00];
	_ =	sdelay $0x4  }
0x32e: {  	(xrf0) =	vadd.scan.msk.s32 $0xffff, v5;
	_ =	sdelay $0x5  }
.Ltmp34:
0x32f: {  	v6, _, _ =	vpop (xrf0);
	s3 =	spop (v2sf);
	(pc) =	sbr.rel @p0 .LBB2_60-.Ltmp34, $4  }
0x330: {  	(v2sf) =	vpush v6, $0xF;
	s25 =	sadd.s32 s25, s3  }
0x331: {  	v5 =	vsub.s32 s25, v5  }
0x332: {  	s0 =	sadd.s32 $0x10, s0;
	v5 =	vadd.s32 v6, v5  }
0x333: {  	s24 =	sand.u32 $0xF0, s1;
	s1 =	sadd.s32 $0x10, s1;
	[tilespmem:s0+$0x0] =	vst v5  }
0x334: {  	v5 =	vld [tilespmem:s24+$0x8F00];
	_ =	sdelay $0x4  }
0x335: {  	(xrf0) =	vadd.scan.msk.s32 $0xffff, v5;
	_ =	sdelay $0x5  }
0x336: {  	v6, _, _ =	vpop (xrf0)  }
0x337: {  	(v2sf) =	vpush v6, $0xF;
	_ =	sdelay $0x8  }
0x338: {  	s1 =	spop (v2sf)  }
0x339: {  	s1 =	sadd.s32 s25, s1  }
0x33a: {  	v5 =	vsub.s32 s1, v5  }
0x33b: {  	s0 =	sadd.s32 $0x10, s0;
	v5 =	vadd.s32 v6, v5  }
0x33c: {  	s30 =	simm.s32 $0x0;
	[tilespmem:s0+$0x0] =	vst v5  }
0x33d: {  	v5 =	vld [tilespmem:s30+$0xA180]  }
0x33e: {  	s0 =	simm.s32 $0x40;
	v6 =	vld [tilespmem:s30+$0xA980];
	s31 =	spop (v2sf)  }
.LBB2_62:
0x33f: {  	p0 =	sne.s32 s0, $0xFC0;
	_ =	sdelay $0x2  }
0x340: {  	v7 =	vshrl.u32 v5, $0x18  }
0x341: {  	(xrf1) =	vunique.msk.u32 $0xffff, v7;
	_ =	sdelay $0x8  }
0x342: {  	v8 =	vld.idx.msk [tilespmem:v7+s18+$0x0], $0xffff;
	_ =	sdelay $0x4  }
0x343: {  	_, v9, vm3 =	vpop (xrf1)  }
0x344: {  	v8 =	vadd.s32 v9, v8  }
0x345: {  	v8 =	vadd.s32 $0xFFFFFFFF, v8;
	_ =	sdelay $0x4  }
.Ltmp35:
0x346: {  	[tilespmem:v8+s22+$0x0] =	vst.idx.msk $0xffff, v5;
	(pc) =	sbr.rel @p0 .LBB2_62-.Ltmp35, $4  }
0x347: {  	[tilespmem:v8+s23+$0x0] =	vst.idx.msk $0xffff, v6  }
0x348: {  	s1 =	sshra.s32 s0, $0x2;
	[tilespmem:v7+s18+$0x0] =	vst.idx.add.s32.msk vm3, v9  }
0x349: {  	v5 =	vld [tilespmem:s1+$0xA180]  }
0x34a: {  	s0 =	sadd.s32 $0x40, s0;
	v6 =	vld [tilespmem:s1+$0xA980]  }
0x34b: {  	_ =	sdelay $0x2  }
0x34c: {  	v7 =	vshrl.u32 v5, $0x18  }
0x34d: {  	(xrf1) =	vunique.msk.u32 $0xffff, v7;
	_ =	sdelay $0x9  }
0x34e: {  	v8 =	vld.idx.msk [tilespmem:v7+s18+$0x0], $0xffff;
	_ =	sdelay $0x3  }
0x34f: {  	_, v9, vm3 =	vpop (xrf1)  }
0x350: {  	v8 =	vadd.s32 v9, v8  }
0x351: {  	v8 =	vadd.s32 $0xFFFFFFFF, v8;
	_ =	sdelay $0x4  }
0x352: {  	[tilespmem:v8+s22+$0x0] =	vst.idx.msk $0xffff, v5  }
0x353: {  	[tilespmem:v8+s23+$0x0] =	vst.idx.msk $0xffff, v6  }
0x354: {  	[tilespmem:v7+s18+$0x0] =	vst.idx.add.s32.msk vm3, v9  }
0x355: {  	s0 =	simm.s32 $0xA580;
	v5 =	vld.msk [tilespmem:$0xA580 ss:$0x0], $0xffff  }
0x356: {  	v6 =	vld [tilespmem:s0+$0x0];
	_ =	sdelay $0x1  }
0x357: {  	s31 =	simm.s32 $0x0  }
0x358: {  	v7 =	vor.u32 s31, v0  }
0x359: {  	vm3 =	vlt.s32 v7, v4  }
0x35a: {  	s0 =	simm.s32 $0xAD80;
	v6 =	vsel vm3, v6, v5  }
0x35b: {  	s1 =	simm.s32 $0xA590;
	[tilespmem:s0+$0x0] =	vst v6  }
0x35c: {  	s24 =	simm.s32 $0x10;
	s25 =	simm.s32 $0x20;
	v6 =	vld [tilespmem:s1+$0x0]  }
.LBB2_64:
0x35d: {  	p0 =	sne.s32 s25, $0x3F0;
	_ =	sdelay $0x1  }
.Ltmp36:
0x35e: {  	v7 =	vor.u32 s24, v0;
	s24 =	smov.u32 s25;
	(pc) =	sbr.rel @p0 .LBB2_64-.Ltmp36, $4  }
0x35f: {  	vm3 =	vlt.s32 v7, v4  }
0x360: {  	s0 =	sadd.s32 $0x10, s0;
	v6 =	vsel vm3, v6, v5  }
0x361: {  	s1 =	sadd.s32 $0x10, s1;
	[tilespmem:s0+$0x0] =	vst v6  }
0x362: {  	s25 =	sadd.s32 $0x10, s25;
	v6 =	vld [tilespmem:s1+$0x0]  }
0x363: {  	_ =	sdelay $0x1  }
0x364: {  	v7 =	vor.u32 s24, v0  }
0x365: {  	vm3 =	vlt.s32 v7, v4  }
0x366: {  	s0 =	sadd.s32 $0x10, s0;
	s2 =	sadd.s32 $0x1, s2;
	v4 =	vsel vm3, v6, v5  }
0x367: {  	s31 =	rddreg [dreg:$0x7];
	s1 =	simm.s32 $0xAD80;
	p0 =	sne.s32 s2, s7;
	[tilespmem:s0+$0x0] =	vst v4  }
0x368: {  	[hbm4b:s31+s8] =	stream.strided.scatter [tilespmem:s1], [sflag:$0x1], $0x400, s9, s8, $0x38;
	[tilespmem:$0xB300] =	vst v63  }
.Ltmp37:
0x369: {  	_ = 	snop;
	(pc) =	sbr.rel @p0 .LBB2_2-.Ltmp37, $4  }
.Ltmp38:
0x36a: {  	_ = 	snop;
	(pc) =	sbr.rel @!p0 .LBB2_66-.Ltmp38, $4  }
0x36b: {  	_ =	swait.ge [sflag:s10], $0x400  }
0x36c: {  	[sflag:s10] =	ssyncset.done $0x0  }
0x36d: {  	[sflag:s10] =	ssyncadd.s32 $0xFFFFFC00  }
0x36e: {  	_ = 	snop  }
.LBB2_7:
.Ltmp39:
0x36f: {  	_ = 	snop;
	(pc) =	sbr.rel .LBB2_16-.Ltmp39, $2  }
0x370: {  	_ =	sdelay $0x2  }
0x371: {  	s0 =	simm.s32 $0x0;
	s29 =	simm.s32 $0x0;
	v4 =	vmov v6  }
.LBB2_9:
.Ltmp40:
0x372: {  	(pc) =	sbr.rel .LBB2_16-.Ltmp40, $2  }
0x373: {  	_ =	sdelay $0x2  }
0x374: {  	v4 =	vmov v5;
	v5 =	vmov v6;
	s0 =	simm.s32 $0x0;
	s1 =	simm.s32 $0x0  }
.LBB2_11:
.Ltmp41:
0x375: {  	(pc) =	sbr.rel .LBB2_16-.Ltmp41, $3  }
0x376: {  	_ =	sdelay $0x1  }
0x377: {  	s0 =	simm.s32 $0x0  }
0x378: {  	v4 =	vmov v11;
	v12 =	vmov v6;
	v8 =	vmov v7;
	s30 =	simm.s32 $0x0;
	s1 =	simm.s32 $0x10;
	s29 =	simm.s32 $0x20  }
.LBB2_13:
.Ltmp42:
0x379: {  	(pc) =	sbr.rel .LBB2_16-.Ltmp42, $3  }
0x37a: {  	_ =	sdelay $0x1  }
0x37b: {  	s0 =	simm.s32 $0x0  }
0x37c: {  	v12 =	vmovc v5;
	v9 =	vmov v6;
	v5 =	vmov v11;
	v10 =	vmov v7;
	s24 =	simm.s32 $0x0;
	s30 =	simm.s32 $0x10;
	s29 =	simm.s32 $0x30  }
.LBB2_66:
0x37d: {  	_ =	sfence.sel $0x180000  }
0x37e: {  	[bflag:$0x0] =	sbarrier.arrive $0xFFFF  }
0x37f: {  	_ =	strace $0x90000047  }
0x380: {  	s0 =	stileid.u32;
	[bflag:$0x2] =	sbarrier.arrive $0xFFFF  }
0x381: {  	p0 =	sne.s32 s0, $0x0;
	s0 =	rddreg [dreg:$0x4]  }
0x382: {  	s0 =	sadd.s32 @!p0 $0x100000, s0  }
0x383: {  	[sflag:s0] =	ssyncadd.tile.s32 @!p0 $0x1;
	_ =	shalt  }
.Lfunc_end2:
_tile_overlayer_lowered:
.L_overlay_start_2:
0x384: {  	(tag) =	ssettag $0x2  }
0x385: {  	s0 =	rddreg [dreg:$0x0];
	s2 =	stileid.u32  }
0x386: {  	s1 =	rddreg [dreg:$0x1];
	p0 =	sne.s32 s2, $0x0  }
0x387: {  	s3 =	rddreg [dreg:$0x2];
	[bflag:$0x3] =	sbarrier.arrive $0xFFFF;
	s2 =	simm.s32 @!p0 $0x1C01  }
0x388: {  	[timem:s3], [sflag:s2] =	dma.local @!p0 [hbm:s0], s1  }
0x389: {  	s0 =	simm.s32 @!p0 $0x1  }
0x38a: {  	_ =	swait.ge @!p0 [sflag:s0], s1  }
0x38b: {  	s1 =	ssub.s32 @!p0 $0x0, s1;
	[sflag:s0] =	ssyncset.done @!p0 $0x0  }
0x38c: {  	[sflag:s0] =	ssyncadd.s32 @!p0 s1  }
0x38d: {  	[bflag:$0x3] =	sbarrier.arrive $0xFFFF  }
0x38e: {  	_ =	shalt  }

</sc_bundles>
